<compile_context>
chip_gen: v7x
topology: tpu7x:2x2x1
jax: 0.10.2.dev20260603
libtpu: 0.0.44.dev20260713+nightly
codegen_flags: <defaults>
</compile_context>

<pallas_src>
import functools

import jax
import jax.numpy as jnp
from jax import lax
from jax.experimental import pallas as pl
from jax.experimental.pallas import tpu as pltpu
from jax.experimental.pallas import tpu_sc as plsc

N = 10000
E = 320000
D_IN = 128
H = 256
OUT = 16

NC = 2
NS = 16
NQ = 4
Q = H // NQ
NP = 10240
RPS = NP // NS
CHUNK = 128
EP = 327680



def _dense_prologue(x, W_enc, b_enc, W1, b1, W_gcn):
    R = 1000

    def body(x_ref, we_ref, be_ref, w1_ref, b1_ref, wg_ref, out_ref):
        h = jnp.dot(x_ref[...], we_ref[...], preferred_element_type=jnp.float32)
        h = h + be_ref[...]
        h = jax.nn.relu(jnp.dot(h, w1_ref[...], preferred_element_type=jnp.float32) + b1_ref[...])
        out_ref[...] = jnp.dot(h, wg_ref[...], preferred_element_type=jnp.float32)

    return pl.pallas_call(
        body,
        grid=(N // R,),
        in_specs=[
            pl.BlockSpec((R, D_IN), lambda i: (i, 0)),
            pl.BlockSpec((D_IN, H), lambda i: (0, 0)),
            pl.BlockSpec((1, H), lambda i: (0, 0)),
            pl.BlockSpec((H, H), lambda i: (0, 0)),
            pl.BlockSpec((1, H), lambda i: (0, 0)),
            pl.BlockSpec((H, H), lambda i: (0, 0)),
        ],
        out_specs=pl.BlockSpec((R, H), lambda i: (i, 0)),
        out_shape=jax.ShapeDtypeStruct((N, H), jnp.float32),
    )(x, W_enc, b_enc.reshape(1, H), W1, b1.reshape(1, H), W_gcn)


def _scale_rows(p, xw):
    R = 1000
    nb = N // R

    def body(p0_ref, p1_ref, xw_ref, out_ref):
        deg = p0_ref[0, :, 0:1] + p1_ref[0, :, 0:1] + 1.0
        y = lax.rsqrt(deg) * xw_ref[...]
        for q in range(NQ):
            out_ref[q] = y[:, q * Q:(q + 1) * Q]

    return pl.pallas_call(
        body,
        grid=(nb,),
        in_specs=[
            pl.BlockSpec((1, R, 16), lambda i: (0, i, 0)),
            pl.BlockSpec((1, R, 16), lambda i: (1, i, 0)),
            pl.BlockSpec((R, H), lambda i: (i, 0)),
        ],
        out_specs=pl.BlockSpec((NQ, R, Q), lambda i: (0, i, 0)),
        out_shape=jax.ShapeDtypeStruct((NQ, N, Q), jnp.float32),
    )(p, p, xw)


def _epilogue(S, y, p, b_gcn, W_cat, b_cat):
    R = 1000
    nb = N // R

    def body(s_ref, y_ref, p0_ref, p1_ref, bg_ref, wc_ref, bc_ref, out_ref):
        deg = p0_ref[0, :, 0:1] + p1_ref[0, :, 0:1] + 1.0
        dinv = lax.rsqrt(deg)
        a = jnp.concatenate(
            [s_ref[q] + y_ref[q] for q in range(NQ)], axis=1)
        f = jax.nn.relu(dinv * a + bg_ref[...])
        out_ref[...] = jnp.dot(f, wc_ref[...], preferred_element_type=jnp.float32) + bc_ref[...]

    return pl.pallas_call(
        body,
        grid=(nb,),
        in_specs=[
            pl.BlockSpec((NQ, R, Q), lambda i: (0, i, 0)),
            pl.BlockSpec((NQ, R, Q), lambda i: (0, i, 0)),
            pl.BlockSpec((1, R, 16), lambda i: (0, i, 0)),
            pl.BlockSpec((1, R, 16), lambda i: (1, i, 0)),
            pl.BlockSpec((1, H), lambda i: (0, 0)),
            pl.BlockSpec((H, OUT + 1), lambda i: (0, 0)),
            pl.BlockSpec((1, OUT + 1), lambda i: (0, 0)),
        ],
        out_specs=pl.BlockSpec((R, OUT + 1), lambda i: (i, 0)),
        out_shape=jax.ShapeDtypeStruct((N, OUT + 1), jnp.float32),
    )(S, y, p, p,
      b_gcn.reshape(1, H), W_cat, b_cat.reshape(1, OUT + 1))



def _make_hist():
    mesh = plsc.VectorSubcoreMesh(
        core_axis_name="c", subcore_axis_name="s", num_cores=NC, num_subcores=NS)
    e_per_sub = EP // (NC * NS)
    n_chunks = e_per_sub // CHUNK

    @functools.partial(
        pl.kernel,
        mesh=mesh,
        compiler_params=pltpu.CompilerParams(use_tc_tiling_on_sc=False),
        out_type=jax.ShapeDtypeStruct((NC, NP, 16), jnp.float32),
        scratch_types=[
            pltpu.VMEM_SHARED((NP, 16), jnp.float32),
            pltpu.VMEM((RPS, 16), jnp.float32),
            pltpu.VMEM((CHUNK, 16), jnp.float32),
            pltpu.VMEM((n_chunks, CHUNK), jnp.int32),
            pltpu.SemaphoreType.DMA,
        ],
    )
    def hist(col2d_hbm, ones_hbm, z_hbm, out_hbm, hist_sp, bounce, ones_v,
             cidx_v, sem):
        cid = lax.axis_index("c")
        sid = lax.axis_index("s")
        wid = cid * NS + sid
        pltpu.sync_copy(col2d_hbm.at[pl.ds(wid * n_chunks, n_chunks)], cidx_v)
        pltpu.sync_copy(ones_hbm, ones_v)
        pltpu.sync_copy(z_hbm, bounce)
        pltpu.sync_copy(bounce, hist_sp.at[pl.ds(sid * RPS, RPS)])
        plsc.subcore_barrier()

        def step(j2, carry):
            for k in range(5):
                pltpu.async_copy(
                    ones_v, hist_sp.at[cidx_v.at[j2 * 5 + k]], sem, add=True)
            for k in range(5):
                pltpu.make_async_copy(
                    ones_v, hist_sp.at[cidx_v.at[j2 * 5 + k]], sem).wait()
            return carry

        lax.fori_loop(0, n_chunks // 5, step, 0)
        plsc.subcore_barrier()
        pltpu.sync_copy(hist_sp.at[pl.ds(sid * RPS, RPS)], bounce)
        pltpu.sync_copy(bounce, out_hbm.at[cid, pl.ds(sid * RPS, RPS)])

    return hist


def _make_scatter():
    mesh = plsc.VectorSubcoreMesh(
        core_axis_name="c", subcore_axis_name="s", num_cores=NC, num_subcores=NS)
    e_per_sub = EP // NS
    n_chunks = e_per_sub // CHUNK
    ZB = 128
    NZ = RPS // ZB

    @functools.partial(
        pl.kernel,
        mesh=mesh,
        compiler_params=pltpu.CompilerParams(use_tc_tiling_on_sc=False),
        out_type=jax.ShapeDtypeStruct((NQ, NP, Q), jnp.float32),
        scratch_types=[
            pltpu.VMEM_SHARED((NP, Q), jnp.float32),
            pltpu.VMEM((ZB, Q), jnp.float32),
            pltpu.VMEM((CHUNK, Q), jnp.float32),
            pltpu.VMEM((CHUNK, Q), jnp.float32),
            pltpu.VMEM((CHUNK, Q), jnp.float32),
            pltpu.VMEM((CHUNK, Q), jnp.float32),
            pltpu.VMEM((CHUNK, Q), jnp.float32),
            pltpu.VMEM((n_chunks, CHUNK), jnp.int32),
            pltpu.VMEM((n_chunks, CHUNK), jnp.int32),
            pltpu.SemaphoreType.DMA,
            pltpu.SemaphoreType.DMA,
            pltpu.SemaphoreType.DMA,
            pltpu.SemaphoreType.DMA,
            pltpu.SemaphoreType.DMA,
            pltpu.SemaphoreType.DMA,
            pltpu.SemaphoreType.DMA,
            pltpu.SemaphoreType.DMA,
            pltpu.SemaphoreType.DMA,
            pltpu.SemaphoreType.DMA,
        ],
    )
    def scatter(row2d_hbm, col2d_hbm, y_hbm, z_hbm, out_hbm,
                agg_sp, bounce, rows0, rows1, rows2, rows3, rows4,
                ridx_v, cidx_v,
                gs0, gs1, gs2, gs3, gs4, ss0, ss1, ss2, ss3, ss4):
        cid = lax.axis_index("c")
        sid = lax.axis_index("s")
        rows = (rows0, rows1, rows2, rows3, rows4)
        gs = (gs0, gs1, gs2, gs3, gs4)
        ss = (ss0, ss1, ss2, ss3, ss4)
        pltpu.sync_copy(col2d_hbm.at[pl.ds(sid * n_chunks, n_chunks)], cidx_v)

        for ph in range(NQ // NC):
            qid = cid * (NQ // NC) + ph
            off = qid * N
            pltpu.sync_copy(row2d_hbm.at[pl.ds(sid * n_chunks, n_chunks)], ridx_v)

            def shift(j, carry):
                for i in range(CHUNK // 16):
                    ridx_v[j, pl.ds(i * 16, 16)] = ridx_v[j, pl.ds(i * 16, 16)] + off
                return carry

            lax.fori_loop(0, n_chunks, shift, 0)

            pltpu.sync_copy(z_hbm, bounce)
            for k in range(NZ):
                pltpu.sync_copy(bounce, agg_sp.at[pl.ds(sid * RPS + k * ZB, ZB)])
            plsc.subcore_barrier()

            for b in range(5):
                pltpu.async_copy(y_hbm.at[ridx_v.at[b]], rows[b], gs[b])

            def step(j2, carry):
                for b in range(5):
                    j = j2 * 5 + b
                    bp = (b - 1) % 5
                    jp = j - 1
                    pltpu.make_async_copy(
                        y_hbm.at[ridx_v.at[j]], rows[b], gs[b]).wait()
                    pltpu.async_copy(
                        rows[b], agg_sp.at[cidx_v.at[j]], ss[b], add=True)

                    @pl.when((jp >= 0) & (jp + 5 < n_chunks))
                    def _():
                        pltpu.make_async_copy(
                            rows[bp], agg_sp.at[cidx_v.at[jp]], ss[bp]).wait()
                        pltpu.async_copy(
                            y_hbm.at[ridx_v.at[jp + 5]], rows[bp], gs[bp])
                return carry

            lax.fori_loop(0, n_chunks // 5, step, 0)
            for j in range(n_chunks - 5, n_chunks):
                pltpu.make_async_copy(
                    rows[j % 5], agg_sp.at[cidx_v.at[j]], ss[j % 5]).wait()
            plsc.subcore_barrier()
            for k in range(NZ):
                pltpu.sync_copy(agg_sp.at[pl.ds(sid * RPS + k * ZB, ZB)], bounce)
                pltpu.sync_copy(
                    bounce, out_hbm.at[qid, pl.ds(sid * RPS + k * ZB, ZB)])

    return scatter


_hist_kernel = _make_hist()
_scatter_kernel = _make_scatter()



def kernel(x, edge_index, W_enc, b_enc, W1, b1, W_gcn, b_gcn, W_out, b_out, W_v, b_v):
    pad_r = jnp.zeros((EP - E,), jnp.int32)
    pad_c = jnp.full((EP - E,), N, jnp.int32)
    row2d = jnp.concatenate([edge_index[0], pad_r]).reshape(EP // CHUNK, CHUNK)
    col2d = jnp.concatenate([edge_index[1], pad_c]).reshape(EP // CHUNK, CHUNK)
    ones16 = jnp.ones((CHUNK, 16), jnp.float32)
    z16 = jnp.zeros((RPS, 16), jnp.float32)
    zq = jnp.zeros((128, Q), jnp.float32)
    W_cat = jnp.concatenate([W_out, W_v], axis=1)
    b_cat = jnp.concatenate([b_out, b_v], axis=0)

    xw = _dense_prologue(x, W_enc, b_enc, W1, b1, W_gcn)
    p = _hist_kernel(col2d, ones16, z16)
    y = _scale_rows(p, xw)
    S = _scatter_kernel(row2d, col2d, y.reshape(NQ * N, Q), zq)
    return _epilogue(S[:, :N], y, p, b_gcn, W_cat, b_cat)

# --- scband reference (transcript-rebuilt; emitter-appended) ---
"""Pipeline reference for scband-gnn2-37658273251499 (READ-ONLY COPY).

The authoritative reference and input builder live on the scoring server;
editing this copy changes nothing except your own understanding.
"""

import jax, jax.numpy as jnp
import numpy as np

N = 10000
E = 320000
D_IN = 128
H = 256
OUT = 16


def setup_inputs(seed: int = 0) -> dict:
    key = jax.random.key(seed)
    ks = jax.random.split(key, 12)
    x = jax.random.normal(ks[0], (N, D_IN), dtype=jnp.float32)
    edge_index = jax.random.randint(ks[1], (2, E), 0, N, dtype=jnp.int32)
    W_enc = jax.random.normal(ks[2], (D_IN, H), dtype=jnp.float32) / np.sqrt(D_IN)
    b_enc = jnp.zeros((H,), dtype=jnp.float32)
    W1 = jax.random.normal(ks[3], (H, H), dtype=jnp.float32) / np.sqrt(H)
    b1 = jnp.zeros((H,), dtype=jnp.float32)
    W_gcn = jax.random.normal(ks[4], (H, H), dtype=jnp.float32) / np.sqrt(H)
    b_gcn = jnp.zeros((H,), dtype=jnp.float32)
    W_out = jax.random.normal(ks[5], (H, OUT), dtype=jnp.float32) / np.sqrt(H)
    b_out = jnp.zeros((OUT,), dtype=jnp.float32)
    W_v = jax.random.normal(ks[6], (H, 1), dtype=jnp.float32) / np.sqrt(H)
    b_v = jnp.zeros((1,), dtype=jnp.float32)
    return {"x": x, "edge_index": edge_index, "W_enc": W_enc, "b_enc": b_enc,
            "W1": W1, "b1": b1, "W_gcn": W_gcn, "b_gcn": b_gcn,
            "W_out": W_out, "b_out": b_out, "W_v": W_v, "b_v": b_v}


def _gcn_conv(x, edge_index, W, b, n_nodes):
    # GCNConv: add self loops, symmetric normalization, scatter-add aggregation
    row = edge_index[0]
    col = edge_index[1]
    loop = jnp.arange(n_nodes, dtype=row.dtype)
    row = jnp.concatenate([row, loop])
    col = jnp.concatenate([col, loop])
    xw = x @ W
    ones = jnp.ones(row.shape[0], dtype=x.dtype)
    deg = jax.ops.segment_sum(ones, col, num_segments=n_nodes)
    deg_inv_sqrt = jnp.where(deg > 0, 1.0 / jnp.sqrt(deg), 0.0)
    norm = deg_inv_sqrt[row] * deg_inv_sqrt[col]
    msgs = xw[row] * norm[:, None]
    out = jax.ops.segment_sum(msgs, col, num_segments=n_nodes)
    return out + b


def reference(x, edge_index, W_enc, b_enc, W1, b1, W_gcn, b_gcn, W_out, b_out, W_v, b_v):
    features = x @ W_enc + b_enc
    features = jax.nn.relu(features @ W1 + b1)
    features = jax.nn.relu(_gcn_conv(features, edge_index, W_gcn, b_gcn, N))
    action_logits = features @ W_out + b_out  # Categorical logits
    v = features @ W_v + b_v
    return jnp.concatenate([action_logits, v], axis=-1)

if __name__ == "__main__":
    import jax
    _d = setup_inputs()
    print(jax.jit(kernel)(*tuple(_d.values())))

</pallas_src>

<mosaic_0001>
#map = affine_map<(d0, d1) -> (0, 0)>
#map1 = affine_map<(d0, d1) -> (0, 0, 0)>
module attributes {stable_mosaic.version = 14 : i64} {
  func.func @hist(%arg0: i32, %arg1: i32, %arg2: memref<2560x128xi32, #tpu.memory_space<hbm>>, %arg3: memref<128x16xf32, #tpu.memory_space<hbm>>, %arg4: memref<640x16xf32, #tpu.memory_space<hbm>>, %arg5: memref<2x10240x16xf32, #tpu.memory_space<hbm>>, %arg6: memref<10240x16xf32, #tpu.memory_space<vmem_shared>>, %arg7: memref<640x16xf32, #tpu.memory_space<vmem>>, %arg8: memref<128x16xf32, #tpu.memory_space<vmem>>, %arg9: memref<80x128xi32, #tpu.memory_space<vmem>>, %arg10: memref<!tpu.dma_semaphore, #tpu.memory_space<semaphore_mem>>) attributes {dimension_semantics = [#tpu.dimension_semantics<core_parallel>, #tpu.dimension_semantics<subcore_parallel>], iteration_bounds = array<i64: 2, 16>, scalar_prefetch = 0 : i64, scratch_operands = 5 : i64, tpu.core_type = #tpu.core_type<sc_vector_subcore>, window_params = [{transform_indices = #map}, {transform_indices = #map}, {transform_indices = #map}, {transform_indices = #map1}]} {
    %mul3A = arith.constant 16 : i32
    %mul3A_0 = arith.muli %arg0, %mul3A : i32
    %add3A = arith.addi %mul3A_0, %arg1 : i32
    %mul3A_1 = arith.constant 80 : i32
    %mul3A_2 = arith.muli %add3A, %mul3A_1 : i32
    "tpu.region"() ({
      %run_scoped3A = tpu.sem_alloc : memref<!tpu.dma_semaphore, #tpu.memory_space<semaphore_mem>>
      %dma_start3A = arith.constant 0 : i32
      %dma_start3A_15 = tpu.memref_slice %arg2[%mul3A_2, %dma_start3A] : memref<2560x128xi32, #tpu.memory_space<hbm>> -> memref<80x128xi32, #tpu.memory_space<hbm>>
      %dma_start3A_16 = arith.constant 0 : i32
      %dma_start3A_17 = tpu.memref_slice %arg2[%mul3A_2, %dma_start3A_16] : memref<2560x128xi32, #tpu.memory_space<hbm>> -> memref<80x128xi32, #tpu.memory_space<hbm>>
      tpu.enqueue_dma source(%dma_start3A_17 : memref<80x128xi32, #tpu.memory_space<hbm>>) target(%arg9 : memref<80x128xi32, #tpu.memory_space<vmem>>) target_semaphore(%run_scoped3A : memref<!tpu.dma_semaphore, #tpu.memory_space<semaphore_mem>>)
      %dma_wait3A = arith.constant 0 : i32
      %dma_wait3A_18 = tpu.memref_slice %arg2[%mul3A_2, %dma_wait3A] : memref<2560x128xi32, #tpu.memory_space<hbm>> -> memref<80x128xi32, #tpu.memory_space<hbm>>
      %dma_wait3A_19 = arith.constant 0 : i32
      %dma_wait3A_20 = tpu.memref_slice %arg2[%mul3A_2, %dma_wait3A_19] : memref<2560x128xi32, #tpu.memory_space<hbm>> -> memref<80x128xi32, #tpu.memory_space<hbm>>
      tpu.wait_dma2 semaphore(%run_scoped3A : memref<!tpu.dma_semaphore, #tpu.memory_space<semaphore_mem>>) src(%dma_wait3A_20 : memref<80x128xi32, #tpu.memory_space<hbm>>) dst(%arg9 : memref<80x128xi32, #tpu.memory_space<vmem>>)
      tpu.yield
    }) : () -> ()
    "tpu.region"() ({
      %run_scoped3A = tpu.sem_alloc : memref<!tpu.dma_semaphore, #tpu.memory_space<semaphore_mem>>
      tpu.enqueue_dma source(%arg3 : memref<128x16xf32, #tpu.memory_space<hbm>>) target(%arg8 : memref<128x16xf32, #tpu.memory_space<vmem>>) target_semaphore(%run_scoped3A : memref<!tpu.dma_semaphore, #tpu.memory_space<semaphore_mem>>)
      tpu.wait_dma2 semaphore(%run_scoped3A : memref<!tpu.dma_semaphore, #tpu.memory_space<semaphore_mem>>) src(%arg3 : memref<128x16xf32, #tpu.memory_space<hbm>>) dst(%arg8 : memref<128x16xf32, #tpu.memory_space<vmem>>)
      tpu.yield
    }) : () -> ()
    "tpu.region"() ({
      %run_scoped3A = tpu.sem_alloc : memref<!tpu.dma_semaphore, #tpu.memory_space<semaphore_mem>>
      tpu.enqueue_dma source(%arg4 : memref<640x16xf32, #tpu.memory_space<hbm>>) target(%arg7 : memref<640x16xf32, #tpu.memory_space<vmem>>) target_semaphore(%run_scoped3A : memref<!tpu.dma_semaphore, #tpu.memory_space<semaphore_mem>>)
      tpu.wait_dma2 semaphore(%run_scoped3A : memref<!tpu.dma_semaphore, #tpu.memory_space<semaphore_mem>>) src(%arg4 : memref<640x16xf32, #tpu.memory_space<hbm>>) dst(%arg7 : memref<640x16xf32, #tpu.memory_space<vmem>>)
      tpu.yield
    }) : () -> ()
    %mul3A_3 = arith.constant 640 : i32
    %mul3A_4 = arith.muli %arg1, %mul3A_3 : i32
    "tpu.region"() ({
      %run_scoped3A = tpu.sem_alloc : memref<!tpu.dma_semaphore, #tpu.memory_space<semaphore_mem>>
      %dma_start3A = arith.constant 0 : i32
      %dma_start3A_15 = tpu.memref_slice %arg6[%mul3A_4, %dma_start3A] : memref<10240x16xf32, #tpu.memory_space<vmem_shared>> -> memref<640x16xf32, #tpu.memory_space<vmem_shared>>
      %dma_start3A_16 = arith.constant 0 : i32
      %dma_start3A_17 = tpu.memref_slice %arg6[%mul3A_4, %dma_start3A_16] : memref<10240x16xf32, #tpu.memory_space<vmem_shared>> -> memref<640x16xf32, #tpu.memory_space<vmem_shared>>
      tpu.enqueue_dma source(%arg7 : memref<640x16xf32, #tpu.memory_space<vmem>>) target(%dma_start3A_17 : memref<640x16xf32, #tpu.memory_space<vmem_shared>>) target_semaphore(%run_scoped3A : memref<!tpu.dma_semaphore, #tpu.memory_space<semaphore_mem>>)
      %dma_wait3A = arith.constant 0 : i32
      %dma_wait3A_18 = tpu.memref_slice %arg6[%mul3A_4, %dma_wait3A] : memref<10240x16xf32, #tpu.memory_space<vmem_shared>> -> memref<640x16xf32, #tpu.memory_space<vmem_shared>>
      %dma_wait3A_19 = arith.constant 0 : i32
      %dma_wait3A_20 = tpu.memref_slice %arg6[%mul3A_4, %dma_wait3A_19] : memref<10240x16xf32, #tpu.memory_space<vmem_shared>> -> memref<640x16xf32, #tpu.memory_space<vmem_shared>>
      tpu.wait_dma2 semaphore(%run_scoped3A : memref<!tpu.dma_semaphore, #tpu.memory_space<semaphore_mem>>) src(%arg7 : memref<640x16xf32, #tpu.memory_space<vmem>>) dst(%dma_wait3A_20 : memref<640x16xf32, #tpu.memory_space<vmem_shared>>)
      tpu.yield
    }) : () -> ()
    %barrier3A = arith.constant 0 : index
    tpu.barrier barrier_id(%barrier3A)
    %scan3A = arith.constant 0 : i32
    %scan3A_5 = arith.constant 0 : i32
    %scan3A_6 = arith.constant 16 : i32
    %scan3A_7 = arith.addi %scan3A_5, %scan3A_6 : i32
    %scan3A_8 = arith.constant 1 : i32
    scf.for %scan3A_15 = %scan3A_5 to %scan3A_7 step %scan3A_8  : i32 {
      %mul3A_16 = arith.constant 5 : i32
      %mul3A_17 = arith.muli %scan3A_15, %mul3A_16 : i32
      %add3A_18 = arith.constant 0 : i32
      %add3A_19 = arith.addi %mul3A_17, %add3A_18 : i32
      %dma_start3A = arith.constant 0 : i32
      %dma_start3A_20 = tpu.memref_slice %arg9[%add3A_19, %dma_start3A] : memref<80x128xi32, #tpu.memory_space<vmem>> -> memref<1x128xi32, #tpu.memory_space<vmem>>
      %dma_start3A_21 = tpu.memref_squeeze %dma_start3A_20 : memref<1x128xi32, #tpu.memory_space<vmem>> -> memref<128xi32, #tpu.memory_space<vmem>>
      %dma_start3A_22 = arith.constant 0 : i32
      %dma_start3A_23 = arith.constant 0 : i32
      %dma_start3A_24 = tpu.memref_slice %arg6[%dma_start3A_22, %dma_start3A_23] : memref<10240x16xf32, #tpu.memory_space<vmem_shared>> -> memref<10240x16xf32, #tpu.memory_space<vmem_shared>>
      tpu.enqueue_indirect_dma source(%arg8 : memref<128x16xf32, #tpu.memory_space<vmem>>) target(%dma_start3A_24 : memref<10240x16xf32, #tpu.memory_space<vmem_shared>>) offsets(%dma_start3A_21 : memref<128xi32, #tpu.memory_space<vmem>>) semaphore(%arg10 : memref<!tpu.dma_semaphore, #tpu.memory_space<semaphore_mem>>) {add = true}
      %mul3A_25 = arith.constant 5 : i32
      %mul3A_26 = arith.muli %scan3A_15, %mul3A_25 : i32
      %add3A_27 = arith.constant 1 : i32
      %add3A_28 = arith.addi %mul3A_26, %add3A_27 : i32
      %dma_start3A_29 = arith.constant 0 : i32
      %dma_start3A_30 = tpu.memref_slice %arg9[%add3A_28, %dma_start3A_29] : memref<80x128xi32, #tpu.memory_space<vmem>> -> memref<1x128xi32, #tpu.memory_space<vmem>>
      %dma_start3A_31 = tpu.memref_squeeze %dma_start3A_30 : memref<1x128xi32, #tpu.memory_space<vmem>> -> memref<128xi32, #tpu.memory_space<vmem>>
      %dma_start3A_32 = arith.constant 0 : i32
      %dma_start3A_33 = arith.constant 0 : i32
      %dma_start3A_34 = tpu.memref_slice %arg6[%dma_start3A_32, %dma_start3A_33] : memref<10240x16xf32, #tpu.memory_space<vmem_shared>> -> memref<10240x16xf32, #tpu.memory_space<vmem_shared>>
      tpu.enqueue_indirect_dma source(%arg8 : memref<128x16xf32, #tpu.memory_space<vmem>>) target(%dma_start3A_34 : memref<10240x16xf32, #tpu.memory_space<vmem_shared>>) offsets(%dma_start3A_31 : memref<128xi32, #tpu.memory_space<vmem>>) semaphore(%arg10 : memref<!tpu.dma_semaphore, #tpu.memory_space<semaphore_mem>>) {add = true}
      %mul3A_35 = arith.constant 5 : i32
      %mul3A_36 = arith.muli %scan3A_15, %mul3A_35 : i32
      %add3A_37 = arith.constant 2 : i32
      %add3A_38 = arith.addi %mul3A_36, %add3A_37 : i32
      %dma_start3A_39 = arith.constant 0 : i32
      %dma_start3A_40 = tpu.memref_slice %arg9[%add3A_38, %dma_start3A_39] : memref<80x128xi32, #tpu.memory_space<vmem>> -> memref<1x128xi32, #tpu.memory_space<vmem>>
      %dma_start3A_41 = tpu.memref_squeeze %dma_start3A_40 : memref<1x128xi32, #tpu.memory_space<vmem>> -> memref<128xi32, #tpu.memory_space<vmem>>
      %dma_start3A_42 = arith.constant 0 : i32
      %dma_start3A_43 = arith.constant 0 : i32
      %dma_start3A_44 = tpu.memref_slice %arg6[%dma_start3A_42, %dma_start3A_43] : memref<10240x16xf32, #tpu.memory_space<vmem_shared>> -> memref<10240x16xf32, #tpu.memory_space<vmem_shared>>
      tpu.enqueue_indirect_dma source(%arg8 : memref<128x16xf32, #tpu.memory_space<vmem>>) target(%dma_start3A_44 : memref<10240x16xf32, #tpu.memory_space<vmem_shared>>) offsets(%dma_start3A_41 : memref<128xi32, #tpu.memory_space<vmem>>) semaphore(%arg10 : memref<!tpu.dma_semaphore, #tpu.memory_space<semaphore_mem>>) {add = true}
      %mul3A_45 = arith.constant 5 : i32
      %mul3A_46 = arith.muli %scan3A_15, %mul3A_45 : i32
      %add3A_47 = arith.constant 3 : i32
      %add3A_48 = arith.addi %mul3A_46, %add3A_47 : i32
      %dma_start3A_49 = arith.constant 0 : i32
      %dma_start3A_50 = tpu.memref_slice %arg9[%add3A_48, %dma_start3A_49] : memref<80x128xi32, #tpu.memory_space<vmem>> -> memref<1x128xi32, #tpu.memory_space<vmem>>
      %dma_start3A_51 = tpu.memref_squeeze %dma_start3A_50 : memref<1x128xi32, #tpu.memory_space<vmem>> -> memref<128xi32, #tpu.memory_space<vmem>>
      %dma_start3A_52 = arith.constant 0 : i32
      %dma_start3A_53 = arith.constant 0 : i32
      %dma_start3A_54 = tpu.memref_slice %arg6[%dma_start3A_52, %dma_start3A_53] : memref<10240x16xf32, #tpu.memory_space<vmem_shared>> -> memref<10240x16xf32, #tpu.memory_space<vmem_shared>>
      tpu.enqueue_indirect_dma source(%arg8 : memref<128x16xf32, #tpu.memory_space<vmem>>) target(%dma_start3A_54 : memref<10240x16xf32, #tpu.memory_space<vmem_shared>>) offsets(%dma_start3A_51 : memref<128xi32, #tpu.memory_space<vmem>>) semaphore(%arg10 : memref<!tpu.dma_semaphore, #tpu.memory_space<semaphore_mem>>) {add = true}
      %mul3A_55 = arith.constant 5 : i32
      %mul3A_56 = arith.muli %scan3A_15, %mul3A_55 : i32
      %add3A_57 = arith.constant 4 : i32
      %add3A_58 = arith.addi %mul3A_56, %add3A_57 : i32
      %dma_start3A_59 = arith.constant 0 : i32
      %dma_start3A_60 = tpu.memref_slice %arg9[%add3A_58, %dma_start3A_59] : memref<80x128xi32, #tpu.memory_space<vmem>> -> memref<1x128xi32, #tpu.memory_space<vmem>>
      %dma_start3A_61 = tpu.memref_squeeze %dma_start3A_60 : memref<1x128xi32, #tpu.memory_space<vmem>> -> memref<128xi32, #tpu.memory_space<vmem>>
      %dma_start3A_62 = arith.constant 0 : i32
      %dma_start3A_63 = arith.constant 0 : i32
      %dma_start3A_64 = tpu.memref_slice %arg6[%dma_start3A_62, %dma_start3A_63] : memref<10240x16xf32, #tpu.memory_space<vmem_shared>> -> memref<10240x16xf32, #tpu.memory_space<vmem_shared>>
      tpu.enqueue_indirect_dma source(%arg8 : memref<128x16xf32, #tpu.memory_space<vmem>>) target(%dma_start3A_64 : memref<10240x16xf32, #tpu.memory_space<vmem_shared>>) offsets(%dma_start3A_61 : memref<128xi32, #tpu.memory_space<vmem>>) semaphore(%arg10 : memref<!tpu.dma_semaphore, #tpu.memory_space<semaphore_mem>>) {add = true}
      %mul3A_65 = arith.constant 5 : i32
      %mul3A_66 = arith.muli %scan3A_15, %mul3A_65 : i32
      %add3A_67 = arith.constant 0 : i32
      %add3A_68 = arith.addi %mul3A_66, %add3A_67 : i32
      %dma_wait3A = arith.constant 0 : i32
      %dma_wait3A_69 = tpu.memref_slice %arg9[%add3A_68, %dma_wait3A] : memref<80x128xi32, #tpu.memory_space<vmem>> -> memref<1x128xi32, #tpu.memory_space<vmem>>
      %dma_wait3A_70 = tpu.memref_squeeze %dma_wait3A_69 : memref<1x128xi32, #tpu.memory_space<vmem>> -> memref<128xi32, #tpu.memory_space<vmem>>
      %dma_wait3A_71 = arith.constant 0 : i32
      %dma_wait3A_72 = arith.constant 0 : i32
      %dma_wait3A_73 = tpu.memref_slice %arg6[%dma_wait3A_71, %dma_wait3A_72] : memref<10240x16xf32, #tpu.memory_space<vmem_shared>> -> memref<10240x16xf32, #tpu.memory_space<vmem_shared>>
      tpu.wait_indirect_dma semaphore(%arg10 : memref<!tpu.dma_semaphore, #tpu.memory_space<semaphore_mem>>) src(%arg8 : memref<128x16xf32, #tpu.memory_space<vmem>>) dst(%dma_wait3A_73 : memref<10240x16xf32, #tpu.memory_space<vmem_shared>>)
      %mul3A_74 = arith.constant 5 : i32
      %mul3A_75 = arith.muli %scan3A_15, %mul3A_74 : i32
      %add3A_76 = arith.constant 1 : i32
      %add3A_77 = arith.addi %mul3A_75, %add3A_76 : i32
      %dma_wait3A_78 = arith.constant 0 : i32
      %dma_wait3A_79 = tpu.memref_slice %arg9[%add3A_77, %dma_wait3A_78] : memref<80x128xi32, #tpu.memory_space<vmem>> -> memref<1x128xi32, #tpu.memory_space<vmem>>
      %dma_wait3A_80 = tpu.memref_squeeze %dma_wait3A_79 : memref<1x128xi32, #tpu.memory_space<vmem>> -> memref<128xi32, #tpu.memory_space<vmem>>
      %dma_wait3A_81 = arith.constant 0 : i32
      %dma_wait3A_82 = arith.constant 0 : i32
      %dma_wait3A_83 = tpu.memref_slice %arg6[%dma_wait3A_81, %dma_wait3A_82] : memref<10240x16xf32, #tpu.memory_space<vmem_shared>> -> memref<10240x16xf32, #tpu.memory_space<vmem_shared>>
      tpu.wait_indirect_dma semaphore(%arg10 : memref<!tpu.dma_semaphore, #tpu.memory_space<semaphore_mem>>) src(%arg8 : memref<128x16xf32, #tpu.memory_space<vmem>>) dst(%dma_wait3A_83 : memref<10240x16xf32, #tpu.memory_space<vmem_shared>>)
      %mul3A_84 = arith.constant 5 : i32
      %mul3A_85 = arith.muli %scan3A_15, %mul3A_84 : i32
      %add3A_86 = arith.constant 2 : i32
      %add3A_87 = arith.addi %mul3A_85, %add3A_86 : i32
      %dma_wait3A_88 = arith.constant 0 : i32
      %dma_wait3A_89 = tpu.memref_slice %arg9[%add3A_87, %dma_wait3A_88] : memref<80x128xi32, #tpu.memory_space<vmem>> -> memref<1x128xi32, #tpu.memory_space<vmem>>
      %dma_wait3A_90 = tpu.memref_squeeze %dma_wait3A_89 : memref<1x128xi32, #tpu.memory_space<vmem>> -> memref<128xi32, #tpu.memory_space<vmem>>
      %dma_wait3A_91 = arith.constant 0 : i32
      %dma_wait3A_92 = arith.constant 0 : i32
      %dma_wait3A_93 = tpu.memref_slice %arg6[%dma_wait3A_91, %dma_wait3A_92] : memref<10240x16xf32, #tpu.memory_space<vmem_shared>> -> memref<10240x16xf32, #tpu.memory_space<vmem_shared>>
      tpu.wait_indirect_dma semaphore(%arg10 : memref<!tpu.dma_semaphore, #tpu.memory_space<semaphore_mem>>) src(%arg8 : memref<128x16xf32, #tpu.memory_space<vmem>>) dst(%dma_wait3A_93 : memref<10240x16xf32, #tpu.memory_space<vmem_shared>>)
      %mul3A_94 = arith.constant 5 : i32
      %mul3A_95 = arith.muli %scan3A_15, %mul3A_94 : i32
      %add3A_96 = arith.constant 3 : i32
      %add3A_97 = arith.addi %mul3A_95, %add3A_96 : i32
      %dma_wait3A_98 = arith.constant 0 : i32
      %dma_wait3A_99 = tpu.memref_slice %arg9[%add3A_97, %dma_wait3A_98] : memref<80x128xi32, #tpu.memory_space<vmem>> -> memref<1x128xi32, #tpu.memory_space<vmem>>
      %dma_wait3A_100 = tpu.memref_squeeze %dma_wait3A_99 : memref<1x128xi32, #tpu.memory_space<vmem>> -> memref<128xi32, #tpu.memory_space<vmem>>
      %dma_wait3A_101 = arith.constant 0 : i32
      %dma_wait3A_102 = arith.constant 0 : i32
      %dma_wait3A_103 = tpu.memref_slice %arg6[%dma_wait3A_101, %dma_wait3A_102] : memref<10240x16xf32, #tpu.memory_space<vmem_shared>> -> memref<10240x16xf32, #tpu.memory_space<vmem_shared>>
      tpu.wait_indirect_dma semaphore(%arg10 : memref<!tpu.dma_semaphore, #tpu.memory_space<semaphore_mem>>) src(%arg8 : memref<128x16xf32, #tpu.memory_space<vmem>>) dst(%dma_wait3A_103 : memref<10240x16xf32, #tpu.memory_space<vmem_shared>>)
      %mul3A_104 = arith.constant 5 : i32
      %mul3A_105 = arith.muli %scan3A_15, %mul3A_104 : i32
      %add3A_106 = arith.constant 4 : i32
      %add3A_107 = arith.addi %mul3A_105, %add3A_106 : i32
      %dma_wait3A_108 = arith.constant 0 : i32
      %dma_wait3A_109 = tpu.memref_slice %arg9[%add3A_107, %dma_wait3A_108] : memref<80x128xi32, #tpu.memory_space<vmem>> -> memref<1x128xi32, #tpu.memory_space<vmem>>
      %dma_wait3A_110 = tpu.memref_squeeze %dma_wait3A_109 : memref<1x128xi32, #tpu.memory_space<vmem>> -> memref<128xi32, #tpu.memory_space<vmem>>
      %dma_wait3A_111 = arith.constant 0 : i32
      %dma_wait3A_112 = arith.constant 0 : i32
      %dma_wait3A_113 = tpu.memref_slice %arg6[%dma_wait3A_111, %dma_wait3A_112] : memref<10240x16xf32, #tpu.memory_space<vmem_shared>> -> memref<10240x16xf32, #tpu.memory_space<vmem_shared>>
      tpu.wait_indirect_dma semaphore(%arg10 : memref<!tpu.dma_semaphore, #tpu.memory_space<semaphore_mem>>) src(%arg8 : memref<128x16xf32, #tpu.memory_space<vmem>>) dst(%dma_wait3A_113 : memref<10240x16xf32, #tpu.memory_space<vmem_shared>>)
    }
    %scan3A_9 = arith.constant 16 : i32
    %barrier3A_10 = arith.constant 0 : index
    tpu.barrier barrier_id(%barrier3A_10)
    %mul3A_11 = arith.constant 640 : i32
    %mul3A_12 = arith.muli %arg1, %mul3A_11 : i32
    "tpu.region"() ({
      %run_scoped3A = tpu.sem_alloc : memref<!tpu.dma_semaphore, #tpu.memory_space<semaphore_mem>>
      %dma_start3A = arith.constant 0 : i32
      %dma_start3A_15 = tpu.memref_slice %arg6[%mul3A_12, %dma_start3A] : memref<10240x16xf32, #tpu.memory_space<vmem_shared>> -> memref<640x16xf32, #tpu.memory_space<vmem_shared>>
      %dma_start3A_16 = arith.constant 0 : i32
      %dma_start3A_17 = tpu.memref_slice %arg6[%mul3A_12, %dma_start3A_16] : memref<10240x16xf32, #tpu.memory_space<vmem_shared>> -> memref<640x16xf32, #tpu.memory_space<vmem_shared>>
      tpu.enqueue_dma source(%dma_start3A_17 : memref<640x16xf32, #tpu.memory_space<vmem_shared>>) target(%arg7 : memref<640x16xf32, #tpu.memory_space<vmem>>) target_semaphore(%run_scoped3A : memref<!tpu.dma_semaphore, #tpu.memory_space<semaphore_mem>>)
      %dma_wait3A = arith.constant 0 : i32
      %dma_wait3A_18 = tpu.memref_slice %arg6[%mul3A_12, %dma_wait3A] : memref<10240x16xf32, #tpu.memory_space<vmem_shared>> -> memref<640x16xf32, #tpu.memory_space<vmem_shared>>
      %dma_wait3A_19 = arith.constant 0 : i32
      %dma_wait3A_20 = tpu.memref_slice %arg6[%mul3A_12, %dma_wait3A_19] : memref<10240x16xf32, #tpu.memory_space<vmem_shared>> -> memref<640x16xf32, #tpu.memory_space<vmem_shared>>
      tpu.wait_dma2 semaphore(%run_scoped3A : memref<!tpu.dma_semaphore, #tpu.memory_space<semaphore_mem>>) src(%dma_wait3A_20 : memref<640x16xf32, #tpu.memory_space<vmem_shared>>) dst(%arg7 : memref<640x16xf32, #tpu.memory_space<vmem>>)
      tpu.yield
    }) : () -> ()
    %mul3A_13 = arith.constant 640 : i32
    %mul3A_14 = arith.muli %arg1, %mul3A_13 : i32
    "tpu.region"() ({
      %run_scoped3A = tpu.sem_alloc : memref<!tpu.dma_semaphore, #tpu.memory_space<semaphore_mem>>
      %dma_start3A = arith.constant 0 : i32
      %dma_start3A_15 = tpu.memref_slice %arg5[%arg0, %mul3A_14, %dma_start3A] : memref<2x10240x16xf32, #tpu.memory_space<hbm>> -> memref<1x640x16xf32, #tpu.memory_space<hbm>>
      %dma_start3A_16 = tpu.memref_squeeze %dma_start3A_15 : memref<1x640x16xf32, #tpu.memory_space<hbm>> -> memref<640x16xf32, #tpu.memory_space<hbm>>
      %dma_start3A_17 = arith.constant 0 : i32
      %dma_start3A_18 = tpu.memref_slice %arg5[%arg0, %mul3A_14, %dma_start3A_17] : memref<2x10240x16xf32, #tpu.memory_space<hbm>> -> memref<1x640x16xf32, #tpu.memory_space<hbm>>
      %dma_start3A_19 = tpu.memref_squeeze %dma_start3A_18 : memref<1x640x16xf32, #tpu.memory_space<hbm>> -> memref<640x16xf32, #tpu.memory_space<hbm>>
      tpu.enqueue_dma source(%arg7 : memref<640x16xf32, #tpu.memory_space<vmem>>) target(%dma_start3A_19 : memref<640x16xf32, #tpu.memory_space<hbm>>) target_semaphore(%run_scoped3A : memref<!tpu.dma_semaphore, #tpu.memory_space<semaphore_mem>>)
      %dma_wait3A = arith.constant 0 : i32
      %dma_wait3A_20 = tpu.memref_slice %arg5[%arg0, %mul3A_14, %dma_wait3A] : memref<2x10240x16xf32, #tpu.memory_space<hbm>> -> memref<1x640x16xf32, #tpu.memory_space<hbm>>
      %dma_wait3A_21 = tpu.memref_squeeze %dma_wait3A_20 : memref<1x640x16xf32, #tpu.memory_space<hbm>> -> memref<640x16xf32, #tpu.memory_space<hbm>>
      %dma_wait3A_22 = arith.constant 0 : i32
      %dma_wait3A_23 = tpu.memref_slice %arg5[%arg0, %mul3A_14, %dma_wait3A_22] : memref<2x10240x16xf32, #tpu.memory_space<hbm>> -> memref<1x640x16xf32, #tpu.memory_space<hbm>>
      %dma_wait3A_24 = tpu.memref_squeeze %dma_wait3A_23 : memref<1x640x16xf32, #tpu.memory_space<hbm>> -> memref<640x16xf32, #tpu.memory_space<hbm>>
      tpu.wait_dma2 semaphore(%run_scoped3A : memref<!tpu.dma_semaphore, #tpu.memory_space<semaphore_mem>>) src(%arg7 : memref<640x16xf32, #tpu.memory_space<vmem>>) dst(%dma_wait3A_24 : memref<640x16xf32, #tpu.memory_space<hbm>>)
      tpu.yield
    }) : () -> ()
    return
  }
}

#map = affine_map<(d0, d1) -> (0, 0)>
#map1 = affine_map<(d0, d1) -> (0, 0, 0)>
module attributes {stable_mosaic.version = 14 : i64} {
  func.func @scatter(%arg0: i32, %arg1: i32, %arg2: memref<2560x128xi32, #tpu.memory_space<hbm>>, %arg3: memref<2560x128xi32, #tpu.memory_space<hbm>>, %arg4: memref<40000x64xf32, #tpu.memory_space<hbm>>, %arg5: memref<128x64xf32, #tpu.memory_space<hbm>>, %arg6: memref<4x10240x64xf32, #tpu.memory_space<hbm>>, %arg7: memref<10240x64xf32, #tpu.memory_space<vmem_shared>>, %arg8: memref<128x64xf32, #tpu.memory_space<vmem>>, %arg9: memref<128x64xf32, #tpu.memory_space<vmem>>, %arg10: memref<128x64xf32, #tpu.memory_space<vmem>>, %arg11: memref<128x64xf32, #tpu.memory_space<vmem>>, %arg12: memref<128x64xf32, #tpu.memory_space<vmem>>, %arg13: memref<128x64xf32, #tpu.memory_space<vmem>>, %arg14: memref<160x128xi32, #tpu.memory_space<vmem>>, %arg15: memref<160x128xi32, #tpu.memory_space<vmem>>, %arg16: memref<!tpu.dma_semaphore, #tpu.memory_space<semaphore_mem>>, %arg17: memref<!tpu.dma_semaphore, #tpu.memory_space<semaphore_mem>>, %arg18: memref<!tpu.dma_semaphore, #tpu.memory_space<semaphore_mem>>, %arg19: memref<!tpu.dma_semaphore, #tpu.memory_space<semaphore_mem>>, %arg20: memref<!tpu.dma_semaphore, #tpu.memory_space<semaphore_mem>>, %arg21: memref<!tpu.dma_semaphore, #tpu.memory_space<semaphore_mem>>, %arg22: memref<!tpu.dma_semaphore, #tpu.memory_space<semaphore_mem>>, %arg23: memref<!tpu.dma_semaphore, #tpu.memory_space<semaphore_mem>>, %arg24: memref<!tpu.dma_semaphore, #tpu.memory_space<semaphore_mem>>, %arg25: memref<!tpu.dma_semaphore, #tpu.memory_space<semaphore_mem>>) attributes {dimension_semantics = [#tpu.dimension_semantics<core_parallel>, #tpu.dimension_semantics<subcore_parallel>], iteration_bounds = array<i64: 2, 16>, scalar_prefetch = 0 : i64, scratch_operands = 19 : i64, tpu.core_type = #tpu.core_type<sc_vector_subcore>, window_params = [{transform_indices = #map}, {transform_indices = #map}, {transform_indices = #map}, {transform_indices = #map}, {transform_indices = #map1}]} {
    %mul3A = arith.constant 160 : i32
    %mul3A_0 = arith.muli %arg1, %mul3A : i32
    "tpu.region"() ({
      %run_scoped3A = tpu.sem_alloc : memref<!tpu.dma_semaphore, #tpu.memory_space<semaphore_mem>>
      %dma_start3A_300 = arith.constant 0 : i32
      %dma_start3A_301 = tpu.memref_slice %arg3[%mul3A_0, %dma_start3A_300] : memref<2560x128xi32, #tpu.memory_space<hbm>> -> memref<160x128xi32, #tpu.memory_space<hbm>>
      %dma_start3A_302 = arith.constant 0 : i32
      %dma_start3A_303 = tpu.memref_slice %arg3[%mul3A_0, %dma_start3A_302] : memref<2560x128xi32, #tpu.memory_space<hbm>> -> memref<160x128xi32, #tpu.memory_space<hbm>>
      tpu.enqueue_dma source(%dma_start3A_303 : memref<160x128xi32, #tpu.memory_space<hbm>>) target(%arg15 : memref<160x128xi32, #tpu.memory_space<vmem>>) target_semaphore(%run_scoped3A : memref<!tpu.dma_semaphore, #tpu.memory_space<semaphore_mem>>)
      %dma_wait3A_304 = arith.constant 0 : i32
      %dma_wait3A_305 = tpu.memref_slice %arg3[%mul3A_0, %dma_wait3A_304] : memref<2560x128xi32, #tpu.memory_space<hbm>> -> memref<160x128xi32, #tpu.memory_space<hbm>>
      %dma_wait3A_306 = arith.constant 0 : i32
      %dma_wait3A_307 = tpu.memref_slice %arg3[%mul3A_0, %dma_wait3A_306] : memref<2560x128xi32, #tpu.memory_space<hbm>> -> memref<160x128xi32, #tpu.memory_space<hbm>>
      tpu.wait_dma2 semaphore(%run_scoped3A : memref<!tpu.dma_semaphore, #tpu.memory_space<semaphore_mem>>) src(%dma_wait3A_307 : memref<160x128xi32, #tpu.memory_space<hbm>>) dst(%arg15 : memref<160x128xi32, #tpu.memory_space<vmem>>)
      tpu.yield
    }) : () -> ()
    %mul3A_1 = arith.constant 2 : i32
    %mul3A_2 = arith.muli %arg0, %mul3A_1 : i32
    %add3A = arith.constant 0 : i32
    %add3A_3 = arith.addi %mul3A_2, %add3A : i32
    %mul3A_4 = arith.constant 10000 : i32
    %mul3A_5 = arith.muli %add3A_3, %mul3A_4 : i32
    %mul3A_6 = arith.constant 160 : i32
    %mul3A_7 = arith.muli %arg1, %mul3A_6 : i32
    "tpu.region"() ({
      %run_scoped3A = tpu.sem_alloc : memref<!tpu.dma_semaphore, #tpu.memory_space<semaphore_mem>>
      %dma_start3A_300 = arith.constant 0 : i32
      %dma_start3A_301 = tpu.memref_slice %arg2[%mul3A_7, %dma_start3A_300] : memref<2560x128xi32, #tpu.memory_space<hbm>> -> memref<160x128xi32, #tpu.memory_space<hbm>>
      %dma_start3A_302 = arith.constant 0 : i32
      %dma_start3A_303 = tpu.memref_slice %arg2[%mul3A_7, %dma_start3A_302] : memref<2560x128xi32, #tpu.memory_space<hbm>> -> memref<160x128xi32, #tpu.memory_space<hbm>>
      tpu.enqueue_dma source(%dma_start3A_303 : memref<160x128xi32, #tpu.memory_space<hbm>>) target(%arg14 : memref<160x128xi32, #tpu.memory_space<vmem>>) target_semaphore(%run_scoped3A : memref<!tpu.dma_semaphore, #tpu.memory_space<semaphore_mem>>)
      %dma_wait3A_304 = arith.constant 0 : i32
      %dma_wait3A_305 = tpu.memref_slice %arg2[%mul3A_7, %dma_wait3A_304] : memref<2560x128xi32, #tpu.memory_space<hbm>> -> memref<160x128xi32, #tpu.memory_space<hbm>>
      %dma_wait3A_306 = arith.constant 0 : i32
      %dma_wait3A_307 = tpu.memref_slice %arg2[%mul3A_7, %dma_wait3A_306] : memref<2560x128xi32, #tpu.memory_space<hbm>> -> memref<160x128xi32, #tpu.memory_space<hbm>>
      tpu.wait_dma2 semaphore(%run_scoped3A : memref<!tpu.dma_semaphore, #tpu.memory_space<semaphore_mem>>) src(%dma_wait3A_307 : memref<160x128xi32, #tpu.memory_space<hbm>>) dst(%arg14 : memref<160x128xi32, #tpu.memory_space<vmem>>)
      tpu.yield
    }) : () -> ()
    %scan3A = arith.constant 0 : i32
    %scan3A_8 = arith.constant 0 : i32
    %scan3A_9 = arith.constant 160 : i32
    %scan3A_10 = arith.addi %scan3A_8, %scan3A_9 : i32
    %scan3A_11 = arith.constant 1 : i32
    scf.for %scan3A_300 = %scan3A_8 to %scan3A_10 step %scan3A_11  : i32 {
      %get3A = arith.index_cast %scan3A_300 : i32 to index
      %get3A_301 = arith.constant 0 : index
      %get3A_302 = tpu.vector_load %arg14[%get3A, %get3A_301] {strides = array<i32>} : memref<160x128xi32, #tpu.memory_space<vmem>>, vector<1x16xi32>,
      %get3A_303 = vector.shape_cast %get3A_302 : vector<1x16xi32> to vector<16xi32>
      %add3A_304 = vector.broadcast %mul3A_5 : i32 to vector<16xi32>
      %add3A_305 = arith.addi %get3A_303, %add3A_304 : vector<16xi32>
      %swap3A = arith.index_cast %scan3A_300 : i32 to index
      %swap3A_306 = arith.constant 0 : index
      %swap3A_307 = tpu.vector_load %arg14[%swap3A, %swap3A_306] {strides = array<i32>} : memref<160x128xi32, #tpu.memory_space<vmem>>, vector<1x16xi32>,
      %swap3A_308 = vector.shape_cast %swap3A_307 : vector<1x16xi32> to vector<16xi32>
      %swap3A_309 = vector.shape_cast %add3A_305 : vector<16xi32> to vector<1x16xi32>
      tpu.vector_store %arg14[%swap3A, %swap3A_306], %swap3A_309 {strides = array<i32>} : memref<160x128xi32, #tpu.memory_space<vmem>>, vector<1x16xi32>,
      %get3A_310 = arith.index_cast %scan3A_300 : i32 to index
      %get3A_311 = arith.constant 16 : index
      %get3A_312 = tpu.vector_load %arg14[%get3A_310, %get3A_311] {strides = array<i32>} : memref<160x128xi32, #tpu.memory_space<vmem>>, vector<1x16xi32>,
      %get3A_313 = vector.shape_cast %get3A_312 : vector<1x16xi32> to vector<16xi32>
      %add3A_314 = vector.broadcast %mul3A_5 : i32 to vector<16xi32>
      %add3A_315 = arith.addi %get3A_313, %add3A_314 : vector<16xi32>
      %swap3A_316 = arith.index_cast %scan3A_300 : i32 to index
      %swap3A_317 = arith.constant 16 : index
      %swap3A_318 = tpu.vector_load %arg14[%swap3A_316, %swap3A_317] {strides = array<i32>} : memref<160x128xi32, #tpu.memory_space<vmem>>, vector<1x16xi32>,
      %swap3A_319 = vector.shape_cast %swap3A_318 : vector<1x16xi32> to vector<16xi32>
      %swap3A_320 = vector.shape_cast %add3A_315 : vector<16xi32> to vector<1x16xi32>
      tpu.vector_store %arg14[%swap3A_316, %swap3A_317], %swap3A_320 {strides = array<i32>} : memref<160x128xi32, #tpu.memory_space<vmem>>, vector<1x16xi32>,
      %get3A_321 = arith.index_cast %scan3A_300 : i32 to index
      %get3A_322 = arith.constant 32 : index
      %get3A_323 = tpu.vector_load %arg14[%get3A_321, %get3A_322] {strides = array<i32>} : memref<160x128xi32, #tpu.memory_space<vmem>>, vector<1x16xi32>,
      %get3A_324 = vector.shape_cast %get3A_323 : vector<1x16xi32> to vector<16xi32>
      %add3A_325 = vector.broadcast %mul3A_5 : i32 to vector<16xi32>
      %add3A_326 = arith.addi %get3A_324, %add3A_325 : vector<16xi32>
      %swap3A_327 = arith.index_cast %scan3A_300 : i32 to index
      %swap3A_328 = arith.constant 32 : index
      %swap3A_329 = tpu.vector_load %arg14[%swap3A_327, %swap3A_328] {strides = array<i32>} : memref<160x128xi32, #tpu.memory_space<vmem>>, vector<1x16xi32>,
      %swap3A_330 = vector.shape_cast %swap3A_329 : vector<1x16xi32> to vector<16xi32>
      %swap3A_331 = vector.shape_cast %add3A_326 : vector<16xi32> to vector<1x16xi32>
      tpu.vector_store %arg14[%swap3A_327, %swap3A_328], %swap3A_331 {strides = array<i32>} : memref<160x128xi32, #tpu.memory_space<vmem>>, vector<1x16xi32>,
      %get3A_332 = arith.index_cast %scan3A_300 : i32 to index
      %get3A_333 = arith.constant 48 : index
      %get3A_334 = tpu.vector_load %arg14[%get3A_332, %get3A_333] {strides = array<i32>} : memref<160x128xi32, #tpu.memory_space<vmem>>, vector<1x16xi32>,
      %get3A_335 = vector.shape_cast %get3A_334 : vector<1x16xi32> to vector<16xi32>
      %add3A_336 = vector.broadcast %mul3A_5 : i32 to vector<16xi32>
      %add3A_337 = arith.addi %get3A_335, %add3A_336 : vector<16xi32>
      %swap3A_338 = arith.index_cast %scan3A_300 : i32 to index
      %swap3A_339 = arith.constant 48 : index
      %swap3A_340 = tpu.vector_load %arg14[%swap3A_338, %swap3A_339] {strides = array<i32>} : memref<160x128xi32, #tpu.memory_space<vmem>>, vector<1x16xi32>,
      %swap3A_341 = vector.shape_cast %swap3A_340 : vector<1x16xi32> to vector<16xi32>
      %swap3A_342 = vector.shape_cast %add3A_337 : vector<16xi32> to vector<1x16xi32>
      tpu.vector_store %arg14[%swap3A_338, %swap3A_339], %swap3A_342 {strides = array<i32>} : memref<160x128xi32, #tpu.memory_space<vmem>>, vector<1x16xi32>,
      %get3A_343 = arith.index_cast %scan3A_300 : i32 to index
      %get3A_344 = arith.constant 64 : index
      %get3A_345 = tpu.vector_load %arg14[%get3A_343, %get3A_344] {strides = array<i32>} : memref<160x128xi32, #tpu.memory_space<vmem>>, vector<1x16xi32>,
      %get3A_346 = vector.shape_cast %get3A_345 : vector<1x16xi32> to vector<16xi32>
      %add3A_347 = vector.broadcast %mul3A_5 : i32 to vector<16xi32>
      %add3A_348 = arith.addi %get3A_346, %add3A_347 : vector<16xi32>
      %swap3A_349 = arith.index_cast %scan3A_300 : i32 to index
      %swap3A_350 = arith.constant 64 : index
      %swap3A_351 = tpu.vector_load %arg14[%swap3A_349, %swap3A_350] {strides = array<i32>} : memref<160x128xi32, #tpu.memory_space<vmem>>, vector<1x16xi32>,
      %swap3A_352 = vector.shape_cast %swap3A_351 : vector<1x16xi32> to vector<16xi32>
      %swap3A_353 = vector.shape_cast %add3A_348 : vector<16xi32> to vector<1x16xi32>
      tpu.vector_store %arg14[%swap3A_349, %swap3A_350], %swap3A_353 {strides = array<i32>} : memref<160x128xi32, #tpu.memory_space<vmem>>, vector<1x16xi32>,
      %get3A_354 = arith.index_cast %scan3A_300 : i32 to index
      %get3A_355 = arith.constant 80 : index
      %get3A_356 = tpu.vector_load %arg14[%get3A_354, %get3A_355] {strides = array<i32>} : memref<160x128xi32, #tpu.memory_space<vmem>>, vector<1x16xi32>,
      %get3A_357 = vector.shape_cast %get3A_356 : vector<1x16xi32> to vector<16xi32>
      %add3A_358 = vector.broadcast %mul3A_5 : i32 to vector<16xi32>
      %add3A_359 = arith.addi %get3A_357, %add3A_358 : vector<16xi32>
      %swap3A_360 = arith.index_cast %scan3A_300 : i32 to index
      %swap3A_361 = arith.constant 80 : index
      %swap3A_362 = tpu.vector_load %arg14[%swap3A_360, %swap3A_361] {strides = array<i32>} : memref<160x128xi32, #tpu.memory_space<vmem>>, vector<1x16xi32>,
      %swap3A_363 = vector.shape_cast %swap3A_362 : vector<1x16xi32> to vector<16xi32>
      %swap3A_364 = vector.shape_cast %add3A_359 : vector<16xi32> to vector<1x16xi32>
      tpu.vector_store %arg14[%swap3A_360, %swap3A_361], %swap3A_364 {strides = array<i32>} : memref<160x128xi32, #tpu.memory_space<vmem>>, vector<1x16xi32>,
      %get3A_365 = arith.index_cast %scan3A_300 : i32 to index
      %get3A_366 = arith.constant 96 : index
      %get3A_367 = tpu.vector_load %arg14[%get3A_365, %get3A_366] {strides = array<i32>} : memref<160x128xi32, #tpu.memory_space<vmem>>, vector<1x16xi32>,
      %get3A_368 = vector.shape_cast %get3A_367 : vector<1x16xi32> to vector<16xi32>
      %add3A_369 = vector.broadcast %mul3A_5 : i32 to vector<16xi32>
      %add3A_370 = arith.addi %get3A_368, %add3A_369 : vector<16xi32>
      %swap3A_371 = arith.index_cast %scan3A_300 : i32 to index
      %swap3A_372 = arith.constant 96 : index
      %swap3A_373 = tpu.vector_load %arg14[%swap3A_371, %swap3A_372] {strides = array<i32>} : memref<160x128xi32, #tpu.memory_space<vmem>>, vector<1x16xi32>,
      %swap3A_374 = vector.shape_cast %swap3A_373 : vector<1x16xi32> to vector<16xi32>
      %swap3A_375 = vector.shape_cast %add3A_370 : vector<16xi32> to vector<1x16xi32>
      tpu.vector_store %arg14[%swap3A_371, %swap3A_372], %swap3A_375 {strides = array<i32>} : memref<160x128xi32, #tpu.memory_space<vmem>>, vector<1x16xi32>,
      %get3A_376 = arith.index_cast %scan3A_300 : i32 to index
      %get3A_377 = arith.constant 112 : index
      %get3A_378 = tpu.vector_load %arg14[%get3A_376, %get3A_377] {strides = array<i32>} : memref<160x128xi32, #tpu.memory_space<vmem>>, vector<1x16xi32>,
      %get3A_379 = vector.shape_cast %get3A_378 : vector<1x16xi32> to vector<16xi32>
      %add3A_380 = vector.broadcast %mul3A_5 : i32 to vector<16xi32>
      %add3A_381 = arith.addi %get3A_379, %add3A_380 : vector<16xi32>
      %swap3A_382 = arith.index_cast %scan3A_300 : i32 to index
      %swap3A_383 = arith.constant 112 : index
      %swap3A_384 = tpu.vector_load %arg14[%swap3A_382, %swap3A_383] {strides = array<i32>} : memref<160x128xi32, #tpu.memory_space<vmem>>, vector<1x16xi32>,
      %swap3A_385 = vector.shape_cast %swap3A_384 : vector<1x16xi32> to vector<16xi32>
      %swap3A_386 = vector.shape_cast %add3A_381 : vector<16xi32> to vector<1x16xi32>
      tpu.vector_store %arg14[%swap3A_382, %swap3A_383], %swap3A_386 {strides = array<i32>} : memref<160x128xi32, #tpu.memory_space<vmem>>, vector<1x16xi32>,
    }
    %scan3A_12 = arith.constant 160 : i32
    "tpu.region"() ({
      %run_scoped3A = tpu.sem_alloc : memref<!tpu.dma_semaphore, #tpu.memory_space<semaphore_mem>>
      tpu.enqueue_dma source(%arg5 : memref<128x64xf32, #tpu.memory_space<hbm>>) target(%arg8 : memref<128x64xf32, #tpu.memory_space<vmem>>) target_semaphore(%run_scoped3A : memref<!tpu.dma_semaphore, #tpu.memory_space<semaphore_mem>>)
      tpu.wait_dma2 semaphore(%run_scoped3A : memref<!tpu.dma_semaphore, #tpu.memory_space<semaphore_mem>>) src(%arg5 : memref<128x64xf32, #tpu.memory_space<hbm>>) dst(%arg8 : memref<128x64xf32, #tpu.memory_space<vmem>>)
      tpu.yield
    }) : () -> ()
    %mul3A_13 = arith.constant 640 : i32
    %mul3A_14 = arith.muli %arg1, %mul3A_13 : i32
    %add3A_15 = arith.constant 0 : i32
    %add3A_16 = arith.addi %mul3A_14, %add3A_15 : i32
    "tpu.region"() ({
      %run_scoped3A = tpu.sem_alloc : memref<!tpu.dma_semaphore, #tpu.memory_space<semaphore_mem>>
      %dma_start3A_300 = arith.constant 0 : i32
      %dma_start3A_301 = tpu.memref_slice %arg7[%add3A_16, %dma_start3A_300] : memref<10240x64xf32, #tpu.memory_space<vmem_shared>> -> memref<128x64xf32, #tpu.memory_space<vmem_shared>>
      %dma_start3A_302 = arith.constant 0 : i32
      %dma_start3A_303 = tpu.memref_slice %arg7[%add3A_16, %dma_start3A_302] : memref<10240x64xf32, #tpu.memory_space<vmem_shared>> -> memref<128x64xf32, #tpu.memory_space<vmem_shared>>
      tpu.enqueue_dma source(%arg8 : memref<128x64xf32, #tpu.memory_space<vmem>>) target(%dma_start3A_303 : memref<128x64xf32, #tpu.memory_space<vmem_shared>>) target_semaphore(%run_scoped3A : memref<!tpu.dma_semaphore, #tpu.memory_space<semaphore_mem>>)
      %dma_wait3A_304 = arith.constant 0 : i32
      %dma_wait3A_305 = tpu.memref_slice %arg7[%add3A_16, %dma_wait3A_304] : memref<10240x64xf32, #tpu.memory_space<vmem_shared>> -> memref<128x64xf32, #tpu.memory_space<vmem_shared>>
      %dma_wait3A_306 = arith.constant 0 : i32
      %dma_wait3A_307 = tpu.memref_slice %arg7[%add3A_16, %dma_wait3A_306] : memref<10240x64xf32, #tpu.memory_space<vmem_shared>> -> memref<128x64xf32, #tpu.memory_space<vmem_shared>>
      tpu.wait_dma2 semaphore(%run_scoped3A : memref<!tpu.dma_semaphore, #tpu.memory_space<semaphore_mem>>) src(%arg8 : memref<128x64xf32, #tpu.memory_space<vmem>>) dst(%dma_wait3A_307 : memref<128x64xf32, #tpu.memory_space<vmem_shared>>)
      tpu.yield
    }) : () -> ()
    %mul3A_17 = arith.constant 640 : i32
    %mul3A_18 = arith.muli %arg1, %mul3A_17 : i32
    %add3A_19 = arith.constant 128 : i32
    %add3A_20 = arith.addi %mul3A_18, %add3A_19 : i32
    "tpu.region"() ({
      %run_scoped3A = tpu.sem_alloc : memref<!tpu.dma_semaphore, #tpu.memory_space<semaphore_mem>>
      %dma_start3A_300 = arith.constant 0 : i32
      %dma_start3A_301 = tpu.memref_slice %arg7[%add3A_20, %dma_start3A_300] : memref<10240x64xf32, #tpu.memory_space<vmem_shared>> -> memref<128x64xf32, #tpu.memory_space<vmem_shared>>
      %dma_start3A_302 = arith.constant 0 : i32
      %dma_start3A_303 = tpu.memref_slice %arg7[%add3A_20, %dma_start3A_302] : memref<10240x64xf32, #tpu.memory_space<vmem_shared>> -> memref<128x64xf32, #tpu.memory_space<vmem_shared>>
      tpu.enqueue_dma source(%arg8 : memref<128x64xf32, #tpu.memory_space<vmem>>) target(%dma_start3A_303 : memref<128x64xf32, #tpu.memory_space<vmem_shared>>) target_semaphore(%run_scoped3A : memref<!tpu.dma_semaphore, #tpu.memory_space<semaphore_mem>>)
      %dma_wait3A_304 = arith.constant 0 : i32
      %dma_wait3A_305 = tpu.memref_slice %arg7[%add3A_20, %dma_wait3A_304] : memref<10240x64xf32, #tpu.memory_space<vmem_shared>> -> memref<128x64xf32, #tpu.memory_space<vmem_shared>>
      %dma_wait3A_306 = arith.constant 0 : i32
      %dma_wait3A_307 = tpu.memref_slice %arg7[%add3A_20, %dma_wait3A_306] : memref<10240x64xf32, #tpu.memory_space<vmem_shared>> -> memref<128x64xf32, #tpu.memory_space<vmem_shared>>
      tpu.wait_dma2 semaphore(%run_scoped3A : memref<!tpu.dma_semaphore, #tpu.memory_space<semaphore_mem>>) src(%arg8 : memref<128x64xf32, #tpu.memory_space<vmem>>) dst(%dma_wait3A_307 : memref<128x64xf32, #tpu.memory_space<vmem_shared>>)
      tpu.yield
    }) : () -> ()
    %mul3A_21 = arith.constant 640 : i32
    %mul3A_22 = arith.muli %arg1, %mul3A_21 : i32
    %add3A_23 = arith.constant 256 : i32
    %add3A_24 = arith.addi %mul3A_22, %add3A_23 : i32
    "tpu.region"() ({
      %run_scoped3A = tpu.sem_alloc : memref<!tpu.dma_semaphore, #tpu.memory_space<semaphore_mem>>
      %dma_start3A_300 = arith.constant 0 : i32
      %dma_start3A_301 = tpu.memref_slice %arg7[%add3A_24, %dma_start3A_300] : memref<10240x64xf32, #tpu.memory_space<vmem_shared>> -> memref<128x64xf32, #tpu.memory_space<vmem_shared>>
      %dma_start3A_302 = arith.constant 0 : i32
      %dma_start3A_303 = tpu.memref_slice %arg7[%add3A_24, %dma_start3A_302] : memref<10240x64xf32, #tpu.memory_space<vmem_shared>> -> memref<128x64xf32, #tpu.memory_space<vmem_shared>>
      tpu.enqueue_dma source(%arg8 : memref<128x64xf32, #tpu.memory_space<vmem>>) target(%dma_start3A_303 : memref<128x64xf32, #tpu.memory_space<vmem_shared>>) target_semaphore(%run_scoped3A : memref<!tpu.dma_semaphore, #tpu.memory_space<semaphore_mem>>)
      %dma_wait3A_304 = arith.constant 0 : i32
      %dma_wait3A_305 = tpu.memref_slice %arg7[%add3A_24, %dma_wait3A_304] : memref<10240x64xf32, #tpu.memory_space<vmem_shared>> -> memref<128x64xf32, #tpu.memory_space<vmem_shared>>
      %dma_wait3A_306 = arith.constant 0 : i32
      %dma_wait3A_307 = tpu.memref_slice %arg7[%add3A_24, %dma_wait3A_306] : memref<10240x64xf32, #tpu.memory_space<vmem_shared>> -> memref<128x64xf32, #tpu.memory_space<vmem_shared>>
      tpu.wait_dma2 semaphore(%run_scoped3A : memref<!tpu.dma_semaphore, #tpu.memory_space<semaphore_mem>>) src(%arg8 : memref<128x64xf32, #tpu.memory_space<vmem>>) dst(%dma_wait3A_307 : memref<128x64xf32, #tpu.memory_space<vmem_shared>>)
      tpu.yield
    }) : () -> ()
    %mul3A_25 = arith.constant 640 : i32
    %mul3A_26 = arith.muli %arg1, %mul3A_25 : i32
    %add3A_27 = arith.constant 384 : i32
    %add3A_28 = arith.addi %mul3A_26, %add3A_27 : i32
    "tpu.region"() ({
      %run_scoped3A = tpu.sem_alloc : memref<!tpu.dma_semaphore, #tpu.memory_space<semaphore_mem>>
      %dma_start3A_300 = arith.constant 0 : i32
      %dma_start3A_301 = tpu.memref_slice %arg7[%add3A_28, %dma_start3A_300] : memref<10240x64xf32, #tpu.memory_space<vmem_shared>> -> memref<128x64xf32, #tpu.memory_space<vmem_shared>>
      %dma_start3A_302 = arith.constant 0 : i32
      %dma_start3A_303 = tpu.memref_slice %arg7[%add3A_28, %dma_start3A_302] : memref<10240x64xf32, #tpu.memory_space<vmem_shared>> -> memref<128x64xf32, #tpu.memory_space<vmem_shared>>
      tpu.enqueue_dma source(%arg8 : memref<128x64xf32, #tpu.memory_space<vmem>>) target(%dma_start3A_303 : memref<128x64xf32, #tpu.memory_space<vmem_shared>>) target_semaphore(%run_scoped3A : memref<!tpu.dma_semaphore, #tpu.memory_space<semaphore_mem>>)
      %dma_wait3A_304 = arith.constant 0 : i32
      %dma_wait3A_305 = tpu.memref_slice %arg7[%add3A_28, %dma_wait3A_304] : memref<10240x64xf32, #tpu.memory_space<vmem_shared>> -> memref<128x64xf32, #tpu.memory_space<vmem_shared>>
      %dma_wait3A_306 = arith.constant 0 : i32
      %dma_wait3A_307 = tpu.memref_slice %arg7[%add3A_28, %dma_wait3A_306] : memref<10240x64xf32, #tpu.memory_space<vmem_shared>> -> memref<128x64xf32, #tpu.memory_space<vmem_shared>>
      tpu.wait_dma2 semaphore(%run_scoped3A : memref<!tpu.dma_semaphore, #tpu.memory_space<semaphore_mem>>) src(%arg8 : memref<128x64xf32, #tpu.memory_space<vmem>>) dst(%dma_wait3A_307 : memref<128x64xf32, #tpu.memory_space<vmem_shared>>)
      tpu.yield
    }) : () -> ()
    %mul3A_29 = arith.constant 640 : i32
    %mul3A_30 = arith.muli %arg1, %mul3A_29 : i32
    %add3A_31 = arith.constant 512 : i32
    %add3A_32 = arith.addi %mul3A_30, %add3A_31 : i32
    "tpu.region"() ({
      %run_scoped3A = tpu.sem_alloc : memref<!tpu.dma_semaphore, #tpu.memory_space<semaphore_mem>>
      %dma_start3A_300 = arith.constant 0 : i32
      %dma_start3A_301 = tpu.memref_slice %arg7[%add3A_32, %dma_start3A_300] : memref<10240x64xf32, #tpu.memory_space<vmem_shared>> -> memref<128x64xf32, #tpu.memory_space<vmem_shared>>
      %dma_start3A_302 = arith.constant 0 : i32
      %dma_start3A_303 = tpu.memref_slice %arg7[%add3A_32, %dma_start3A_302] : memref<10240x64xf32, #tpu.memory_space<vmem_shared>> -> memref<128x64xf32, #tpu.memory_space<vmem_shared>>
      tpu.enqueue_dma source(%arg8 : memref<128x64xf32, #tpu.memory_space<vmem>>) target(%dma_start3A_303 : memref<128x64xf32, #tpu.memory_space<vmem_shared>>) target_semaphore(%run_scoped3A : memref<!tpu.dma_semaphore, #tpu.memory_space<semaphore_mem>>)
      %dma_wait3A_304 = arith.constant 0 : i32
      %dma_wait3A_305 = tpu.memref_slice %arg7[%add3A_32, %dma_wait3A_304] : memref<10240x64xf32, #tpu.memory_space<vmem_shared>> -> memref<128x64xf32, #tpu.memory_space<vmem_shared>>
      %dma_wait3A_306 = arith.constant 0 : i32
      %dma_wait3A_307 = tpu.memref_slice %arg7[%add3A_32, %dma_wait3A_306] : memref<10240x64xf32, #tpu.memory_space<vmem_shared>> -> memref<128x64xf32, #tpu.memory_space<vmem_shared>>
      tpu.wait_dma2 semaphore(%run_scoped3A : memref<!tpu.dma_semaphore, #tpu.memory_space<semaphore_mem>>) src(%arg8 : memref<128x64xf32, #tpu.memory_space<vmem>>) dst(%dma_wait3A_307 : memref<128x64xf32, #tpu.memory_space<vmem_shared>>)
      tpu.yield
    }) : () -> ()
    %barrier3A = arith.constant 0 : index
    tpu.barrier barrier_id(%barrier3A)
    %dma_start3A = arith.constant 0 : i32
    %dma_start3A_33 = arith.constant 0 : i32
    %dma_start3A_34 = tpu.memref_slice %arg14[%dma_start3A, %dma_start3A_33] : memref<160x128xi32, #tpu.memory_space<vmem>> -> memref<1x128xi32, #tpu.memory_space<vmem>>
    %dma_start3A_35 = tpu.memref_squeeze %dma_start3A_34 : memref<1x128xi32, #tpu.memory_space<vmem>> -> memref<128xi32, #tpu.memory_space<vmem>>
    %dma_start3A_36 = arith.constant 0 : i32
    %dma_start3A_37 = arith.constant 0 : i32
    %dma_start3A_38 = tpu.memref_slice %arg4[%dma_start3A_36, %dma_start3A_37] : memref<40000x64xf32, #tpu.memory_space<hbm>> -> memref<40000x64xf32, #tpu.memory_space<hbm>>
    tpu.enqueue_indirect_dma source(%dma_start3A_38 : memref<40000x64xf32, #tpu.memory_space<hbm>>) target(%arg9 : memref<128x64xf32, #tpu.memory_space<vmem>>) offsets(%dma_start3A_35 : memref<128xi32, #tpu.memory_space<vmem>>) semaphore(%arg16 : memref<!tpu.dma_semaphore, #tpu.memory_space<semaphore_mem>>)
    %dma_start3A_39 = arith.constant 1 : i32
    %dma_start3A_40 = arith.constant 0 : i32
    %dma_start3A_41 = tpu.memref_slice %arg14[%dma_start3A_39, %dma_start3A_40] : memref<160x128xi32, #tpu.memory_space<vmem>> -> memref<1x128xi32, #tpu.memory_space<vmem>>
    %dma_start3A_42 = tpu.memref_squeeze %dma_start3A_41 : memref<1x128xi32, #tpu.memory_space<vmem>> -> memref<128xi32, #tpu.memory_space<vmem>>
    %dma_start3A_43 = arith.constant 0 : i32
    %dma_start3A_44 = arith.constant 0 : i32
    %dma_start3A_45 = tpu.memref_slice %arg4[%dma_start3A_43, %dma_start3A_44] : memref<40000x64xf32, #tpu.memory_space<hbm>> -> memref<40000x64xf32, #tpu.memory_space<hbm>>
    tpu.enqueue_indirect_dma source(%dma_start3A_45 : memref<40000x64xf32, #tpu.memory_space<hbm>>) target(%arg10 : memref<128x64xf32, #tpu.memory_space<vmem>>) offsets(%dma_start3A_42 : memref<128xi32, #tpu.memory_space<vmem>>) semaphore(%arg17 : memref<!tpu.dma_semaphore, #tpu.memory_space<semaphore_mem>>)
    %dma_start3A_46 = arith.constant 2 : i32
    %dma_start3A_47 = arith.constant 0 : i32
    %dma_start3A_48 = tpu.memref_slice %arg14[%dma_start3A_46, %dma_start3A_47] : memref<160x128xi32, #tpu.memory_space<vmem>> -> memref<1x128xi32, #tpu.memory_space<vmem>>
    %dma_start3A_49 = tpu.memref_squeeze %dma_start3A_48 : memref<1x128xi32, #tpu.memory_space<vmem>> -> memref<128xi32, #tpu.memory_space<vmem>>
    %dma_start3A_50 = arith.constant 0 : i32
    %dma_start3A_51 = arith.constant 0 : i32
    %dma_start3A_52 = tpu.memref_slice %arg4[%dma_start3A_50, %dma_start3A_51] : memref<40000x64xf32, #tpu.memory_space<hbm>> -> memref<40000x64xf32, #tpu.memory_space<hbm>>
    tpu.enqueue_indirect_dma source(%dma_start3A_52 : memref<40000x64xf32, #tpu.memory_space<hbm>>) target(%arg11 : memref<128x64xf32, #tpu.memory_space<vmem>>) offsets(%dma_start3A_49 : memref<128xi32, #tpu.memory_space<vmem>>) semaphore(%arg18 : memref<!tpu.dma_semaphore, #tpu.memory_space<semaphore_mem>>)
    %dma_start3A_53 = arith.constant 3 : i32
    %dma_start3A_54 = arith.constant 0 : i32
    %dma_start3A_55 = tpu.memref_slice %arg14[%dma_start3A_53, %dma_start3A_54] : memref<160x128xi32, #tpu.memory_space<vmem>> -> memref<1x128xi32, #tpu.memory_space<vmem>>
    %dma_start3A_56 = tpu.memref_squeeze %dma_start3A_55 : memref<1x128xi32, #tpu.memory_space<vmem>> -> memref<128xi32, #tpu.memory_space<vmem>>
    %dma_start3A_57 = arith.constant 0 : i32
    %dma_start3A_58 = arith.constant 0 : i32
    %dma_start3A_59 = tpu.memref_slice %arg4[%dma_start3A_57, %dma_start3A_58] : memref<40000x64xf32, #tpu.memory_space<hbm>> -> memref<40000x64xf32, #tpu.memory_space<hbm>>
    tpu.enqueue_indirect_dma source(%dma_start3A_59 : memref<40000x64xf32, #tpu.memory_space<hbm>>) target(%arg12 : memref<128x64xf32, #tpu.memory_space<vmem>>) offsets(%dma_start3A_56 : memref<128xi32, #tpu.memory_space<vmem>>) semaphore(%arg19 : memref<!tpu.dma_semaphore, #tpu.memory_space<semaphore_mem>>)
    %dma_start3A_60 = arith.constant 4 : i32
    %dma_start3A_61 = arith.constant 0 : i32
    %dma_start3A_62 = tpu.memref_slice %arg14[%dma_start3A_60, %dma_start3A_61] : memref<160x128xi32, #tpu.memory_space<vmem>> -> memref<1x128xi32, #tpu.memory_space<vmem>>
    %dma_start3A_63 = tpu.memref_squeeze %dma_start3A_62 : memref<1x128xi32, #tpu.memory_space<vmem>> -> memref<128xi32, #tpu.memory_space<vmem>>
    %dma_start3A_64 = arith.constant 0 : i32
    %dma_start3A_65 = arith.constant 0 : i32
    %dma_start3A_66 = tpu.memref_slice %arg4[%dma_start3A_64, %dma_start3A_65] : memref<40000x64xf32, #tpu.memory_space<hbm>> -> memref<40000x64xf32, #tpu.memory_space<hbm>>
    tpu.enqueue_indirect_dma source(%dma_start3A_66 : memref<40000x64xf32, #tpu.memory_space<hbm>>) target(%arg13 : memref<128x64xf32, #tpu.memory_space<vmem>>) offsets(%dma_start3A_63 : memref<128xi32, #tpu.memory_space<vmem>>) semaphore(%arg20 : memref<!tpu.dma_semaphore, #tpu.memory_space<semaphore_mem>>)
    %scan3A_67 = arith.constant 0 : i32
    %scan3A_68 = arith.constant 0 : i32
    %scan3A_69 = arith.constant 32 : i32
    %scan3A_70 = arith.addi %scan3A_68, %scan3A_69 : i32
    %scan3A_71 = arith.constant 1 : i32
    scf.for %scan3A_300 = %scan3A_68 to %scan3A_70 step %scan3A_71  : i32 {
      %mul3A_301 = arith.constant 5 : i32
      %mul3A_302 = arith.muli %scan3A_300, %mul3A_301 : i32
      %add3A_303 = arith.constant 0 : i32
      %add3A_304 = arith.addi %mul3A_302, %add3A_303 : i32
      %sub3A = arith.constant 1 : i32
      %sub3A_305 = arith.subi %add3A_304, %sub3A : i32
      %dma_wait3A_306 = arith.constant 0 : i32
      %dma_wait3A_307 = tpu.memref_slice %arg14[%add3A_304, %dma_wait3A_306] : memref<160x128xi32, #tpu.memory_space<vmem>> -> memref<1x128xi32, #tpu.memory_space<vmem>>
      %dma_wait3A_308 = tpu.memref_squeeze %dma_wait3A_307 : memref<1x128xi32, #tpu.memory_space<vmem>> -> memref<128xi32, #tpu.memory_space<vmem>>
      %dma_wait3A_309 = arith.constant 0 : i32
      %dma_wait3A_310 = arith.constant 0 : i32
      %dma_wait3A_311 = tpu.memref_slice %arg4[%dma_wait3A_309, %dma_wait3A_310] : memref<40000x64xf32, #tpu.memory_space<hbm>> -> memref<40000x64xf32, #tpu.memory_space<hbm>>
      tpu.wait_indirect_dma semaphore(%arg16 : memref<!tpu.dma_semaphore, #tpu.memory_space<semaphore_mem>>) src(%dma_wait3A_311 : memref<40000x64xf32, #tpu.memory_space<hbm>>) dst(%arg9 : memref<128x64xf32, #tpu.memory_space<vmem>>)
      %dma_start3A_312 = arith.constant 0 : i32
      %dma_start3A_313 = tpu.memref_slice %arg15[%add3A_304, %dma_start3A_312] : memref<160x128xi32, #tpu.memory_space<vmem>> -> memref<1x128xi32, #tpu.memory_space<vmem>>
      %dma_start3A_314 = tpu.memref_squeeze %dma_start3A_313 : memref<1x128xi32, #tpu.memory_space<vmem>> -> memref<128xi32, #tpu.memory_space<vmem>>
      %dma_start3A_315 = arith.constant 0 : i32
      %dma_start3A_316 = arith.constant 0 : i32
      %dma_start3A_317 = tpu.memref_slice %arg7[%dma_start3A_315, %dma_start3A_316] : memref<10240x64xf32, #tpu.memory_space<vmem_shared>> -> memref<10240x64xf32, #tpu.memory_space<vmem_shared>>
      tpu.enqueue_indirect_dma source(%arg9 : memref<128x64xf32, #tpu.memory_space<vmem>>) target(%dma_start3A_317 : memref<10240x64xf32, #tpu.memory_space<vmem_shared>>) offsets(%dma_start3A_314 : memref<128xi32, #tpu.memory_space<vmem>>) semaphore(%arg21 : memref<!tpu.dma_semaphore, #tpu.memory_space<semaphore_mem>>) {add = true}
      %ge3A = arith.constant 0 : i32
      %ge3A_318 = arith.cmpi sge, %sub3A_305, %ge3A : i32
      %add3A_319 = arith.constant 5 : i32
      %add3A_320 = arith.addi %sub3A_305, %add3A_319 : i32
      %lt3A = arith.constant 160 : i32
      %lt3A_321 = arith.cmpi slt, %add3A_320, %lt3A : i32
      %and3A = arith.andi %ge3A_318, %lt3A_321 : i1
      %convert_element_type3A = arith.extui %and3A : i1 to i32
      %cond3A = arith.constant 0 : i32
      %cond3A_322 = arith.cmpi ne, %convert_element_type3A, %cond3A : i32
      scf.if %cond3A_322 {
        %dma_wait3A_435 = arith.constant 0 : i32
        %dma_wait3A_436 = tpu.memref_slice %arg15[%sub3A_305, %dma_wait3A_435] : memref<160x128xi32, #tpu.memory_space<vmem>> -> memref<1x128xi32, #tpu.memory_space<vmem>>
        %dma_wait3A_437 = tpu.memref_squeeze %dma_wait3A_436 : memref<1x128xi32, #tpu.memory_space<vmem>> -> memref<128xi32, #tpu.memory_space<vmem>>
        %dma_wait3A_438 = arith.constant 0 : i32
        %dma_wait3A_439 = arith.constant 0 : i32
        %dma_wait3A_440 = tpu.memref_slice %arg7[%dma_wait3A_438, %dma_wait3A_439] : memref<10240x64xf32, #tpu.memory_space<vmem_shared>> -> memref<10240x64xf32, #tpu.memory_space<vmem_shared>>
        tpu.wait_indirect_dma semaphore(%arg25 : memref<!tpu.dma_semaphore, #tpu.memory_space<semaphore_mem>>) src(%arg13 : memref<128x64xf32, #tpu.memory_space<vmem>>) dst(%dma_wait3A_440 : memref<10240x64xf32, #tpu.memory_space<vmem_shared>>)
        %add3A_441 = arith.constant 5 : i32
        %add3A_442 = arith.addi %sub3A_305, %add3A_441 : i32
        %dma_start3A_443 = arith.constant 0 : i32
        %dma_start3A_444 = tpu.memref_slice %arg14[%add3A_442, %dma_start3A_443] : memref<160x128xi32, #tpu.memory_space<vmem>> -> memref<1x128xi32, #tpu.memory_space<vmem>>
        %dma_start3A_445 = tpu.memref_squeeze %dma_start3A_444 : memref<1x128xi32, #tpu.memory_space<vmem>> -> memref<128xi32, #tpu.memory_space<vmem>>
        %dma_start3A_446 = arith.constant 0 : i32
        %dma_start3A_447 = arith.constant 0 : i32
        %dma_start3A_448 = tpu.memref_slice %arg4[%dma_start3A_446, %dma_start3A_447] : memref<40000x64xf32, #tpu.memory_space<hbm>> -> memref<40000x64xf32, #tpu.memory_space<hbm>>
        tpu.enqueue_indirect_dma source(%dma_start3A_448 : memref<40000x64xf32, #tpu.memory_space<hbm>>) target(%arg13 : memref<128x64xf32, #tpu.memory_space<vmem>>) offsets(%dma_start3A_445 : memref<128xi32, #tpu.memory_space<vmem>>) semaphore(%arg20 : memref<!tpu.dma_semaphore, #tpu.memory_space<semaphore_mem>>)
      } else {
      }
      %mul3A_323 = arith.constant 5 : i32
      %mul3A_324 = arith.muli %scan3A_300, %mul3A_323 : i32
      %add3A_325 = arith.constant 1 : i32
      %add3A_326 = arith.addi %mul3A_324, %add3A_325 : i32
      %sub3A_327 = arith.constant 1 : i32
      %sub3A_328 = arith.subi %add3A_326, %sub3A_327 : i32
      %dma_wait3A_329 = arith.constant 0 : i32
      %dma_wait3A_330 = tpu.memref_slice %arg14[%add3A_326, %dma_wait3A_329] : memref<160x128xi32, #tpu.memory_space<vmem>> -> memref<1x128xi32, #tpu.memory_space<vmem>>
      %dma_wait3A_331 = tpu.memref_squeeze %dma_wait3A_330 : memref<1x128xi32, #tpu.memory_space<vmem>> -> memref<128xi32, #tpu.memory_space<vmem>>
      %dma_wait3A_332 = arith.constant 0 : i32
      %dma_wait3A_333 = arith.constant 0 : i32
      %dma_wait3A_334 = tpu.memref_slice %arg4[%dma_wait3A_332, %dma_wait3A_333] : memref<40000x64xf32, #tpu.memory_space<hbm>> -> memref<40000x64xf32, #tpu.memory_space<hbm>>
      tpu.wait_indirect_dma semaphore(%arg17 : memref<!tpu.dma_semaphore, #tpu.memory_space<semaphore_mem>>) src(%dma_wait3A_334 : memref<40000x64xf32, #tpu.memory_space<hbm>>) dst(%arg10 : memref<128x64xf32, #tpu.memory_space<vmem>>)
      %dma_start3A_335 = arith.constant 0 : i32
      %dma_start3A_336 = tpu.memref_slice %arg15[%add3A_326, %dma_start3A_335] : memref<160x128xi32, #tpu.memory_space<vmem>> -> memref<1x128xi32, #tpu.memory_space<vmem>>
      %dma_start3A_337 = tpu.memref_squeeze %dma_start3A_336 : memref<1x128xi32, #tpu.memory_space<vmem>> -> memref<128xi32, #tpu.memory_space<vmem>>
      %dma_start3A_338 = arith.constant 0 : i32
      %dma_start3A_339 = arith.constant 0 : i32
      %dma_start3A_340 = tpu.memref_slice %arg7[%dma_start3A_338, %dma_start3A_339] : memref<10240x64xf32, #tpu.memory_space<vmem_shared>> -> memref<10240x64xf32, #tpu.memory_space<vmem_shared>>
      tpu.enqueue_indirect_dma source(%arg10 : memref<128x64xf32, #tpu.memory_space<vmem>>) target(%dma_start3A_340 : memref<10240x64xf32, #tpu.memory_space<vmem_shared>>) offsets(%dma_start3A_337 : memref<128xi32, #tpu.memory_space<vmem>>) semaphore(%arg22 : memref<!tpu.dma_semaphore, #tpu.memory_space<semaphore_mem>>) {add = true}
      %ge3A_341 = arith.constant 0 : i32
      %ge3A_342 = arith.cmpi sge, %sub3A_328, %ge3A_341 : i32
      %add3A_343 = arith.constant 5 : i32
      %add3A_344 = arith.addi %sub3A_328, %add3A_343 : i32
      %lt3A_345 = arith.constant 160 : i32
      %lt3A_346 = arith.cmpi slt, %add3A_344, %lt3A_345 : i32
      %and3A_347 = arith.andi %ge3A_342, %lt3A_346 : i1
      %convert_element_type3A_348 = arith.extui %and3A_347 : i1 to i32
      %cond3A_349 = arith.constant 0 : i32
      %cond3A_350 = arith.cmpi ne, %convert_element_type3A_348, %cond3A_349 : i32
      scf.if %cond3A_350 {
        %dma_wait3A_435 = arith.constant 0 : i32
        %dma_wait3A_436 = tpu.memref_slice %arg15[%sub3A_328, %dma_wait3A_435] : memref<160x128xi32, #tpu.memory_space<vmem>> -> memref<1x128xi32, #tpu.memory_space<vmem>>
        %dma_wait3A_437 = tpu.memref_squeeze %dma_wait3A_436 : memref<1x128xi32, #tpu.memory_space<vmem>> -> memref<128xi32, #tpu.memory_space<vmem>>
        %dma_wait3A_438 = arith.constant 0 : i32
        %dma_wait3A_439 = arith.constant 0 : i32
        %dma_wait3A_440 = tpu.memref_slice %arg7[%dma_wait3A_438, %dma_wait3A_439] : memref<10240x64xf32, #tpu.memory_space<vmem_shared>> -> memref<10240x64xf32, #tpu.memory_space<vmem_shared>>
        tpu.wait_indirect_dma semaphore(%arg21 : memref<!tpu.dma_semaphore, #tpu.memory_space<semaphore_mem>>) src(%arg9 : memref<128x64xf32, #tpu.memory_space<vmem>>) dst(%dma_wait3A_440 : memref<10240x64xf32, #tpu.memory_space<vmem_shared>>)
        %add3A_441 = arith.constant 5 : i32
        %add3A_442 = arith.addi %sub3A_328, %add3A_441 : i32
        %dma_start3A_443 = arith.constant 0 : i32
        %dma_start3A_444 = tpu.memref_slice %arg14[%add3A_442, %dma_start3A_443] : memref<160x128xi32, #tpu.memory_space<vmem>> -> memref<1x128xi32, #tpu.memory_space<vmem>>
        %dma_start3A_445 = tpu.memref_squeeze %dma_start3A_444 : memref<1x128xi32, #tpu.memory_space<vmem>> -> memref<128xi32, #tpu.memory_space<vmem>>
        %dma_start3A_446 = arith.constant 0 : i32
        %dma_start3A_447 = arith.constant 0 : i32
        %dma_start3A_448 = tpu.memref_slice %arg4[%dma_start3A_446, %dma_start3A_447] : memref<40000x64xf32, #tpu.memory_space<hbm>> -> memref<40000x64xf32, #tpu.memory_space<hbm>>
        tpu.enqueue_indirect_dma source(%dma_start3A_448 : memref<40000x64xf32, #tpu.memory_space<hbm>>) target(%arg9 : memref<128x64xf32, #tpu.memory_space<vmem>>) offsets(%dma_start3A_445 : memref<128xi32, #tpu.memory_space<vmem>>) semaphore(%arg16 : memref<!tpu.dma_semaphore, #tpu.memory_space<semaphore_mem>>)
      } else {
      }
      %mul3A_351 = arith.constant 5 : i32
      %mul3A_352 = arith.muli %scan3A_300, %mul3A_351 : i32
      %add3A_353 = arith.constant 2 : i32
      %add3A_354 = arith.addi %mul3A_352, %add3A_353 : i32
      %sub3A_355 = arith.constant 1 : i32
      %sub3A_356 = arith.subi %add3A_354, %sub3A_355 : i32
      %dma_wait3A_357 = arith.constant 0 : i32
      %dma_wait3A_358 = tpu.memref_slice %arg14[%add3A_354, %dma_wait3A_357] : memref<160x128xi32, #tpu.memory_space<vmem>> -> memref<1x128xi32, #tpu.memory_space<vmem>>
      %dma_wait3A_359 = tpu.memref_squeeze %dma_wait3A_358 : memref<1x128xi32, #tpu.memory_space<vmem>> -> memref<128xi32, #tpu.memory_space<vmem>>
      %dma_wait3A_360 = arith.constant 0 : i32
      %dma_wait3A_361 = arith.constant 0 : i32
      %dma_wait3A_362 = tpu.memref_slice %arg4[%dma_wait3A_360, %dma_wait3A_361] : memref<40000x64xf32, #tpu.memory_space<hbm>> -> memref<40000x64xf32, #tpu.memory_space<hbm>>
      tpu.wait_indirect_dma semaphore(%arg18 : memref<!tpu.dma_semaphore, #tpu.memory_space<semaphore_mem>>) src(%dma_wait3A_362 : memref<40000x64xf32, #tpu.memory_space<hbm>>) dst(%arg11 : memref<128x64xf32, #tpu.memory_space<vmem>>)
      %dma_start3A_363 = arith.constant 0 : i32
      %dma_start3A_364 = tpu.memref_slice %arg15[%add3A_354, %dma_start3A_363] : memref<160x128xi32, #tpu.memory_space<vmem>> -> memref<1x128xi32, #tpu.memory_space<vmem>>
      %dma_start3A_365 = tpu.memref_squeeze %dma_start3A_364 : memref<1x128xi32, #tpu.memory_space<vmem>> -> memref<128xi32, #tpu.memory_space<vmem>>
      %dma_start3A_366 = arith.constant 0 : i32
      %dma_start3A_367 = arith.constant 0 : i32
      %dma_start3A_368 = tpu.memref_slice %arg7[%dma_start3A_366, %dma_start3A_367] : memref<10240x64xf32, #tpu.memory_space<vmem_shared>> -> memref<10240x64xf32, #tpu.memory_space<vmem_shared>>
      tpu.enqueue_indirect_dma source(%arg11 : memref<128x64xf32, #tpu.memory_space<vmem>>) target(%dma_start3A_368 : memref<10240x64xf32, #tpu.memory_space<vmem_shared>>) offsets(%dma_start3A_365 : memref<128xi32, #tpu.memory_space<vmem>>) semaphore(%arg23 : memref<!tpu.dma_semaphore, #tpu.memory_space<semaphore_mem>>) {add = true}
      %ge3A_369 = arith.constant 0 : i32
      %ge3A_370 = arith.cmpi sge, %sub3A_356, %ge3A_369 : i32
      %add3A_371 = arith.constant 5 : i32
      %add3A_372 = arith.addi %sub3A_356, %add3A_371 : i32
      %lt3A_373 = arith.constant 160 : i32
      %lt3A_374 = arith.cmpi slt, %add3A_372, %lt3A_373 : i32
      %and3A_375 = arith.andi %ge3A_370, %lt3A_374 : i1
      %convert_element_type3A_376 = arith.extui %and3A_375 : i1 to i32
      %cond3A_377 = arith.constant 0 : i32
      %cond3A_378 = arith.cmpi ne, %convert_element_type3A_376, %cond3A_377 : i32
      scf.if %cond3A_378 {
        %dma_wait3A_435 = arith.constant 0 : i32
        %dma_wait3A_436 = tpu.memref_slice %arg15[%sub3A_356, %dma_wait3A_435] : memref<160x128xi32, #tpu.memory_space<vmem>> -> memref<1x128xi32, #tpu.memory_space<vmem>>
        %dma_wait3A_437 = tpu.memref_squeeze %dma_wait3A_436 : memref<1x128xi32, #tpu.memory_space<vmem>> -> memref<128xi32, #tpu.memory_space<vmem>>
        %dma_wait3A_438 = arith.constant 0 : i32
        %dma_wait3A_439 = arith.constant 0 : i32
        %dma_wait3A_440 = tpu.memref_slice %arg7[%dma_wait3A_438, %dma_wait3A_439] : memref<10240x64xf32, #tpu.memory_space<vmem_shared>> -> memref<10240x64xf32, #tpu.memory_space<vmem_shared>>
        tpu.wait_indirect_dma semaphore(%arg22 : memref<!tpu.dma_semaphore, #tpu.memory_space<semaphore_mem>>) src(%arg10 : memref<128x64xf32, #tpu.memory_space<vmem>>) dst(%dma_wait3A_440 : memref<10240x64xf32, #tpu.memory_space<vmem_shared>>)
        %add3A_441 = arith.constant 5 : i32
        %add3A_442 = arith.addi %sub3A_356, %add3A_441 : i32
        %dma_start3A_443 = arith.constant 0 : i32
        %dma_start3A_444 = tpu.memref_slice %arg14[%add3A_442, %dma_start3A_443] : memref<160x128xi32, #tpu.memory_space<vmem>> -> memref<1x128xi32, #tpu.memory_space<vmem>>
        %dma_start3A_445 = tpu.memref_squeeze %dma_start3A_444 : memref<1x128xi32, #tpu.memory_space<vmem>> -> memref<128xi32, #tpu.memory_space<vmem>>
        %dma_start3A_446 = arith.constant 0 : i32
        %dma_start3A_447 = arith.constant 0 : i32
        %dma_start3A_448 = tpu.memref_slice %arg4[%dma_start3A_446, %dma_start3A_447] : memref<40000x64xf32, #tpu.memory_space<hbm>> -> memref<40000x64xf32, #tpu.memory_space<hbm>>
        tpu.enqueue_indirect_dma source(%dma_start3A_448 : memref<40000x64xf32, #tpu.memory_space<hbm>>) target(%arg10 : memref<128x64xf32, #tpu.memory_space<vmem>>) offsets(%dma_start3A_445 : memref<128xi32, #tpu.memory_space<vmem>>) semaphore(%arg17 : memref<!tpu.dma_semaphore, #tpu.memory_space<semaphore_mem>>)
      } else {
      }
      %mul3A_379 = arith.constant 5 : i32
      %mul3A_380 = arith.muli %scan3A_300, %mul3A_379 : i32
      %add3A_381 = arith.constant 3 : i32
      %add3A_382 = arith.addi %mul3A_380, %add3A_381 : i32
      %sub3A_383 = arith.constant 1 : i32
      %sub3A_384 = arith.subi %add3A_382, %sub3A_383 : i32
      %dma_wait3A_385 = arith.constant 0 : i32
      %dma_wait3A_386 = tpu.memref_slice %arg14[%add3A_382, %dma_wait3A_385] : memref<160x128xi32, #tpu.memory_space<vmem>> -> memref<1x128xi32, #tpu.memory_space<vmem>>
      %dma_wait3A_387 = tpu.memref_squeeze %dma_wait3A_386 : memref<1x128xi32, #tpu.memory_space<vmem>> -> memref<128xi32, #tpu.memory_space<vmem>>
      %dma_wait3A_388 = arith.constant 0 : i32
      %dma_wait3A_389 = arith.constant 0 : i32
      %dma_wait3A_390 = tpu.memref_slice %arg4[%dma_wait3A_388, %dma_wait3A_389] : memref<40000x64xf32, #tpu.memory_space<hbm>> -> memref<40000x64xf32, #tpu.memory_space<hbm>>
      tpu.wait_indirect_dma semaphore(%arg19 : memref<!tpu.dma_semaphore, #tpu.memory_space<semaphore_mem>>) src(%dma_wait3A_390 : memref<40000x64xf32, #tpu.memory_space<hbm>>) dst(%arg12 : memref<128x64xf32, #tpu.memory_space<vmem>>)
      %dma_start3A_391 = arith.constant 0 : i32
      %dma_start3A_392 = tpu.memref_slice %arg15[%add3A_382, %dma_start3A_391] : memref<160x128xi32, #tpu.memory_space<vmem>> -> memref<1x128xi32, #tpu.memory_space<vmem>>
      %dma_start3A_393 = tpu.memref_squeeze %dma_start3A_392 : memref<1x128xi32, #tpu.memory_space<vmem>> -> memref<128xi32, #tpu.memory_space<vmem>>
      %dma_start3A_394 = arith.constant 0 : i32
      %dma_start3A_395 = arith.constant 0 : i32
      %dma_start3A_396 = tpu.memref_slice %arg7[%dma_start3A_394, %dma_start3A_395] : memref<10240x64xf32, #tpu.memory_space<vmem_shared>> -> memref<10240x64xf32, #tpu.memory_space<vmem_shared>>
      tpu.enqueue_indirect_dma source(%arg12 : memref<128x64xf32, #tpu.memory_space<vmem>>) target(%dma_start3A_396 : memref<10240x64xf32, #tpu.memory_space<vmem_shared>>) offsets(%dma_start3A_393 : memref<128xi32, #tpu.memory_space<vmem>>) semaphore(%arg24 : memref<!tpu.dma_semaphore, #tpu.memory_space<semaphore_mem>>) {add = true}
      %ge3A_397 = arith.constant 0 : i32
      %ge3A_398 = arith.cmpi sge, %sub3A_384, %ge3A_397 : i32
      %add3A_399 = arith.constant 5 : i32
      %add3A_400 = arith.addi %sub3A_384, %add3A_399 : i32
      %lt3A_401 = arith.constant 160 : i32
      %lt3A_402 = arith.cmpi slt, %add3A_400, %lt3A_401 : i32
      %and3A_403 = arith.andi %ge3A_398, %lt3A_402 : i1
      %convert_element_type3A_404 = arith.extui %and3A_403 : i1 to i32
      %cond3A_405 = arith.constant 0 : i32
      %cond3A_406 = arith.cmpi ne, %convert_element_type3A_404, %cond3A_405 : i32
      scf.if %cond3A_406 {
        %dma_wait3A_435 = arith.constant 0 : i32
        %dma_wait3A_436 = tpu.memref_slice %arg15[%sub3A_384, %dma_wait3A_435] : memref<160x128xi32, #tpu.memory_space<vmem>> -> memref<1x128xi32, #tpu.memory_space<vmem>>
        %dma_wait3A_437 = tpu.memref_squeeze %dma_wait3A_436 : memref<1x128xi32, #tpu.memory_space<vmem>> -> memref<128xi32, #tpu.memory_space<vmem>>
        %dma_wait3A_438 = arith.constant 0 : i32
        %dma_wait3A_439 = arith.constant 0 : i32
        %dma_wait3A_440 = tpu.memref_slice %arg7[%dma_wait3A_438, %dma_wait3A_439] : memref<10240x64xf32, #tpu.memory_space<vmem_shared>> -> memref<10240x64xf32, #tpu.memory_space<vmem_shared>>
        tpu.wait_indirect_dma semaphore(%arg23 : memref<!tpu.dma_semaphore, #tpu.memory_space<semaphore_mem>>) src(%arg11 : memref<128x64xf32, #tpu.memory_space<vmem>>) dst(%dma_wait3A_440 : memref<10240x64xf32, #tpu.memory_space<vmem_shared>>)
        %add3A_441 = arith.constant 5 : i32
        %add3A_442 = arith.addi %sub3A_384, %add3A_441 : i32
        %dma_start3A_443 = arith.constant 0 : i32
        %dma_start3A_444 = tpu.memref_slice %arg14[%add3A_442, %dma_start3A_443] : memref<160x128xi32, #tpu.memory_space<vmem>> -> memref<1x128xi32, #tpu.memory_space<vmem>>
        %dma_start3A_445 = tpu.memref_squeeze %dma_start3A_444 : memref<1x128xi32, #tpu.memory_space<vmem>> -> memref<128xi32, #tpu.memory_space<vmem>>
        %dma_start3A_446 = arith.constant 0 : i32
        %dma_start3A_447 = arith.constant 0 : i32
        %dma_start3A_448 = tpu.memref_slice %arg4[%dma_start3A_446, %dma_start3A_447] : memref<40000x64xf32, #tpu.memory_space<hbm>> -> memref<40000x64xf32, #tpu.memory_space<hbm>>
        tpu.enqueue_indirect_dma source(%dma_start3A_448 : memref<40000x64xf32, #tpu.memory_space<hbm>>) target(%arg11 : memref<128x64xf32, #tpu.memory_space<vmem>>) offsets(%dma_start3A_445 : memref<128xi32, #tpu.memory_space<vmem>>) semaphore(%arg18 : memref<!tpu.dma_semaphore, #tpu.memory_space<semaphore_mem>>)
      } else {
      }
      %mul3A_407 = arith.constant 5 : i32
      %mul3A_408 = arith.muli %scan3A_300, %mul3A_407 : i32
      %add3A_409 = arith.constant 4 : i32
      %add3A_410 = arith.addi %mul3A_408, %add3A_409 : i32
      %sub3A_411 = arith.constant 1 : i32
      %sub3A_412 = arith.subi %add3A_410, %sub3A_411 : i32
      %dma_wait3A_413 = arith.constant 0 : i32
      %dma_wait3A_414 = tpu.memref_slice %arg14[%add3A_410, %dma_wait3A_413] : memref<160x128xi32, #tpu.memory_space<vmem>> -> memref<1x128xi32, #tpu.memory_space<vmem>>
      %dma_wait3A_415 = tpu.memref_squeeze %dma_wait3A_414 : memref<1x128xi32, #tpu.memory_space<vmem>> -> memref<128xi32, #tpu.memory_space<vmem>>
      %dma_wait3A_416 = arith.constant 0 : i32
      %dma_wait3A_417 = arith.constant 0 : i32
      %dma_wait3A_418 = tpu.memref_slice %arg4[%dma_wait3A_416, %dma_wait3A_417] : memref<40000x64xf32, #tpu.memory_space<hbm>> -> memref<40000x64xf32, #tpu.memory_space<hbm>>
      tpu.wait_indirect_dma semaphore(%arg20 : memref<!tpu.dma_semaphore, #tpu.memory_space<semaphore_mem>>) src(%dma_wait3A_418 : memref<40000x64xf32, #tpu.memory_space<hbm>>) dst(%arg13 : memref<128x64xf32, #tpu.memory_space<vmem>>)
      %dma_start3A_419 = arith.constant 0 : i32
      %dma_start3A_420 = tpu.memref_slice %arg15[%add3A_410, %dma_start3A_419] : memref<160x128xi32, #tpu.memory_space<vmem>> -> memref<1x128xi32, #tpu.memory_space<vmem>>
      %dma_start3A_421 = tpu.memref_squeeze %dma_start3A_420 : memref<1x128xi32, #tpu.memory_space<vmem>> -> memref<128xi32, #tpu.memory_space<vmem>>
      %dma_start3A_422 = arith.constant 0 : i32
      %dma_start3A_423 = arith.constant 0 : i32
      %dma_start3A_424 = tpu.memref_slice %arg7[%dma_start3A_422, %dma_start3A_423] : memref<10240x64xf32, #tpu.memory_space<vmem_shared>> -> memref<10240x64xf32, #tpu.memory_space<vmem_shared>>
      tpu.enqueue_indirect_dma source(%arg13 : memref<128x64xf32, #tpu.memory_space<vmem>>) target(%dma_start3A_424 : memref<10240x64xf32, #tpu.memory_space<vmem_shared>>) offsets(%dma_start3A_421 : memref<128xi32, #tpu.memory_space<vmem>>) semaphore(%arg25 : memref<!tpu.dma_semaphore, #tpu.memory_space<semaphore_mem>>) {add = true}
      %ge3A_425 = arith.constant 0 : i32
      %ge3A_426 = arith.cmpi sge, %sub3A_412, %ge3A_425 : i32
      %add3A_427 = arith.constant 5 : i32
      %add3A_428 = arith.addi %sub3A_412, %add3A_427 : i32
      %lt3A_429 = arith.constant 160 : i32
      %lt3A_430 = arith.cmpi slt, %add3A_428, %lt3A_429 : i32
      %and3A_431 = arith.andi %ge3A_426, %lt3A_430 : i1
      %convert_element_type3A_432 = arith.extui %and3A_431 : i1 to i32
      %cond3A_433 = arith.constant 0 : i32
      %cond3A_434 = arith.cmpi ne, %convert_element_type3A_432, %cond3A_433 : i32
      scf.if %cond3A_434 {
        %dma_wait3A_435 = arith.constant 0 : i32
        %dma_wait3A_436 = tpu.memref_slice %arg15[%sub3A_412, %dma_wait3A_435] : memref<160x128xi32, #tpu.memory_space<vmem>> -> memref<1x128xi32, #tpu.memory_space<vmem>>
        %dma_wait3A_437 = tpu.memref_squeeze %dma_wait3A_436 : memref<1x128xi32, #tpu.memory_space<vmem>> -> memref<128xi32, #tpu.memory_space<vmem>>
        %dma_wait3A_438 = arith.constant 0 : i32
        %dma_wait3A_439 = arith.constant 0 : i32
        %dma_wait3A_440 = tpu.memref_slice %arg7[%dma_wait3A_438, %dma_wait3A_439] : memref<10240x64xf32, #tpu.memory_space<vmem_shared>> -> memref<10240x64xf32, #tpu.memory_space<vmem_shared>>
        tpu.wait_indirect_dma semaphore(%arg24 : memref<!tpu.dma_semaphore, #tpu.memory_space<semaphore_mem>>) src(%arg12 : memref<128x64xf32, #tpu.memory_space<vmem>>) dst(%dma_wait3A_440 : memref<10240x64xf32, #tpu.memory_space<vmem_shared>>)
        %add3A_441 = arith.constant 5 : i32
        %add3A_442 = arith.addi %sub3A_412, %add3A_441 : i32
        %dma_start3A_443 = arith.constant 0 : i32
        %dma_start3A_444 = tpu.memref_slice %arg14[%add3A_442, %dma_start3A_443] : memref<160x128xi32, #tpu.memory_space<vmem>> -> memref<1x128xi32, #tpu.memory_space<vmem>>
        %dma_start3A_445 = tpu.memref_squeeze %dma_start3A_444 : memref<1x128xi32, #tpu.memory_space<vmem>> -> memref<128xi32, #tpu.memory_space<vmem>>
        %dma_start3A_446 = arith.constant 0 : i32
        %dma_start3A_447 = arith.constant 0 : i32
        %dma_start3A_448 = tpu.memref_slice %arg4[%dma_start3A_446, %dma_start3A_447] : memref<40000x64xf32, #tpu.memory_space<hbm>> -> memref<40000x64xf32, #tpu.memory_space<hbm>>
        tpu.enqueue_indirect_dma source(%dma_start3A_448 : memref<40000x64xf32, #tpu.memory_space<hbm>>) target(%arg12 : memref<128x64xf32, #tpu.memory_space<vmem>>) offsets(%dma_start3A_445 : memref<128xi32, #tpu.memory_space<vmem>>) semaphore(%arg19 : memref<!tpu.dma_semaphore, #tpu.memory_space<semaphore_mem>>)
      } else {
      }
    }
    %scan3A_72 = arith.constant 32 : i32
    %dma_wait3A = arith.constant 155 : i32
    %dma_wait3A_73 = arith.constant 0 : i32
    %dma_wait3A_74 = tpu.memref_slice %arg15[%dma_wait3A, %dma_wait3A_73] : memref<160x128xi32, #tpu.memory_space<vmem>> -> memref<1x128xi32, #tpu.memory_space<vmem>>
    %dma_wait3A_75 = tpu.memref_squeeze %dma_wait3A_74 : memref<1x128xi32, #tpu.memory_space<vmem>> -> memref<128xi32, #tpu.memory_space<vmem>>
    %dma_wait3A_76 = arith.constant 0 : i32
    %dma_wait3A_77 = arith.constant 0 : i32
    %dma_wait3A_78 = tpu.memref_slice %arg7[%dma_wait3A_76, %dma_wait3A_77] : memref<10240x64xf32, #tpu.memory_space<vmem_shared>> -> memref<10240x64xf32, #tpu.memory_space<vmem_shared>>
    tpu.wait_indirect_dma semaphore(%arg21 : memref<!tpu.dma_semaphore, #tpu.memory_space<semaphore_mem>>) src(%arg9 : memref<128x64xf32, #tpu.memory_space<vmem>>) dst(%dma_wait3A_78 : memref<10240x64xf32, #tpu.memory_space<vmem_shared>>)
    %dma_wait3A_79 = arith.constant 156 : i32
    %dma_wait3A_80 = arith.constant 0 : i32
    %dma_wait3A_81 = tpu.memref_slice %arg15[%dma_wait3A_79, %dma_wait3A_80] : memref<160x128xi32, #tpu.memory_space<vmem>> -> memref<1x128xi32, #tpu.memory_space<vmem>>
    %dma_wait3A_82 = tpu.memref_squeeze %dma_wait3A_81 : memref<1x128xi32, #tpu.memory_space<vmem>> -> memref<128xi32, #tpu.memory_space<vmem>>
    %dma_wait3A_83 = arith.constant 0 : i32
    %dma_wait3A_84 = arith.constant 0 : i32
    %dma_wait3A_85 = tpu.memref_slice %arg7[%dma_wait3A_83, %dma_wait3A_84] : memref<10240x64xf32, #tpu.memory_space<vmem_shared>> -> memref<10240x64xf32, #tpu.memory_space<vmem_shared>>
    tpu.wait_indirect_dma semaphore(%arg22 : memref<!tpu.dma_semaphore, #tpu.memory_space<semaphore_mem>>) src(%arg10 : memref<128x64xf32, #tpu.memory_space<vmem>>) dst(%dma_wait3A_85 : memref<10240x64xf32, #tpu.memory_space<vmem_shared>>)
    %dma_wait3A_86 = arith.constant 157 : i32
    %dma_wait3A_87 = arith.constant 0 : i32
    %dma_wait3A_88 = tpu.memref_slice %arg15[%dma_wait3A_86, %dma_wait3A_87] : memref<160x128xi32, #tpu.memory_space<vmem>> -> memref<1x128xi32, #tpu.memory_space<vmem>>
    %dma_wait3A_89 = tpu.memref_squeeze %dma_wait3A_88 : memref<1x128xi32, #tpu.memory_space<vmem>> -> memref<128xi32, #tpu.memory_space<vmem>>
    %dma_wait3A_90 = arith.constant 0 : i32
    %dma_wait3A_91 = arith.constant 0 : i32
    %dma_wait3A_92 = tpu.memref_slice %arg7[%dma_wait3A_90, %dma_wait3A_91] : memref<10240x64xf32, #tpu.memory_space<vmem_shared>> -> memref<10240x64xf32, #tpu.memory_space<vmem_shared>>
    tpu.wait_indirect_dma semaphore(%arg23 : memref<!tpu.dma_semaphore, #tpu.memory_space<semaphore_mem>>) src(%arg11 : memref<128x64xf32, #tpu.memory_space<vmem>>) dst(%dma_wait3A_92 : memref<10240x64xf32, #tpu.memory_space<vmem_shared>>)
    %dma_wait3A_93 = arith.constant 158 : i32
    %dma_wait3A_94 = arith.constant 0 : i32
    %dma_wait3A_95 = tpu.memref_slice %arg15[%dma_wait3A_93, %dma_wait3A_94] : memref<160x128xi32, #tpu.memory_space<vmem>> -> memref<1x128xi32, #tpu.memory_space<vmem>>
    %dma_wait3A_96 = tpu.memref_squeeze %dma_wait3A_95 : memref<1x128xi32, #tpu.memory_space<vmem>> -> memref<128xi32, #tpu.memory_space<vmem>>
    %dma_wait3A_97 = arith.constant 0 : i32
    %dma_wait3A_98 = arith.constant 0 : i32
    %dma_wait3A_99 = tpu.memref_slice %arg7[%dma_wait3A_97, %dma_wait3A_98] : memref<10240x64xf32, #tpu.memory_space<vmem_shared>> -> memref<10240x64xf32, #tpu.memory_space<vmem_shared>>
    tpu.wait_indirect_dma semaphore(%arg24 : memref<!tpu.dma_semaphore, #tpu.memory_space<semaphore_mem>>) src(%arg12 : memref<128x64xf32, #tpu.memory_space<vmem>>) dst(%dma_wait3A_99 : memref<10240x64xf32, #tpu.memory_space<vmem_shared>>)
    %dma_wait3A_100 = arith.constant 159 : i32
    %dma_wait3A_101 = arith.constant 0 : i32
    %dma_wait3A_102 = tpu.memref_slice %arg15[%dma_wait3A_100, %dma_wait3A_101] : memref<160x128xi32, #tpu.memory_space<vmem>> -> memref<1x128xi32, #tpu.memory_space<vmem>>
    %dma_wait3A_103 = tpu.memref_squeeze %dma_wait3A_102 : memref<1x128xi32, #tpu.memory_space<vmem>> -> memref<128xi32, #tpu.memory_space<vmem>>
    %dma_wait3A_104 = arith.constant 0 : i32
    %dma_wait3A_105 = arith.constant 0 : i32
    %dma_wait3A_106 = tpu.memref_slice %arg7[%dma_wait3A_104, %dma_wait3A_105] : memref<10240x64xf32, #tpu.memory_space<vmem_shared>> -> memref<10240x64xf32, #tpu.memory_space<vmem_shared>>
    tpu.wait_indirect_dma semaphore(%arg25 : memref<!tpu.dma_semaphore, #tpu.memory_space<semaphore_mem>>) src(%arg13 : memref<128x64xf32, #tpu.memory_space<vmem>>) dst(%dma_wait3A_106 : memref<10240x64xf32, #tpu.memory_space<vmem_shared>>)
    %barrier3A_107 = arith.constant 0 : index
    tpu.barrier barrier_id(%barrier3A_107)
    %mul3A_108 = arith.constant 640 : i32
    %mul3A_109 = arith.muli %arg1, %mul3A_108 : i32
    %add3A_110 = arith.constant 0 : i32
    %add3A_111 = arith.addi %mul3A_109, %add3A_110 : i32
    "tpu.region"() ({
      %run_scoped3A = tpu.sem_alloc : memref<!tpu.dma_semaphore, #tpu.memory_space<semaphore_mem>>
      %dma_start3A_300 = arith.constant 0 : i32
      %dma_start3A_301 = tpu.memref_slice %arg7[%add3A_111, %dma_start3A_300] : memref<10240x64xf32, #tpu.memory_space<vmem_shared>> -> memref<128x64xf32, #tpu.memory_space<vmem_shared>>
      %dma_start3A_302 = arith.constant 0 : i32
      %dma_start3A_303 = tpu.memref_slice %arg7[%add3A_111, %dma_start3A_302] : memref<10240x64xf32, #tpu.memory_space<vmem_shared>> -> memref<128x64xf32, #tpu.memory_space<vmem_shared>>
      tpu.enqueue_dma source(%dma_start3A_303 : memref<128x64xf32, #tpu.memory_space<vmem_shared>>) target(%arg8 : memref<128x64xf32, #tpu.memory_space<vmem>>) target_semaphore(%run_scoped3A : memref<!tpu.dma_semaphore, #tpu.memory_space<semaphore_mem>>)
      %dma_wait3A_304 = arith.constant 0 : i32
      %dma_wait3A_305 = tpu.memref_slice %arg7[%add3A_111, %dma_wait3A_304] : memref<10240x64xf32, #tpu.memory_space<vmem_shared>> -> memref<128x64xf32, #tpu.memory_space<vmem_shared>>
      %dma_wait3A_306 = arith.constant 0 : i32
      %dma_wait3A_307 = tpu.memref_slice %arg7[%add3A_111, %dma_wait3A_306] : memref<10240x64xf32, #tpu.memory_space<vmem_shared>> -> memref<128x64xf32, #tpu.memory_space<vmem_shared>>
      tpu.wait_dma2 semaphore(%run_scoped3A : memref<!tpu.dma_semaphore, #tpu.memory_space<semaphore_mem>>) src(%dma_wait3A_307 : memref<128x64xf32, #tpu.memory_space<vmem_shared>>) dst(%arg8 : memref<128x64xf32, #tpu.memory_space<vmem>>)
      tpu.yield
    }) : () -> ()
    %mul3A_112 = arith.constant 640 : i32
    %mul3A_113 = arith.muli %arg1, %mul3A_112 : i32
    %add3A_114 = arith.constant 0 : i32
    %add3A_115 = arith.addi %mul3A_113, %add3A_114 : i32
    "tpu.region"() ({
      %run_scoped3A = tpu.sem_alloc : memref<!tpu.dma_semaphore, #tpu.memory_space<semaphore_mem>>
      %dma_start3A_300 = arith.constant 0 : i32
      %dma_start3A_301 = tpu.memref_slice %arg6[%add3A_3, %add3A_115, %dma_start3A_300] : memref<4x10240x64xf32, #tpu.memory_space<hbm>> -> memref<1x128x64xf32, #tpu.memory_space<hbm>>
      %dma_start3A_302 = tpu.memref_squeeze %dma_start3A_301 : memref<1x128x64xf32, #tpu.memory_space<hbm>> -> memref<128x64xf32, #tpu.memory_space<hbm>>
      %dma_start3A_303 = arith.constant 0 : i32
      %dma_start3A_304 = tpu.memref_slice %arg6[%add3A_3, %add3A_115, %dma_start3A_303] : memref<4x10240x64xf32, #tpu.memory_space<hbm>> -> memref<1x128x64xf32, #tpu.memory_space<hbm>>
      %dma_start3A_305 = tpu.memref_squeeze %dma_start3A_304 : memref<1x128x64xf32, #tpu.memory_space<hbm>> -> memref<128x64xf32, #tpu.memory_space<hbm>>
      tpu.enqueue_dma source(%arg8 : memref<128x64xf32, #tpu.memory_space<vmem>>) target(%dma_start3A_305 : memref<128x64xf32, #tpu.memory_space<hbm>>) target_semaphore(%run_scoped3A : memref<!tpu.dma_semaphore, #tpu.memory_space<semaphore_mem>>)
      %dma_wait3A_306 = arith.constant 0 : i32
      %dma_wait3A_307 = tpu.memref_slice %arg6[%add3A_3, %add3A_115, %dma_wait3A_306] : memref<4x10240x64xf32, #tpu.memory_space<hbm>> -> memref<1x128x64xf32, #tpu.memory_space<hbm>>
      %dma_wait3A_308 = tpu.memref_squeeze %dma_wait3A_307 : memref<1x128x64xf32, #tpu.memory_space<hbm>> -> memref<128x64xf32, #tpu.memory_space<hbm>>
      %dma_wait3A_309 = arith.constant 0 : i32
      %dma_wait3A_310 = tpu.memref_slice %arg6[%add3A_3, %add3A_115, %dma_wait3A_309] : memref<4x10240x64xf32, #tpu.memory_space<hbm>> -> memref<1x128x64xf32, #tpu.memory_space<hbm>>
      %dma_wait3A_311 = tpu.memref_squeeze %dma_wait3A_310 : memref<1x128x64xf32, #tpu.memory_space<hbm>> -> memref<128x64xf32, #tpu.memory_space<hbm>>
      tpu.wait_dma2 semaphore(%run_scoped3A : memref<!tpu.dma_semaphore, #tpu.memory_space<semaphore_mem>>) src(%arg8 : memref<128x64xf32, #tpu.memory_space<vmem>>) dst(%dma_wait3A_311 : memref<128x64xf32, #tpu.memory_space<hbm>>)
      tpu.yield
    }) : () -> ()
    %mul3A_116 = arith.constant 640 : i32
    %mul3A_117 = arith.muli %arg1, %mul3A_116 : i32
    %add3A_118 = arith.constant 128 : i32
    %add3A_119 = arith.addi %mul3A_117, %add3A_118 : i32
    "tpu.region"() ({
      %run_scoped3A = tpu.sem_alloc : memref<!tpu.dma_semaphore, #tpu.memory_space<semaphore_mem>>
      %dma_start3A_300 = arith.constant 0 : i32
      %dma_start3A_301 = tpu.memref_slice %arg7[%add3A_119, %dma_start3A_300] : memref<10240x64xf32, #tpu.memory_space<vmem_shared>> -> memref<128x64xf32, #tpu.memory_space<vmem_shared>>
      %dma_start3A_302 = arith.constant 0 : i32
      %dma_start3A_303 = tpu.memref_slice %arg7[%add3A_119, %dma_start3A_302] : memref<10240x64xf32, #tpu.memory_space<vmem_shared>> -> memref<128x64xf32, #tpu.memory_space<vmem_shared>>
      tpu.enqueue_dma source(%dma_start3A_303 : memref<128x64xf32, #tpu.memory_space<vmem_shared>>) target(%arg8 : memref<128x64xf32, #tpu.memory_space<vmem>>) target_semaphore(%run_scoped3A : memref<!tpu.dma_semaphore, #tpu.memory_space<semaphore_mem>>)
      %dma_wait3A_304 = arith.constant 0 : i32
      %dma_wait3A_305 = tpu.memref_slice %arg7[%add3A_119, %dma_wait3A_304] : memref<10240x64xf32, #tpu.memory_space<vmem_shared>> -> memref<128x64xf32, #tpu.memory_space<vmem_shared>>
      %dma_wait3A_306 = arith.constant 0 : i32
      %dma_wait3A_307 = tpu.memref_slice %arg7[%add3A_119, %dma_wait3A_306] : memref<10240x64xf32, #tpu.memory_space<vmem_shared>> -> memref<128x64xf32, #tpu.memory_space<vmem_shared>>
      tpu.wait_dma2 semaphore(%run_scoped3A : memref<!tpu.dma_semaphore, #tpu.memory_space<semaphore_mem>>) src(%dma_wait3A_307 : memref<128x64xf32, #tpu.memory_space<vmem_shared>>) dst(%arg8 : memref<128x64xf32, #tpu.memory_space<vmem>>)
      tpu.yield
    }) : () -> ()
    %mul3A_120 = arith.constant 640 : i32
    %mul3A_121 = arith.muli %arg1, %mul3A_120 : i32
    %add3A_122 = arith.constant 128 : i32
    %add3A_123 = arith.addi %mul3A_121, %add3A_122 : i32
    "tpu.region"() ({
      %run_scoped3A = tpu.sem_alloc : memref<!tpu.dma_semaphore, #tpu.memory_space<semaphore_mem>>
      %dma_start3A_300 = arith.constant 0 : i32
      %dma_start3A_301 = tpu.memref_slice %arg6[%add3A_3, %add3A_123, %dma_start3A_300] : memref<4x10240x64xf32, #tpu.memory_space<hbm>> -> memref<1x128x64xf32, #tpu.memory_space<hbm>>
      %dma_start3A_302 = tpu.memref_squeeze %dma_start3A_301 : memref<1x128x64xf32, #tpu.memory_space<hbm>> -> memref<128x64xf32, #tpu.memory_space<hbm>>
      %dma_start3A_303 = arith.constant 0 : i32
      %dma_start3A_304 = tpu.memref_slice %arg6[%add3A_3, %add3A_123, %dma_start3A_303] : memref<4x10240x64xf32, #tpu.memory_space<hbm>> -> memref<1x128x64xf32, #tpu.memory_space<hbm>>
      %dma_start3A_305 = tpu.memref_squeeze %dma_start3A_304 : memref<1x128x64xf32, #tpu.memory_space<hbm>> -> memref<128x64xf32, #tpu.memory_space<hbm>>
      tpu.enqueue_dma source(%arg8 : memref<128x64xf32, #tpu.memory_space<vmem>>) target(%dma_start3A_305 : memref<128x64xf32, #tpu.memory_space<hbm>>) target_semaphore(%run_scoped3A : memref<!tpu.dma_semaphore, #tpu.memory_space<semaphore_mem>>)
      %dma_wait3A_306 = arith.constant 0 : i32
      %dma_wait3A_307 = tpu.memref_slice %arg6[%add3A_3, %add3A_123, %dma_wait3A_306] : memref<4x10240x64xf32, #tpu.memory_space<hbm>> -> memref<1x128x64xf32, #tpu.memory_space<hbm>>
      %dma_wait3A_308 = tpu.memref_squeeze %dma_wait3A_307 : memref<1x128x64xf32, #tpu.memory_space<hbm>> -> memref<128x64xf32, #tpu.memory_space<hbm>>
      %dma_wait3A_309 = arith.constant 0 : i32
      %dma_wait3A_310 = tpu.memref_slice %arg6[%add3A_3, %add3A_123, %dma_wait3A_309] : memref<4x10240x64xf32, #tpu.memory_space<hbm>> -> memref<1x128x64xf32, #tpu.memory_space<hbm>>
      %dma_wait3A_311 = tpu.memref_squeeze %dma_wait3A_310 : memref<1x128x64xf32, #tpu.memory_space<hbm>> -> memref<128x64xf32, #tpu.memory_space<hbm>>
      tpu.wait_dma2 semaphore(%run_scoped3A : memref<!tpu.dma_semaphore, #tpu.memory_space<semaphore_mem>>) src(%arg8 : memref<128x64xf32, #tpu.memory_space<vmem>>) dst(%dma_wait3A_311 : memref<128x64xf32, #tpu.memory_space<hbm>>)
      tpu.yield
    }) : () -> ()
    %mul3A_124 = arith.constant 640 : i32
    %mul3A_125 = arith.muli %arg1, %mul3A_124 : i32
    %add3A_126 = arith.constant 256 : i32
    %add3A_127 = arith.addi %mul3A_125, %add3A_126 : i32
    "tpu.region"() ({
      %run_scoped3A = tpu.sem_alloc : memref<!tpu.dma_semaphore, #tpu.memory_space<semaphore_mem>>
      %dma_start3A_300 = arith.constant 0 : i32
      %dma_start3A_301 = tpu.memref_slice %arg7[%add3A_127, %dma_start3A_300] : memref<10240x64xf32, #tpu.memory_space<vmem_shared>> -> memref<128x64xf32, #tpu.memory_space<vmem_shared>>
      %dma_start3A_302 = arith.constant 0 : i32
      %dma_start3A_303 = tpu.memref_slice %arg7[%add3A_127, %dma_start3A_302] : memref<10240x64xf32, #tpu.memory_space<vmem_shared>> -> memref<128x64xf32, #tpu.memory_space<vmem_shared>>
      tpu.enqueue_dma source(%dma_start3A_303 : memref<128x64xf32, #tpu.memory_space<vmem_shared>>) target(%arg8 : memref<128x64xf32, #tpu.memory_space<vmem>>) target_semaphore(%run_scoped3A : memref<!tpu.dma_semaphore, #tpu.memory_space<semaphore_mem>>)
      %dma_wait3A_304 = arith.constant 0 : i32
      %dma_wait3A_305 = tpu.memref_slice %arg7[%add3A_127, %dma_wait3A_304] : memref<10240x64xf32, #tpu.memory_space<vmem_shared>> -> memref<128x64xf32, #tpu.memory_space<vmem_shared>>
      %dma_wait3A_306 = arith.constant 0 : i32
      %dma_wait3A_307 = tpu.memref_slice %arg7[%add3A_127, %dma_wait3A_306] : memref<10240x64xf32, #tpu.memory_space<vmem_shared>> -> memref<128x64xf32, #tpu.memory_space<vmem_shared>>
      tpu.wait_dma2 semaphore(%run_scoped3A : memref<!tpu.dma_semaphore, #tpu.memory_space<semaphore_mem>>) src(%dma_wait3A_307 : memref<128x64xf32, #tpu.memory_space<vmem_shared>>) dst(%arg8 : memref<128x64xf32, #tpu.memory_space<vmem>>)
      tpu.yield
    }) : () -> ()
    %mul3A_128 = arith.constant 640 : i32
    %mul3A_129 = arith.muli %arg1, %mul3A_128 : i32
    %add3A_130 = arith.constant 256 : i32
    %add3A_131 = arith.addi %mul3A_129, %add3A_130 : i32
    "tpu.region"() ({
      %run_scoped3A = tpu.sem_alloc : memref<!tpu.dma_semaphore, #tpu.memory_space<semaphore_mem>>
      %dma_start3A_300 = arith.constant 0 : i32
      %dma_start3A_301 = tpu.memref_slice %arg6[%add3A_3, %add3A_131, %dma_start3A_300] : memref<4x10240x64xf32, #tpu.memory_space<hbm>> -> memref<1x128x64xf32, #tpu.memory_space<hbm>>
      %dma_start3A_302 = tpu.memref_squeeze %dma_start3A_301 : memref<1x128x64xf32, #tpu.memory_space<hbm>> -> memref<128x64xf32, #tpu.memory_space<hbm>>
      %dma_start3A_303 = arith.constant 0 : i32
      %dma_start3A_304 = tpu.memref_slice %arg6[%add3A_3, %add3A_131, %dma_start3A_303] : memref<4x10240x64xf32, #tpu.memory_space<hbm>> -> memref<1x128x64xf32, #tpu.memory_space<hbm>>
      %dma_start3A_305 = tpu.memref_squeeze %dma_start3A_304 : memref<1x128x64xf32, #tpu.memory_space<hbm>> -> memref<128x64xf32, #tpu.memory_space<hbm>>
      tpu.enqueue_dma source(%arg8 : memref<128x64xf32, #tpu.memory_space<vmem>>) target(%dma_start3A_305 : memref<128x64xf32, #tpu.memory_space<hbm>>) target_semaphore(%run_scoped3A : memref<!tpu.dma_semaphore, #tpu.memory_space<semaphore_mem>>)
      %dma_wait3A_306 = arith.constant 0 : i32
      %dma_wait3A_307 = tpu.memref_slice %arg6[%add3A_3, %add3A_131, %dma_wait3A_306] : memref<4x10240x64xf32, #tpu.memory_space<hbm>> -> memref<1x128x64xf32, #tpu.memory_space<hbm>>
      %dma_wait3A_308 = tpu.memref_squeeze %dma_wait3A_307 : memref<1x128x64xf32, #tpu.memory_space<hbm>> -> memref<128x64xf32, #tpu.memory_space<hbm>>
      %dma_wait3A_309 = arith.constant 0 : i32
      %dma_wait3A_310 = tpu.memref_slice %arg6[%add3A_3, %add3A_131, %dma_wait3A_309] : memref<4x10240x64xf32, #tpu.memory_space<hbm>> -> memref<1x128x64xf32, #tpu.memory_space<hbm>>
      %dma_wait3A_311 = tpu.memref_squeeze %dma_wait3A_310 : memref<1x128x64xf32, #tpu.memory_space<hbm>> -> memref<128x64xf32, #tpu.memory_space<hbm>>
      tpu.wait_dma2 semaphore(%run_scoped3A : memref<!tpu.dma_semaphore, #tpu.memory_space<semaphore_mem>>) src(%arg8 : memref<128x64xf32, #tpu.memory_space<vmem>>) dst(%dma_wait3A_311 : memref<128x64xf32, #tpu.memory_space<hbm>>)
      tpu.yield
    }) : () -> ()
    %mul3A_132 = arith.constant 640 : i32
    %mul3A_133 = arith.muli %arg1, %mul3A_132 : i32
    %add3A_134 = arith.constant 384 : i32
    %add3A_135 = arith.addi %mul3A_133, %add3A_134 : i32
    "tpu.region"() ({
      %run_scoped3A = tpu.sem_alloc : memref<!tpu.dma_semaphore, #tpu.memory_space<semaphore_mem>>
      %dma_start3A_300 = arith.constant 0 : i32
      %dma_start3A_301 = tpu.memref_slice %arg7[%add3A_135, %dma_start3A_300] : memref<10240x64xf32, #tpu.memory_space<vmem_shared>> -> memref<128x64xf32, #tpu.memory_space<vmem_shared>>
      %dma_start3A_302 = arith.constant 0 : i32
      %dma_start3A_303 = tpu.memref_slice %arg7[%add3A_135, %dma_start3A_302] : memref<10240x64xf32, #tpu.memory_space<vmem_shared>> -> memref<128x64xf32, #tpu.memory_space<vmem_shared>>
      tpu.enqueue_dma source(%dma_start3A_303 : memref<128x64xf32, #tpu.memory_space<vmem_shared>>) target(%arg8 : memref<128x64xf32, #tpu.memory_space<vmem>>) target_semaphore(%run_scoped3A : memref<!tpu.dma_semaphore, #tpu.memory_space<semaphore_mem>>)
      %dma_wait3A_304 = arith.constant 0 : i32
      %dma_wait3A_305 = tpu.memref_slice %arg7[%add3A_135, %dma_wait3A_304] : memref<10240x64xf32, #tpu.memory_space<vmem_shared>> -> memref<128x64xf32, #tpu.memory_space<vmem_shared>>
      %dma_wait3A_306 = arith.constant 0 : i32
      %dma_wait3A_307 = tpu.memref_slice %arg7[%add3A_135, %dma_wait3A_306] : memref<10240x64xf32, #tpu.memory_space<vmem_shared>> -> memref<128x64xf32, #tpu.memory_space<vmem_shared>>
      tpu.wait_dma2 semaphore(%run_scoped3A : memref<!tpu.dma_semaphore, #tpu.memory_space<semaphore_mem>>) src(%dma_wait3A_307 : memref<128x64xf32, #tpu.memory_space<vmem_shared>>) dst(%arg8 : memref<128x64xf32, #tpu.memory_space<vmem>>)
      tpu.yield
    }) : () -> ()
    %mul3A_136 = arith.constant 640 : i32
    %mul3A_137 = arith.muli %arg1, %mul3A_136 : i32
    %add3A_138 = arith.constant 384 : i32
    %add3A_139 = arith.addi %mul3A_137, %add3A_138 : i32
    "tpu.region"() ({
      %run_scoped3A = tpu.sem_alloc : memref<!tpu.dma_semaphore, #tpu.memory_space<semaphore_mem>>
      %dma_start3A_300 = arith.constant 0 : i32
      %dma_start3A_301 = tpu.memref_slice %arg6[%add3A_3, %add3A_139, %dma_start3A_300] : memref<4x10240x64xf32, #tpu.memory_space<hbm>> -> memref<1x128x64xf32, #tpu.memory_space<hbm>>
      %dma_start3A_302 = tpu.memref_squeeze %dma_start3A_301 : memref<1x128x64xf32, #tpu.memory_space<hbm>> -> memref<128x64xf32, #tpu.memory_space<hbm>>
      %dma_start3A_303 = arith.constant 0 : i32
      %dma_start3A_304 = tpu.memref_slice %arg6[%add3A_3, %add3A_139, %dma_start3A_303] : memref<4x10240x64xf32, #tpu.memory_space<hbm>> -> memref<1x128x64xf32, #tpu.memory_space<hbm>>
      %dma_start3A_305 = tpu.memref_squeeze %dma_start3A_304 : memref<1x128x64xf32, #tpu.memory_space<hbm>> -> memref<128x64xf32, #tpu.memory_space<hbm>>
      tpu.enqueue_dma source(%arg8 : memref<128x64xf32, #tpu.memory_space<vmem>>) target(%dma_start3A_305 : memref<128x64xf32, #tpu.memory_space<hbm>>) target_semaphore(%run_scoped3A : memref<!tpu.dma_semaphore, #tpu.memory_space<semaphore_mem>>)
      %dma_wait3A_306 = arith.constant 0 : i32
      %dma_wait3A_307 = tpu.memref_slice %arg6[%add3A_3, %add3A_139, %dma_wait3A_306] : memref<4x10240x64xf32, #tpu.memory_space<hbm>> -> memref<1x128x64xf32, #tpu.memory_space<hbm>>
      %dma_wait3A_308 = tpu.memref_squeeze %dma_wait3A_307 : memref<1x128x64xf32, #tpu.memory_space<hbm>> -> memref<128x64xf32, #tpu.memory_space<hbm>>
      %dma_wait3A_309 = arith.constant 0 : i32
      %dma_wait3A_310 = tpu.memref_slice %arg6[%add3A_3, %add3A_139, %dma_wait3A_309] : memref<4x10240x64xf32, #tpu.memory_space<hbm>> -> memref<1x128x64xf32, #tpu.memory_space<hbm>>
      %dma_wait3A_311 = tpu.memref_squeeze %dma_wait3A_310 : memref<1x128x64xf32, #tpu.memory_space<hbm>> -> memref<128x64xf32, #tpu.memory_space<hbm>>
      tpu.wait_dma2 semaphore(%run_scoped3A : memref<!tpu.dma_semaphore, #tpu.memory_space<semaphore_mem>>) src(%arg8 : memref<128x64xf32, #tpu.memory_space<vmem>>) dst(%dma_wait3A_311 : memref<128x64xf32, #tpu.memory_space<hbm>>)
      tpu.yield
    }) : () -> ()
    %mul3A_140 = arith.constant 640 : i32
    %mul3A_141 = arith.muli %arg1, %mul3A_140 : i32
    %add3A_142 = arith.constant 512 : i32
    %add3A_143 = arith.addi %mul3A_141, %add3A_142 : i32
    "tpu.region"() ({
      %run_scoped3A = tpu.sem_alloc : memref<!tpu.dma_semaphore, #tpu.memory_space<semaphore_mem>>
      %dma_start3A_300 = arith.constant 0 : i32
      %dma_start3A_301 = tpu.memref_slice %arg7[%add3A_143, %dma_start3A_300] : memref<10240x64xf32, #tpu.memory_space<vmem_shared>> -> memref<128x64xf32, #tpu.memory_space<vmem_shared>>
      %dma_start3A_302 = arith.constant 0 : i32
      %dma_start3A_303 = tpu.memref_slice %arg7[%add3A_143, %dma_start3A_302] : memref<10240x64xf32, #tpu.memory_space<vmem_shared>> -> memref<128x64xf32, #tpu.memory_space<vmem_shared>>
      tpu.enqueue_dma source(%dma_start3A_303 : memref<128x64xf32, #tpu.memory_space<vmem_shared>>) target(%arg8 : memref<128x64xf32, #tpu.memory_space<vmem>>) target_semaphore(%run_scoped3A : memref<!tpu.dma_semaphore, #tpu.memory_space<semaphore_mem>>)
      %dma_wait3A_304 = arith.constant 0 : i32
      %dma_wait3A_305 = tpu.memref_slice %arg7[%add3A_143, %dma_wait3A_304] : memref<10240x64xf32, #tpu.memory_space<vmem_shared>> -> memref<128x64xf32, #tpu.memory_space<vmem_shared>>
      %dma_wait3A_306 = arith.constant 0 : i32
      %dma_wait3A_307 = tpu.memref_slice %arg7[%add3A_143, %dma_wait3A_306] : memref<10240x64xf32, #tpu.memory_space<vmem_shared>> -> memref<128x64xf32, #tpu.memory_space<vmem_shared>>
      tpu.wait_dma2 semaphore(%run_scoped3A : memref<!tpu.dma_semaphore, #tpu.memory_space<semaphore_mem>>) src(%dma_wait3A_307 : memref<128x64xf32, #tpu.memory_space<vmem_shared>>) dst(%arg8 : memref<128x64xf32, #tpu.memory_space<vmem>>)
      tpu.yield
    }) : () -> ()
    %mul3A_144 = arith.constant 640 : i32
    %mul3A_145 = arith.muli %arg1, %mul3A_144 : i32
    %add3A_146 = arith.constant 512 : i32
    %add3A_147 = arith.addi %mul3A_145, %add3A_146 : i32
    "tpu.region"() ({
      %run_scoped3A = tpu.sem_alloc : memref<!tpu.dma_semaphore, #tpu.memory_space<semaphore_mem>>
      %dma_start3A_300 = arith.constant 0 : i32
      %dma_start3A_301 = tpu.memref_slice %arg6[%add3A_3, %add3A_147, %dma_start3A_300] : memref<4x10240x64xf32, #tpu.memory_space<hbm>> -> memref<1x128x64xf32, #tpu.memory_space<hbm>>
      %dma_start3A_302 = tpu.memref_squeeze %dma_start3A_301 : memref<1x128x64xf32, #tpu.memory_space<hbm>> -> memref<128x64xf32, #tpu.memory_space<hbm>>
      %dma_start3A_303 = arith.constant 0 : i32
      %dma_start3A_304 = tpu.memref_slice %arg6[%add3A_3, %add3A_147, %dma_start3A_303] : memref<4x10240x64xf32, #tpu.memory_space<hbm>> -> memref<1x128x64xf32, #tpu.memory_space<hbm>>
      %dma_start3A_305 = tpu.memref_squeeze %dma_start3A_304 : memref<1x128x64xf32, #tpu.memory_space<hbm>> -> memref<128x64xf32, #tpu.memory_space<hbm>>
      tpu.enqueue_dma source(%arg8 : memref<128x64xf32, #tpu.memory_space<vmem>>) target(%dma_start3A_305 : memref<128x64xf32, #tpu.memory_space<hbm>>) target_semaphore(%run_scoped3A : memref<!tpu.dma_semaphore, #tpu.memory_space<semaphore_mem>>)
      %dma_wait3A_306 = arith.constant 0 : i32
      %dma_wait3A_307 = tpu.memref_slice %arg6[%add3A_3, %add3A_147, %dma_wait3A_306] : memref<4x10240x64xf32, #tpu.memory_space<hbm>> -> memref<1x128x64xf32, #tpu.memory_space<hbm>>
      %dma_wait3A_308 = tpu.memref_squeeze %dma_wait3A_307 : memref<1x128x64xf32, #tpu.memory_space<hbm>> -> memref<128x64xf32, #tpu.memory_space<hbm>>
      %dma_wait3A_309 = arith.constant 0 : i32
      %dma_wait3A_310 = tpu.memref_slice %arg6[%add3A_3, %add3A_147, %dma_wait3A_309] : memref<4x10240x64xf32, #tpu.memory_space<hbm>> -> memref<1x128x64xf32, #tpu.memory_space<hbm>>
      %dma_wait3A_311 = tpu.memref_squeeze %dma_wait3A_310 : memref<1x128x64xf32, #tpu.memory_space<hbm>> -> memref<128x64xf32, #tpu.memory_space<hbm>>
      tpu.wait_dma2 semaphore(%run_scoped3A : memref<!tpu.dma_semaphore, #tpu.memory_space<semaphore_mem>>) src(%arg8 : memref<128x64xf32, #tpu.memory_space<vmem>>) dst(%dma_wait3A_311 : memref<128x64xf32, #tpu.memory_space<hbm>>)
      tpu.yield
    }) : () -> ()
    %mul3A_148 = arith.constant 2 : i32
    %mul3A_149 = arith.muli %arg0, %mul3A_148 : i32
    %add3A_150 = arith.constant 1 : i32
    %add3A_151 = arith.addi %mul3A_149, %add3A_150 : i32
    %mul3A_152 = arith.constant 10000 : i32
    %mul3A_153 = arith.muli %add3A_151, %mul3A_152 : i32
    %mul3A_154 = arith.constant 160 : i32
    %mul3A_155 = arith.muli %arg1, %mul3A_154 : i32
    "tpu.region"() ({
      %run_scoped3A = tpu.sem_alloc : memref<!tpu.dma_semaphore, #tpu.memory_space<semaphore_mem>>
      %dma_start3A_300 = arith.constant 0 : i32
      %dma_start3A_301 = tpu.memref_slice %arg2[%mul3A_155, %dma_start3A_300] : memref<2560x128xi32, #tpu.memory_space<hbm>> -> memref<160x128xi32, #tpu.memory_space<hbm>>
      %dma_start3A_302 = arith.constant 0 : i32
      %dma_start3A_303 = tpu.memref_slice %arg2[%mul3A_155, %dma_start3A_302] : memref<2560x128xi32, #tpu.memory_space<hbm>> -> memref<160x128xi32, #tpu.memory_space<hbm>>
      tpu.enqueue_dma source(%dma_start3A_303 : memref<160x128xi32, #tpu.memory_space<hbm>>) target(%arg14 : memref<160x128xi32, #tpu.memory_space<vmem>>) target_semaphore(%run_scoped3A : memref<!tpu.dma_semaphore, #tpu.memory_space<semaphore_mem>>)
      %dma_wait3A_304 = arith.constant 0 : i32
      %dma_wait3A_305 = tpu.memref_slice %arg2[%mul3A_155, %dma_wait3A_304] : memref<2560x128xi32, #tpu.memory_space<hbm>> -> memref<160x128xi32, #tpu.memory_space<hbm>>
      %dma_wait3A_306 = arith.constant 0 : i32
      %dma_wait3A_307 = tpu.memref_slice %arg2[%mul3A_155, %dma_wait3A_306] : memref<2560x128xi32, #tpu.memory_space<hbm>> -> memref<160x128xi32, #tpu.memory_space<hbm>>
      tpu.wait_dma2 semaphore(%run_scoped3A : memref<!tpu.dma_semaphore, #tpu.memory_space<semaphore_mem>>) src(%dma_wait3A_307 : memref<160x128xi32, #tpu.memory_space<hbm>>) dst(%arg14 : memref<160x128xi32, #tpu.memory_space<vmem>>)
      tpu.yield
    }) : () -> ()
    %scan3A_156 = arith.constant 0 : i32
    %scan3A_157 = arith.constant 0 : i32
    %scan3A_158 = arith.constant 160 : i32
    %scan3A_159 = arith.addi %scan3A_157, %scan3A_158 : i32
    %scan3A_160 = arith.constant 1 : i32
    scf.for %scan3A_300 = %scan3A_157 to %scan3A_159 step %scan3A_160  : i32 {
      %get3A = arith.index_cast %scan3A_300 : i32 to index
      %get3A_301 = arith.constant 0 : index
      %get3A_302 = tpu.vector_load %arg14[%get3A, %get3A_301] {strides = array<i32>} : memref<160x128xi32, #tpu.memory_space<vmem>>, vector<1x16xi32>,
      %get3A_303 = vector.shape_cast %get3A_302 : vector<1x16xi32> to vector<16xi32>
      %add3A_304 = vector.broadcast %mul3A_153 : i32 to vector<16xi32>
      %add3A_305 = arith.addi %get3A_303, %add3A_304 : vector<16xi32>
      %swap3A = arith.index_cast %scan3A_300 : i32 to index
      %swap3A_306 = arith.constant 0 : index
      %swap3A_307 = tpu.vector_load %arg14[%swap3A, %swap3A_306] {strides = array<i32>} : memref<160x128xi32, #tpu.memory_space<vmem>>, vector<1x16xi32>,
      %swap3A_308 = vector.shape_cast %swap3A_307 : vector<1x16xi32> to vector<16xi32>
      %swap3A_309 = vector.shape_cast %add3A_305 : vector<16xi32> to vector<1x16xi32>
      tpu.vector_store %arg14[%swap3A, %swap3A_306], %swap3A_309 {strides = array<i32>} : memref<160x128xi32, #tpu.memory_space<vmem>>, vector<1x16xi32>,
      %get3A_310 = arith.index_cast %scan3A_300 : i32 to index
      %get3A_311 = arith.constant 16 : index
      %get3A_312 = tpu.vector_load %arg14[%get3A_310, %get3A_311] {strides = array<i32>} : memref<160x128xi32, #tpu.memory_space<vmem>>, vector<1x16xi32>,
      %get3A_313 = vector.shape_cast %get3A_312 : vector<1x16xi32> to vector<16xi32>
      %add3A_314 = vector.broadcast %mul3A_153 : i32 to vector<16xi32>
      %add3A_315 = arith.addi %get3A_313, %add3A_314 : vector<16xi32>
      %swap3A_316 = arith.index_cast %scan3A_300 : i32 to index
      %swap3A_317 = arith.constant 16 : index
      %swap3A_318 = tpu.vector_load %arg14[%swap3A_316, %swap3A_317] {strides = array<i32>} : memref<160x128xi32, #tpu.memory_space<vmem>>, vector<1x16xi32>,
      %swap3A_319 = vector.shape_cast %swap3A_318 : vector<1x16xi32> to vector<16xi32>
      %swap3A_320 = vector.shape_cast %add3A_315 : vector<16xi32> to vector<1x16xi32>
      tpu.vector_store %arg14[%swap3A_316, %swap3A_317], %swap3A_320 {strides = array<i32>} : memref<160x128xi32, #tpu.memory_space<vmem>>, vector<1x16xi32>,
      %get3A_321 = arith.index_cast %scan3A_300 : i32 to index
      %get3A_322 = arith.constant 32 : index
      %get3A_323 = tpu.vector_load %arg14[%get3A_321, %get3A_322] {strides = array<i32>} : memref<160x128xi32, #tpu.memory_space<vmem>>, vector<1x16xi32>,
      %get3A_324 = vector.shape_cast %get3A_323 : vector<1x16xi32> to vector<16xi32>
      %add3A_325 = vector.broadcast %mul3A_153 : i32 to vector<16xi32>
      %add3A_326 = arith.addi %get3A_324, %add3A_325 : vector<16xi32>
      %swap3A_327 = arith.index_cast %scan3A_300 : i32 to index
      %swap3A_328 = arith.constant 32 : index
      %swap3A_329 = tpu.vector_load %arg14[%swap3A_327, %swap3A_328] {strides = array<i32>} : memref<160x128xi32, #tpu.memory_space<vmem>>, vector<1x16xi32>,
      %swap3A_330 = vector.shape_cast %swap3A_329 : vector<1x16xi32> to vector<16xi32>
      %swap3A_331 = vector.shape_cast %add3A_326 : vector<16xi32> to vector<1x16xi32>
      tpu.vector_store %arg14[%swap3A_327, %swap3A_328], %swap3A_331 {strides = array<i32>} : memref<160x128xi32, #tpu.memory_space<vmem>>, vector<1x16xi32>,
      %get3A_332 = arith.index_cast %scan3A_300 : i32 to index
      %get3A_333 = arith.constant 48 : index
      %get3A_334 = tpu.vector_load %arg14[%get3A_332, %get3A_333] {strides = array<i32>} : memref<160x128xi32, #tpu.memory_space<vmem>>, vector<1x16xi32>,
      %get3A_335 = vector.shape_cast %get3A_334 : vector<1x16xi32> to vector<16xi32>
      %add3A_336 = vector.broadcast %mul3A_153 : i32 to vector<16xi32>
      %add3A_337 = arith.addi %get3A_335, %add3A_336 : vector<16xi32>
      %swap3A_338 = arith.index_cast %scan3A_300 : i32 to index
      %swap3A_339 = arith.constant 48 : index
      %swap3A_340 = tpu.vector_load %arg14[%swap3A_338, %swap3A_339] {strides = array<i32>} : memref<160x128xi32, #tpu.memory_space<vmem>>, vector<1x16xi32>,
      %swap3A_341 = vector.shape_cast %swap3A_340 : vector<1x16xi32> to vector<16xi32>
      %swap3A_342 = vector.shape_cast %add3A_337 : vector<16xi32> to vector<1x16xi32>
      tpu.vector_store %arg14[%swap3A_338, %swap3A_339], %swap3A_342 {strides = array<i32>} : memref<160x128xi32, #tpu.memory_space<vmem>>, vector<1x16xi32>,
      %get3A_343 = arith.index_cast %scan3A_300 : i32 to index
      %get3A_344 = arith.constant 64 : index
      %get3A_345 = tpu.vector_load %arg14[%get3A_343, %get3A_344] {strides = array<i32>} : memref<160x128xi32, #tpu.memory_space<vmem>>, vector<1x16xi32>,
      %get3A_346 = vector.shape_cast %get3A_345 : vector<1x16xi32> to vector<16xi32>
      %add3A_347 = vector.broadcast %mul3A_153 : i32 to vector<16xi32>
      %add3A_348 = arith.addi %get3A_346, %add3A_347 : vector<16xi32>
      %swap3A_349 = arith.index_cast %scan3A_300 : i32 to index
      %swap3A_350 = arith.constant 64 : index
      %swap3A_351 = tpu.vector_load %arg14[%swap3A_349, %swap3A_350] {strides = array<i32>} : memref<160x128xi32, #tpu.memory_space<vmem>>, vector<1x16xi32>,
      %swap3A_352 = vector.shape_cast %swap3A_351 : vector<1x16xi32> to vector<16xi32>
      %swap3A_353 = vector.shape_cast %add3A_348 : vector<16xi32> to vector<1x16xi32>
      tpu.vector_store %arg14[%swap3A_349, %swap3A_350], %swap3A_353 {strides = array<i32>} : memref<160x128xi32, #tpu.memory_space<vmem>>, vector<1x16xi32>,
      %get3A_354 = arith.index_cast %scan3A_300 : i32 to index
      %get3A_355 = arith.constant 80 : index
      %get3A_356 = tpu.vector_load %arg14[%get3A_354, %get3A_355] {strides = array<i32>} : memref<160x128xi32, #tpu.memory_space<vmem>>, vector<1x16xi32>,
      %get3A_357 = vector.shape_cast %get3A_356 : vector<1x16xi32> to vector<16xi32>
      %add3A_358 = vector.broadcast %mul3A_153 : i32 to vector<16xi32>
      %add3A_359 = arith.addi %get3A_357, %add3A_358 : vector<16xi32>
      %swap3A_360 = arith.index_cast %scan3A_300 : i32 to index
      %swap3A_361 = arith.constant 80 : index
      %swap3A_362 = tpu.vector_load %arg14[%swap3A_360, %swap3A_361] {strides = array<i32>} : memref<160x128xi32, #tpu.memory_space<vmem>>, vector<1x16xi32>,
      %swap3A_363 = vector.shape_cast %swap3A_362 : vector<1x16xi32> to vector<16xi32>
      %swap3A_364 = vector.shape_cast %add3A_359 : vector<16xi32> to vector<1x16xi32>
      tpu.vector_store %arg14[%swap3A_360, %swap3A_361], %swap3A_364 {strides = array<i32>} : memref<160x128xi32, #tpu.memory_space<vmem>>, vector<1x16xi32>,
      %get3A_365 = arith.index_cast %scan3A_300 : i32 to index
      %get3A_366 = arith.constant 96 : index
      %get3A_367 = tpu.vector_load %arg14[%get3A_365, %get3A_366] {strides = array<i32>} : memref<160x128xi32, #tpu.memory_space<vmem>>, vector<1x16xi32>,
      %get3A_368 = vector.shape_cast %get3A_367 : vector<1x16xi32> to vector<16xi32>
      %add3A_369 = vector.broadcast %mul3A_153 : i32 to vector<16xi32>
      %add3A_370 = arith.addi %get3A_368, %add3A_369 : vector<16xi32>
      %swap3A_371 = arith.index_cast %scan3A_300 : i32 to index
      %swap3A_372 = arith.constant 96 : index
      %swap3A_373 = tpu.vector_load %arg14[%swap3A_371, %swap3A_372] {strides = array<i32>} : memref<160x128xi32, #tpu.memory_space<vmem>>, vector<1x16xi32>,
      %swap3A_374 = vector.shape_cast %swap3A_373 : vector<1x16xi32> to vector<16xi32>
      %swap3A_375 = vector.shape_cast %add3A_370 : vector<16xi32> to vector<1x16xi32>
      tpu.vector_store %arg14[%swap3A_371, %swap3A_372], %swap3A_375 {strides = array<i32>} : memref<160x128xi32, #tpu.memory_space<vmem>>, vector<1x16xi32>,
      %get3A_376 = arith.index_cast %scan3A_300 : i32 to index
      %get3A_377 = arith.constant 112 : index
      %get3A_378 = tpu.vector_load %arg14[%get3A_376, %get3A_377] {strides = array<i32>} : memref<160x128xi32, #tpu.memory_space<vmem>>, vector<1x16xi32>,
      %get3A_379 = vector.shape_cast %get3A_378 : vector<1x16xi32> to vector<16xi32>
      %add3A_380 = vector.broadcast %mul3A_153 : i32 to vector<16xi32>
      %add3A_381 = arith.addi %get3A_379, %add3A_380 : vector<16xi32>
      %swap3A_382 = arith.index_cast %scan3A_300 : i32 to index
      %swap3A_383 = arith.constant 112 : index
      %swap3A_384 = tpu.vector_load %arg14[%swap3A_382, %swap3A_383] {strides = array<i32>} : memref<160x128xi32, #tpu.memory_space<vmem>>, vector<1x16xi32>,
      %swap3A_385 = vector.shape_cast %swap3A_384 : vector<1x16xi32> to vector<16xi32>
      %swap3A_386 = vector.shape_cast %add3A_381 : vector<16xi32> to vector<1x16xi32>
      tpu.vector_store %arg14[%swap3A_382, %swap3A_383], %swap3A_386 {strides = array<i32>} : memref<160x128xi32, #tpu.memory_space<vmem>>, vector<1x16xi32>,
    }
    %scan3A_161 = arith.constant 160 : i32
    "tpu.region"() ({
      %run_scoped3A = tpu.sem_alloc : memref<!tpu.dma_semaphore, #tpu.memory_space<semaphore_mem>>
      tpu.enqueue_dma source(%arg5 : memref<128x64xf32, #tpu.memory_space<hbm>>) target(%arg8 : memref<128x64xf32, #tpu.memory_space<vmem>>) target_semaphore(%run_scoped3A : memref<!tpu.dma_semaphore, #tpu.memory_space<semaphore_mem>>)
      tpu.wait_dma2 semaphore(%run_scoped3A : memref<!tpu.dma_semaphore, #tpu.memory_space<semaphore_mem>>) src(%arg5 : memref<128x64xf32, #tpu.memory_space<hbm>>) dst(%arg8 : memref<128x64xf32, #tpu.memory_space<vmem>>)
      tpu.yield
    }) : () -> ()
    %mul3A_162 = arith.constant 640 : i32
    %mul3A_163 = arith.muli %arg1, %mul3A_162 : i32
    %add3A_164 = arith.constant 0 : i32
    %add3A_165 = arith.addi %mul3A_163, %add3A_164 : i32
    "tpu.region"() ({
      %run_scoped3A = tpu.sem_alloc : memref<!tpu.dma_semaphore, #tpu.memory_space<semaphore_mem>>
      %dma_start3A_300 = arith.constant 0 : i32
      %dma_start3A_301 = tpu.memref_slice %arg7[%add3A_165, %dma_start3A_300] : memref<10240x64xf32, #tpu.memory_space<vmem_shared>> -> memref<128x64xf32, #tpu.memory_space<vmem_shared>>
      %dma_start3A_302 = arith.constant 0 : i32
      %dma_start3A_303 = tpu.memref_slice %arg7[%add3A_165, %dma_start3A_302] : memref<10240x64xf32, #tpu.memory_space<vmem_shared>> -> memref<128x64xf32, #tpu.memory_space<vmem_shared>>
      tpu.enqueue_dma source(%arg8 : memref<128x64xf32, #tpu.memory_space<vmem>>) target(%dma_start3A_303 : memref<128x64xf32, #tpu.memory_space<vmem_shared>>) target_semaphore(%run_scoped3A : memref<!tpu.dma_semaphore, #tpu.memory_space<semaphore_mem>>)
      %dma_wait3A_304 = arith.constant 0 : i32
      %dma_wait3A_305 = tpu.memref_slice %arg7[%add3A_165, %dma_wait3A_304] : memref<10240x64xf32, #tpu.memory_space<vmem_shared>> -> memref<128x64xf32, #tpu.memory_space<vmem_shared>>
      %dma_wait3A_306 = arith.constant 0 : i32
      %dma_wait3A_307 = tpu.memref_slice %arg7[%add3A_165, %dma_wait3A_306] : memref<10240x64xf32, #tpu.memory_space<vmem_shared>> -> memref<128x64xf32, #tpu.memory_space<vmem_shared>>
      tpu.wait_dma2 semaphore(%run_scoped3A : memref<!tpu.dma_semaphore, #tpu.memory_space<semaphore_mem>>) src(%arg8 : memref<128x64xf32, #tpu.memory_space<vmem>>) dst(%dma_wait3A_307 : memref<128x64xf32, #tpu.memory_space<vmem_shared>>)
      tpu.yield
    }) : () -> ()
    %mul3A_166 = arith.constant 640 : i32
    %mul3A_167 = arith.muli %arg1, %mul3A_166 : i32
    %add3A_168 = arith.constant 128 : i32
    %add3A_169 = arith.addi %mul3A_167, %add3A_168 : i32
    "tpu.region"() ({
      %run_scoped3A = tpu.sem_alloc : memref<!tpu.dma_semaphore, #tpu.memory_space<semaphore_mem>>
      %dma_start3A_300 = arith.constant 0 : i32
      %dma_start3A_301 = tpu.memref_slice %arg7[%add3A_169, %dma_start3A_300] : memref<10240x64xf32, #tpu.memory_space<vmem_shared>> -> memref<128x64xf32, #tpu.memory_space<vmem_shared>>
      %dma_start3A_302 = arith.constant 0 : i32
      %dma_start3A_303 = tpu.memref_slice %arg7[%add3A_169, %dma_start3A_302] : memref<10240x64xf32, #tpu.memory_space<vmem_shared>> -> memref<128x64xf32, #tpu.memory_space<vmem_shared>>
      tpu.enqueue_dma source(%arg8 : memref<128x64xf32, #tpu.memory_space<vmem>>) target(%dma_start3A_303 : memref<128x64xf32, #tpu.memory_space<vmem_shared>>) target_semaphore(%run_scoped3A : memref<!tpu.dma_semaphore, #tpu.memory_space<semaphore_mem>>)
      %dma_wait3A_304 = arith.constant 0 : i32
      %dma_wait3A_305 = tpu.memref_slice %arg7[%add3A_169, %dma_wait3A_304] : memref<10240x64xf32, #tpu.memory_space<vmem_shared>> -> memref<128x64xf32, #tpu.memory_space<vmem_shared>>
      %dma_wait3A_306 = arith.constant 0 : i32
      %dma_wait3A_307 = tpu.memref_slice %arg7[%add3A_169, %dma_wait3A_306] : memref<10240x64xf32, #tpu.memory_space<vmem_shared>> -> memref<128x64xf32, #tpu.memory_space<vmem_shared>>
      tpu.wait_dma2 semaphore(%run_scoped3A : memref<!tpu.dma_semaphore, #tpu.memory_space<semaphore_mem>>) src(%arg8 : memref<128x64xf32, #tpu.memory_space<vmem>>) dst(%dma_wait3A_307 : memref<128x64xf32, #tpu.memory_space<vmem_shared>>)
      tpu.yield
    }) : () -> ()
    %mul3A_170 = arith.constant 640 : i32
    %mul3A_171 = arith.muli %arg1, %mul3A_170 : i32
    %add3A_172 = arith.constant 256 : i32
    %add3A_173 = arith.addi %mul3A_171, %add3A_172 : i32
    "tpu.region"() ({
      %run_scoped3A = tpu.sem_alloc : memref<!tpu.dma_semaphore, #tpu.memory_space<semaphore_mem>>
      %dma_start3A_300 = arith.constant 0 : i32
      %dma_start3A_301 = tpu.memref_slice %arg7[%add3A_173, %dma_start3A_300] : memref<10240x64xf32, #tpu.memory_space<vmem_shared>> -> memref<128x64xf32, #tpu.memory_space<vmem_shared>>
      %dma_start3A_302 = arith.constant 0 : i32
      %dma_start3A_303 = tpu.memref_slice %arg7[%add3A_173, %dma_start3A_302] : memref<10240x64xf32, #tpu.memory_space<vmem_shared>> -> memref<128x64xf32, #tpu.memory_space<vmem_shared>>
      tpu.enqueue_dma source(%arg8 : memref<128x64xf32, #tpu.memory_space<vmem>>) target(%dma_start3A_303 : memref<128x64xf32, #tpu.memory_space<vmem_shared>>) target_semaphore(%run_scoped3A : memref<!tpu.dma_semaphore, #tpu.memory_space<semaphore_mem>>)
      %dma_wait3A_304 = arith.constant 0 : i32
      %dma_wait3A_305 = tpu.memref_slice %arg7[%add3A_173, %dma_wait3A_304] : memref<10240x64xf32, #tpu.memory_space<vmem_shared>> -> memref<128x64xf32, #tpu.memory_space<vmem_shared>>
      %dma_wait3A_306 = arith.constant 0 : i32
      %dma_wait3A_307 = tpu.memref_slice %arg7[%add3A_173, %dma_wait3A_306] : memref<10240x64xf32, #tpu.memory_space<vmem_shared>> -> memref<128x64xf32, #tpu.memory_space<vmem_shared>>
      tpu.wait_dma2 semaphore(%run_scoped3A : memref<!tpu.dma_semaphore, #tpu.memory_space<semaphore_mem>>) src(%arg8 : memref<128x64xf32, #tpu.memory_space<vmem>>) dst(%dma_wait3A_307 : memref<128x64xf32, #tpu.memory_space<vmem_shared>>)
      tpu.yield
    }) : () -> ()
    %mul3A_174 = arith.constant 640 : i32
    %mul3A_175 = arith.muli %arg1, %mul3A_174 : i32
    %add3A_176 = arith.constant 384 : i32
    %add3A_177 = arith.addi %mul3A_175, %add3A_176 : i32
    "tpu.region"() ({
      %run_scoped3A = tpu.sem_alloc : memref<!tpu.dma_semaphore, #tpu.memory_space<semaphore_mem>>
      %dma_start3A_300 = arith.constant 0 : i32
      %dma_start3A_301 = tpu.memref_slice %arg7[%add3A_177, %dma_start3A_300] : memref<10240x64xf32, #tpu.memory_space<vmem_shared>> -> memref<128x64xf32, #tpu.memory_space<vmem_shared>>
      %dma_start3A_302 = arith.constant 0 : i32
      %dma_start3A_303 = tpu.memref_slice %arg7[%add3A_177, %dma_start3A_302] : memref<10240x64xf32, #tpu.memory_space<vmem_shared>> -> memref<128x64xf32, #tpu.memory_space<vmem_shared>>
      tpu.enqueue_dma source(%arg8 : memref<128x64xf32, #tpu.memory_space<vmem>>) target(%dma_start3A_303 : memref<128x64xf32, #tpu.memory_space<vmem_shared>>) target_semaphore(%run_scoped3A : memref<!tpu.dma_semaphore, #tpu.memory_space<semaphore_mem>>)
      %dma_wait3A_304 = arith.constant 0 : i32
      %dma_wait3A_305 = tpu.memref_slice %arg7[%add3A_177, %dma_wait3A_304] : memref<10240x64xf32, #tpu.memory_space<vmem_shared>> -> memref<128x64xf32, #tpu.memory_space<vmem_shared>>
      %dma_wait3A_306 = arith.constant 0 : i32
      %dma_wait3A_307 = tpu.memref_slice %arg7[%add3A_177, %dma_wait3A_306] : memref<10240x64xf32, #tpu.memory_space<vmem_shared>> -> memref<128x64xf32, #tpu.memory_space<vmem_shared>>
      tpu.wait_dma2 semaphore(%run_scoped3A : memref<!tpu.dma_semaphore, #tpu.memory_space<semaphore_mem>>) src(%arg8 : memref<128x64xf32, #tpu.memory_space<vmem>>) dst(%dma_wait3A_307 : memref<128x64xf32, #tpu.memory_space<vmem_shared>>)
      tpu.yield
    }) : () -> ()
    %mul3A_178 = arith.constant 640 : i32
    %mul3A_179 = arith.muli %arg1, %mul3A_178 : i32
    %add3A_180 = arith.constant 512 : i32
    %add3A_181 = arith.addi %mul3A_179, %add3A_180 : i32
    "tpu.region"() ({
      %run_scoped3A = tpu.sem_alloc : memref<!tpu.dma_semaphore, #tpu.memory_space<semaphore_mem>>
      %dma_start3A_300 = arith.constant 0 : i32
      %dma_start3A_301 = tpu.memref_slice %arg7[%add3A_181, %dma_start3A_300] : memref<10240x64xf32, #tpu.memory_space<vmem_shared>> -> memref<128x64xf32, #tpu.memory_space<vmem_shared>>
      %dma_start3A_302 = arith.constant 0 : i32
      %dma_start3A_303 = tpu.memref_slice %arg7[%add3A_181, %dma_start3A_302] : memref<10240x64xf32, #tpu.memory_space<vmem_shared>> -> memref<128x64xf32, #tpu.memory_space<vmem_shared>>
      tpu.enqueue_dma source(%arg8 : memref<128x64xf32, #tpu.memory_space<vmem>>) target(%dma_start3A_303 : memref<128x64xf32, #tpu.memory_space<vmem_shared>>) target_semaphore(%run_scoped3A : memref<!tpu.dma_semaphore, #tpu.memory_space<semaphore_mem>>)
      %dma_wait3A_304 = arith.constant 0 : i32
      %dma_wait3A_305 = tpu.memref_slice %arg7[%add3A_181, %dma_wait3A_304] : memref<10240x64xf32, #tpu.memory_space<vmem_shared>> -> memref<128x64xf32, #tpu.memory_space<vmem_shared>>
      %dma_wait3A_306 = arith.constant 0 : i32
      %dma_wait3A_307 = tpu.memref_slice %arg7[%add3A_181, %dma_wait3A_306] : memref<10240x64xf32, #tpu.memory_space<vmem_shared>> -> memref<128x64xf32, #tpu.memory_space<vmem_shared>>
      tpu.wait_dma2 semaphore(%run_scoped3A : memref<!tpu.dma_semaphore, #tpu.memory_space<semaphore_mem>>) src(%arg8 : memref<128x64xf32, #tpu.memory_space<vmem>>) dst(%dma_wait3A_307 : memref<128x64xf32, #tpu.memory_space<vmem_shared>>)
      tpu.yield
    }) : () -> ()
    %barrier3A_182 = arith.constant 0 : index
    tpu.barrier barrier_id(%barrier3A_182)
    %dma_start3A_183 = arith.constant 0 : i32
    %dma_start3A_184 = arith.constant 0 : i32
    %dma_start3A_185 = tpu.memref_slice %arg14[%dma_start3A_183, %dma_start3A_184] : memref<160x128xi32, #tpu.memory_space<vmem>> -> memref<1x128xi32, #tpu.memory_space<vmem>>
    %dma_start3A_186 = tpu.memref_squeeze %dma_start3A_185 : memref<1x128xi32, #tpu.memory_space<vmem>> -> memref<128xi32, #tpu.memory_space<vmem>>
    %dma_start3A_187 = arith.constant 0 : i32
    %dma_start3A_188 = arith.constant 0 : i32
    %dma_start3A_189 = tpu.memref_slice %arg4[%dma_start3A_187, %dma_start3A_188] : memref<40000x64xf32, #tpu.memory_space<hbm>> -> memref<40000x64xf32, #tpu.memory_space<hbm>>
    tpu.enqueue_indirect_dma source(%dma_start3A_189 : memref<40000x64xf32, #tpu.memory_space<hbm>>) target(%arg9 : memref<128x64xf32, #tpu.memory_space<vmem>>) offsets(%dma_start3A_186 : memref<128xi32, #tpu.memory_space<vmem>>) semaphore(%arg16 : memref<!tpu.dma_semaphore, #tpu.memory_space<semaphore_mem>>)
    %dma_start3A_190 = arith.constant 1 : i32
    %dma_start3A_191 = arith.constant 0 : i32
    %dma_start3A_192 = tpu.memref_slice %arg14[%dma_start3A_190, %dma_start3A_191] : memref<160x128xi32, #tpu.memory_space<vmem>> -> memref<1x128xi32, #tpu.memory_space<vmem>>
    %dma_start3A_193 = tpu.memref_squeeze %dma_start3A_192 : memref<1x128xi32, #tpu.memory_space<vmem>> -> memref<128xi32, #tpu.memory_space<vmem>>
    %dma_start3A_194 = arith.constant 0 : i32
    %dma_start3A_195 = arith.constant 0 : i32
    %dma_start3A_196 = tpu.memref_slice %arg4[%dma_start3A_194, %dma_start3A_195] : memref<40000x64xf32, #tpu.memory_space<hbm>> -> memref<40000x64xf32, #tpu.memory_space<hbm>>
    tpu.enqueue_indirect_dma source(%dma_start3A_196 : memref<40000x64xf32, #tpu.memory_space<hbm>>) target(%arg10 : memref<128x64xf32, #tpu.memory_space<vmem>>) offsets(%dma_start3A_193 : memref<128xi32, #tpu.memory_space<vmem>>) semaphore(%arg17 : memref<!tpu.dma_semaphore, #tpu.memory_space<semaphore_mem>>)
    %dma_start3A_197 = arith.constant 2 : i32
    %dma_start3A_198 = arith.constant 0 : i32
    %dma_start3A_199 = tpu.memref_slice %arg14[%dma_start3A_197, %dma_start3A_198] : memref<160x128xi32, #tpu.memory_space<vmem>> -> memref<1x128xi32, #tpu.memory_space<vmem>>
    %dma_start3A_200 = tpu.memref_squeeze %dma_start3A_199 : memref<1x128xi32, #tpu.memory_space<vmem>> -> memref<128xi32, #tpu.memory_space<vmem>>
    %dma_start3A_201 = arith.constant 0 : i32
    %dma_start3A_202 = arith.constant 0 : i32
    %dma_start3A_203 = tpu.memref_slice %arg4[%dma_start3A_201, %dma_start3A_202] : memref<40000x64xf32, #tpu.memory_space<hbm>> -> memref<40000x64xf32, #tpu.memory_space<hbm>>
    tpu.enqueue_indirect_dma source(%dma_start3A_203 : memref<40000x64xf32, #tpu.memory_space<hbm>>) target(%arg11 : memref<128x64xf32, #tpu.memory_space<vmem>>) offsets(%dma_start3A_200 : memref<128xi32, #tpu.memory_space<vmem>>) semaphore(%arg18 : memref<!tpu.dma_semaphore, #tpu.memory_space<semaphore_mem>>)
    %dma_start3A_204 = arith.constant 3 : i32
    %dma_start3A_205 = arith.constant 0 : i32
    %dma_start3A_206 = tpu.memref_slice %arg14[%dma_start3A_204, %dma_start3A_205] : memref<160x128xi32, #tpu.memory_space<vmem>> -> memref<1x128xi32, #tpu.memory_space<vmem>>
    %dma_start3A_207 = tpu.memref_squeeze %dma_start3A_206 : memref<1x128xi32, #tpu.memory_space<vmem>> -> memref<128xi32, #tpu.memory_space<vmem>>
    %dma_start3A_208 = arith.constant 0 : i32
    %dma_start3A_209 = arith.constant 0 : i32
    %dma_start3A_210 = tpu.memref_slice %arg4[%dma_start3A_208, %dma_start3A_209] : memref<40000x64xf32, #tpu.memory_space<hbm>> -> memref<40000x64xf32, #tpu.memory_space<hbm>>
    tpu.enqueue_indirect_dma source(%dma_start3A_210 : memref<40000x64xf32, #tpu.memory_space<hbm>>) target(%arg12 : memref<128x64xf32, #tpu.memory_space<vmem>>) offsets(%dma_start3A_207 : memref<128xi32, #tpu.memory_space<vmem>>) semaphore(%arg19 : memref<!tpu.dma_semaphore, #tpu.memory_space<semaphore_mem>>)
    %dma_start3A_211 = arith.constant 4 : i32
    %dma_start3A_212 = arith.constant 0 : i32
    %dma_start3A_213 = tpu.memref_slice %arg14[%dma_start3A_211, %dma_start3A_212] : memref<160x128xi32, #tpu.memory_space<vmem>> -> memref<1x128xi32, #tpu.memory_space<vmem>>
    %dma_start3A_214 = tpu.memref_squeeze %dma_start3A_213 : memref<1x128xi32, #tpu.memory_space<vmem>> -> memref<128xi32, #tpu.memory_space<vmem>>
    %dma_start3A_215 = arith.constant 0 : i32
    %dma_start3A_216 = arith.constant 0 : i32
    %dma_start3A_217 = tpu.memref_slice %arg4[%dma_start3A_215, %dma_start3A_216] : memref<40000x64xf32, #tpu.memory_space<hbm>> -> memref<40000x64xf32, #tpu.memory_space<hbm>>
    tpu.enqueue_indirect_dma source(%dma_start3A_217 : memref<40000x64xf32, #tpu.memory_space<hbm>>) target(%arg13 : memref<128x64xf32, #tpu.memory_space<vmem>>) offsets(%dma_start3A_214 : memref<128xi32, #tpu.memory_space<vmem>>) semaphore(%arg20 : memref<!tpu.dma_semaphore, #tpu.memory_space<semaphore_mem>>)
    %scan3A_218 = arith.constant 0 : i32
    %scan3A_219 = arith.constant 0 : i32
    %scan3A_220 = arith.constant 32 : i32
    %scan3A_221 = arith.addi %scan3A_219, %scan3A_220 : i32
    %scan3A_222 = arith.constant 1 : i32
    scf.for %scan3A_300 = %scan3A_219 to %scan3A_221 step %scan3A_222  : i32 {
      %mul3A_301 = arith.constant 5 : i32
      %mul3A_302 = arith.muli %scan3A_300, %mul3A_301 : i32
      %add3A_303 = arith.constant 0 : i32
      %add3A_304 = arith.addi %mul3A_302, %add3A_303 : i32
      %sub3A = arith.constant 1 : i32
      %sub3A_305 = arith.subi %add3A_304, %sub3A : i32
      %dma_wait3A_306 = arith.constant 0 : i32
      %dma_wait3A_307 = tpu.memref_slice %arg14[%add3A_304, %dma_wait3A_306] : memref<160x128xi32, #tpu.memory_space<vmem>> -> memref<1x128xi32, #tpu.memory_space<vmem>>
      %dma_wait3A_308 = tpu.memref_squeeze %dma_wait3A_307 : memref<1x128xi32, #tpu.memory_space<vmem>> -> memref<128xi32, #tpu.memory_space<vmem>>
      %dma_wait3A_309 = arith.constant 0 : i32
      %dma_wait3A_310 = arith.constant 0 : i32
      %dma_wait3A_311 = tpu.memref_slice %arg4[%dma_wait3A_309, %dma_wait3A_310] : memref<40000x64xf32, #tpu.memory_space<hbm>> -> memref<40000x64xf32, #tpu.memory_space<hbm>>
      tpu.wait_indirect_dma semaphore(%arg16 : memref<!tpu.dma_semaphore, #tpu.memory_space<semaphore_mem>>) src(%dma_wait3A_311 : memref<40000x64xf32, #tpu.memory_space<hbm>>) dst(%arg9 : memref<128x64xf32, #tpu.memory_space<vmem>>)
      %dma_start3A_312 = arith.constant 0 : i32
      %dma_start3A_313 = tpu.memref_slice %arg15[%add3A_304, %dma_start3A_312] : memref<160x128xi32, #tpu.memory_space<vmem>> -> memref<1x128xi32, #tpu.memory_space<vmem>>
      %dma_start3A_314 = tpu.memref_squeeze %dma_start3A_313 : memref<1x128xi32, #tpu.memory_space<vmem>> -> memref<128xi32, #tpu.memory_space<vmem>>
      %dma_start3A_315 = arith.constant 0 : i32
      %dma_start3A_316 = arith.constant 0 : i32
      %dma_start3A_317 = tpu.memref_slice %arg7[%dma_start3A_315, %dma_start3A_316] : memref<10240x64xf32, #tpu.memory_space<vmem_shared>> -> memref<10240x64xf32, #tpu.memory_space<vmem_shared>>
      tpu.enqueue_indirect_dma source(%arg9 : memref<128x64xf32, #tpu.memory_space<vmem>>) target(%dma_start3A_317 : memref<10240x64xf32, #tpu.memory_space<vmem_shared>>) offsets(%dma_start3A_314 : memref<128xi32, #tpu.memory_space<vmem>>) semaphore(%arg21 : memref<!tpu.dma_semaphore, #tpu.memory_space<semaphore_mem>>) {add = true}
      %ge3A = arith.constant 0 : i32
      %ge3A_318 = arith.cmpi sge, %sub3A_305, %ge3A : i32
      %add3A_319 = arith.constant 5 : i32
      %add3A_320 = arith.addi %sub3A_305, %add3A_319 : i32
      %lt3A = arith.constant 160 : i32
      %lt3A_321 = arith.cmpi slt, %add3A_320, %lt3A : i32
      %and3A = arith.andi %ge3A_318, %lt3A_321 : i1
      %convert_element_type3A = arith.extui %and3A : i1 to i32
      %cond3A = arith.constant 0 : i32
      %cond3A_322 = arith.cmpi ne, %convert_element_type3A, %cond3A : i32
      scf.if %cond3A_322 {
        %dma_wait3A_435 = arith.constant 0 : i32
        %dma_wait3A_436 = tpu.memref_slice %arg15[%sub3A_305, %dma_wait3A_435] : memref<160x128xi32, #tpu.memory_space<vmem>> -> memref<1x128xi32, #tpu.memory_space<vmem>>
        %dma_wait3A_437 = tpu.memref_squeeze %dma_wait3A_436 : memref<1x128xi32, #tpu.memory_space<vmem>> -> memref<128xi32, #tpu.memory_space<vmem>>
        %dma_wait3A_438 = arith.constant 0 : i32
        %dma_wait3A_439 = arith.constant 0 : i32
        %dma_wait3A_440 = tpu.memref_slice %arg7[%dma_wait3A_438, %dma_wait3A_439] : memref<10240x64xf32, #tpu.memory_space<vmem_shared>> -> memref<10240x64xf32, #tpu.memory_space<vmem_shared>>
        tpu.wait_indirect_dma semaphore(%arg25 : memref<!tpu.dma_semaphore, #tpu.memory_space<semaphore_mem>>) src(%arg13 : memref<128x64xf32, #tpu.memory_space<vmem>>) dst(%dma_wait3A_440 : memref<10240x64xf32, #tpu.memory_space<vmem_shared>>)
        %add3A_441 = arith.constant 5 : i32
        %add3A_442 = arith.addi %sub3A_305, %add3A_441 : i32
        %dma_start3A_443 = arith.constant 0 : i32
        %dma_start3A_444 = tpu.memref_slice %arg14[%add3A_442, %dma_start3A_443] : memref<160x128xi32, #tpu.memory_space<vmem>> -> memref<1x128xi32, #tpu.memory_space<vmem>>
        %dma_start3A_445 = tpu.memref_squeeze %dma_start3A_444 : memref<1x128xi32, #tpu.memory_space<vmem>> -> memref<128xi32, #tpu.memory_space<vmem>>
        %dma_start3A_446 = arith.constant 0 : i32
        %dma_start3A_447 = arith.constant 0 : i32
        %dma_start3A_448 = tpu.memref_slice %arg4[%dma_start3A_446, %dma_start3A_447] : memref<40000x64xf32, #tpu.memory_space<hbm>> -> memref<40000x64xf32, #tpu.memory_space<hbm>>
        tpu.enqueue_indirect_dma source(%dma_start3A_448 : memref<40000x64xf32, #tpu.memory_space<hbm>>) target(%arg13 : memref<128x64xf32, #tpu.memory_space<vmem>>) offsets(%dma_start3A_445 : memref<128xi32, #tpu.memory_space<vmem>>) semaphore(%arg20 : memref<!tpu.dma_semaphore, #tpu.memory_space<semaphore_mem>>)
      } else {
      }
      %mul3A_323 = arith.constant 5 : i32
      %mul3A_324 = arith.muli %scan3A_300, %mul3A_323 : i32
      %add3A_325 = arith.constant 1 : i32
      %add3A_326 = arith.addi %mul3A_324, %add3A_325 : i32
      %sub3A_327 = arith.constant 1 : i32
      %sub3A_328 = arith.subi %add3A_326, %sub3A_327 : i32
      %dma_wait3A_329 = arith.constant 0 : i32
      %dma_wait3A_330 = tpu.memref_slice %arg14[%add3A_326, %dma_wait3A_329] : memref<160x128xi32, #tpu.memory_space<vmem>> -> memref<1x128xi32, #tpu.memory_space<vmem>>
      %dma_wait3A_331 = tpu.memref_squeeze %dma_wait3A_330 : memref<1x128xi32, #tpu.memory_space<vmem>> -> memref<128xi32, #tpu.memory_space<vmem>>
      %dma_wait3A_332 = arith.constant 0 : i32
      %dma_wait3A_333 = arith.constant 0 : i32
      %dma_wait3A_334 = tpu.memref_slice %arg4[%dma_wait3A_332, %dma_wait3A_333] : memref<40000x64xf32, #tpu.memory_space<hbm>> -> memref<40000x64xf32, #tpu.memory_space<hbm>>
      tpu.wait_indirect_dma semaphore(%arg17 : memref<!tpu.dma_semaphore, #tpu.memory_space<semaphore_mem>>) src(%dma_wait3A_334 : memref<40000x64xf32, #tpu.memory_space<hbm>>) dst(%arg10 : memref<128x64xf32, #tpu.memory_space<vmem>>)
      %dma_start3A_335 = arith.constant 0 : i32
      %dma_start3A_336 = tpu.memref_slice %arg15[%add3A_326, %dma_start3A_335] : memref<160x128xi32, #tpu.memory_space<vmem>> -> memref<1x128xi32, #tpu.memory_space<vmem>>
      %dma_start3A_337 = tpu.memref_squeeze %dma_start3A_336 : memref<1x128xi32, #tpu.memory_space<vmem>> -> memref<128xi32, #tpu.memory_space<vmem>>
      %dma_start3A_338 = arith.constant 0 : i32
      %dma_start3A_339 = arith.constant 0 : i32
      %dma_start3A_340 = tpu.memref_slice %arg7[%dma_start3A_338, %dma_start3A_339] : memref<10240x64xf32, #tpu.memory_space<vmem_shared>> -> memref<10240x64xf32, #tpu.memory_space<vmem_shared>>
      tpu.enqueue_indirect_dma source(%arg10 : memref<128x64xf32, #tpu.memory_space<vmem>>) target(%dma_start3A_340 : memref<10240x64xf32, #tpu.memory_space<vmem_shared>>) offsets(%dma_start3A_337 : memref<128xi32, #tpu.memory_space<vmem>>) semaphore(%arg22 : memref<!tpu.dma_semaphore, #tpu.memory_space<semaphore_mem>>) {add = true}
      %ge3A_341 = arith.constant 0 : i32
      %ge3A_342 = arith.cmpi sge, %sub3A_328, %ge3A_341 : i32
      %add3A_343 = arith.constant 5 : i32
      %add3A_344 = arith.addi %sub3A_328, %add3A_343 : i32
      %lt3A_345 = arith.constant 160 : i32
      %lt3A_346 = arith.cmpi slt, %add3A_344, %lt3A_345 : i32
      %and3A_347 = arith.andi %ge3A_342, %lt3A_346 : i1
      %convert_element_type3A_348 = arith.extui %and3A_347 : i1 to i32
      %cond3A_349 = arith.constant 0 : i32
      %cond3A_350 = arith.cmpi ne, %convert_element_type3A_348, %cond3A_349 : i32
      scf.if %cond3A_350 {
        %dma_wait3A_435 = arith.constant 0 : i32
        %dma_wait3A_436 = tpu.memref_slice %arg15[%sub3A_328, %dma_wait3A_435] : memref<160x128xi32, #tpu.memory_space<vmem>> -> memref<1x128xi32, #tpu.memory_space<vmem>>
        %dma_wait3A_437 = tpu.memref_squeeze %dma_wait3A_436 : memref<1x128xi32, #tpu.memory_space<vmem>> -> memref<128xi32, #tpu.memory_space<vmem>>
        %dma_wait3A_438 = arith.constant 0 : i32
        %dma_wait3A_439 = arith.constant 0 : i32
        %dma_wait3A_440 = tpu.memref_slice %arg7[%dma_wait3A_438, %dma_wait3A_439] : memref<10240x64xf32, #tpu.memory_space<vmem_shared>> -> memref<10240x64xf32, #tpu.memory_space<vmem_shared>>
        tpu.wait_indirect_dma semaphore(%arg21 : memref<!tpu.dma_semaphore, #tpu.memory_space<semaphore_mem>>) src(%arg9 : memref<128x64xf32, #tpu.memory_space<vmem>>) dst(%dma_wait3A_440 : memref<10240x64xf32, #tpu.memory_space<vmem_shared>>)
        %add3A_441 = arith.constant 5 : i32
        %add3A_442 = arith.addi %sub3A_328, %add3A_441 : i32
        %dma_start3A_443 = arith.constant 0 : i32
        %dma_start3A_444 = tpu.memref_slice %arg14[%add3A_442, %dma_start3A_443] : memref<160x128xi32, #tpu.memory_space<vmem>> -> memref<1x128xi32, #tpu.memory_space<vmem>>
        %dma_start3A_445 = tpu.memref_squeeze %dma_start3A_444 : memref<1x128xi32, #tpu.memory_space<vmem>> -> memref<128xi32, #tpu.memory_space<vmem>>
        %dma_start3A_446 = arith.constant 0 : i32
        %dma_start3A_447 = arith.constant 0 : i32
        %dma_start3A_448 = tpu.memref_slice %arg4[%dma_start3A_446, %dma_start3A_447] : memref<40000x64xf32, #tpu.memory_space<hbm>> -> memref<40000x64xf32, #tpu.memory_space<hbm>>
        tpu.enqueue_indirect_dma source(%dma_start3A_448 : memref<40000x64xf32, #tpu.memory_space<hbm>>) target(%arg9 : memref<128x64xf32, #tpu.memory_space<vmem>>) offsets(%dma_start3A_445 : memref<128xi32, #tpu.memory_space<vmem>>) semaphore(%arg16 : memref<!tpu.dma_semaphore, #tpu.memory_space<semaphore_mem>>)
      } else {
      }
      %mul3A_351 = arith.constant 5 : i32
      %mul3A_352 = arith.muli %scan3A_300, %mul3A_351 : i32
      %add3A_353 = arith.constant 2 : i32
      %add3A_354 = arith.addi %mul3A_352, %add3A_353 : i32
      %sub3A_355 = arith.constant 1 : i32
      %sub3A_356 = arith.subi %add3A_354, %sub3A_355 : i32
      %dma_wait3A_357 = arith.constant 0 : i32
      %dma_wait3A_358 = tpu.memref_slice %arg14[%add3A_354, %dma_wait3A_357] : memref<160x128xi32, #tpu.memory_space<vmem>> -> memref<1x128xi32, #tpu.memory_space<vmem>>
      %dma_wait3A_359 = tpu.memref_squeeze %dma_wait3A_358 : memref<1x128xi32, #tpu.memory_space<vmem>> -> memref<128xi32, #tpu.memory_space<vmem>>
      %dma_wait3A_360 = arith.constant 0 : i32
      %dma_wait3A_361 = arith.constant 0 : i32
      %dma_wait3A_362 = tpu.memref_slice %arg4[%dma_wait3A_360, %dma_wait3A_361] : memref<40000x64xf32, #tpu.memory_space<hbm>> -> memref<40000x64xf32, #tpu.memory_space<hbm>>
      tpu.wait_indirect_dma semaphore(%arg18 : memref<!tpu.dma_semaphore, #tpu.memory_space<semaphore_mem>>) src(%dma_wait3A_362 : memref<40000x64xf32, #tpu.memory_space<hbm>>) dst(%arg11 : memref<128x64xf32, #tpu.memory_space<vmem>>)
      %dma_start3A_363 = arith.constant 0 : i32
      %dma_start3A_364 = tpu.memref_slice %arg15[%add3A_354, %dma_start3A_363] : memref<160x128xi32, #tpu.memory_space<vmem>> -> memref<1x128xi32, #tpu.memory_space<vmem>>
      %dma_start3A_365 = tpu.memref_squeeze %dma_start3A_364 : memref<1x128xi32, #tpu.memory_space<vmem>> -> memref<128xi32, #tpu.memory_space<vmem>>
      %dma_start3A_366 = arith.constant 0 : i32
      %dma_start3A_367 = arith.constant 0 : i32
      %dma_start3A_368 = tpu.memref_slice %arg7[%dma_start3A_366, %dma_start3A_367] : memref<10240x64xf32, #tpu.memory_space<vmem_shared>> -> memref<10240x64xf32, #tpu.memory_space<vmem_shared>>
      tpu.enqueue_indirect_dma source(%arg11 : memref<128x64xf32, #tpu.memory_space<vmem>>) target(%dma_start3A_368 : memref<10240x64xf32, #tpu.memory_space<vmem_shared>>) offsets(%dma_start3A_365 : memref<128xi32, #tpu.memory_space<vmem>>) semaphore(%arg23 : memref<!tpu.dma_semaphore, #tpu.memory_space<semaphore_mem>>) {add = true}
      %ge3A_369 = arith.constant 0 : i32
      %ge3A_370 = arith.cmpi sge, %sub3A_356, %ge3A_369 : i32
      %add3A_371 = arith.constant 5 : i32
      %add3A_372 = arith.addi %sub3A_356, %add3A_371 : i32
      %lt3A_373 = arith.constant 160 : i32
      %lt3A_374 = arith.cmpi slt, %add3A_372, %lt3A_373 : i32
      %and3A_375 = arith.andi %ge3A_370, %lt3A_374 : i1
      %convert_element_type3A_376 = arith.extui %and3A_375 : i1 to i32
      %cond3A_377 = arith.constant 0 : i32
      %cond3A_378 = arith.cmpi ne, %convert_element_type3A_376, %cond3A_377 : i32
      scf.if %cond3A_378 {
        %dma_wait3A_435 = arith.constant 0 : i32
        %dma_wait3A_436 = tpu.memref_slice %arg15[%sub3A_356, %dma_wait3A_435] : memref<160x128xi32, #tpu.memory_space<vmem>> -> memref<1x128xi32, #tpu.memory_space<vmem>>
        %dma_wait3A_437 = tpu.memref_squeeze %dma_wait3A_436 : memref<1x128xi32, #tpu.memory_space<vmem>> -> memref<128xi32, #tpu.memory_space<vmem>>
        %dma_wait3A_438 = arith.constant 0 : i32
        %dma_wait3A_439 = arith.constant 0 : i32
        %dma_wait3A_440 = tpu.memref_slice %arg7[%dma_wait3A_438, %dma_wait3A_439] : memref<10240x64xf32, #tpu.memory_space<vmem_shared>> -> memref<10240x64xf32, #tpu.memory_space<vmem_shared>>
        tpu.wait_indirect_dma semaphore(%arg22 : memref<!tpu.dma_semaphore, #tpu.memory_space<semaphore_mem>>) src(%arg10 : memref<128x64xf32, #tpu.memory_space<vmem>>) dst(%dma_wait3A_440 : memref<10240x64xf32, #tpu.memory_space<vmem_shared>>)
        %add3A_441 = arith.constant 5 : i32
        %add3A_442 = arith.addi %sub3A_356, %add3A_441 : i32
        %dma_start3A_443 = arith.constant 0 : i32
        %dma_start3A_444 = tpu.memref_slice %arg14[%add3A_442, %dma_start3A_443] : memref<160x128xi32, #tpu.memory_space<vmem>> -> memref<1x128xi32, #tpu.memory_space<vmem>>
        %dma_start3A_445 = tpu.memref_squeeze %dma_start3A_444 : memref<1x128xi32, #tpu.memory_space<vmem>> -> memref<128xi32, #tpu.memory_space<vmem>>
        %dma_start3A_446 = arith.constant 0 : i32
        %dma_start3A_447 = arith.constant 0 : i32
        %dma_start3A_448 = tpu.memref_slice %arg4[%dma_start3A_446, %dma_start3A_447] : memref<40000x64xf32, #tpu.memory_space<hbm>> -> memref<40000x64xf32, #tpu.memory_space<hbm>>
        tpu.enqueue_indirect_dma source(%dma_start3A_448 : memref<40000x64xf32, #tpu.memory_space<hbm>>) target(%arg10 : memref<128x64xf32, #tpu.memory_space<vmem>>) offsets(%dma_start3A_445 : memref<128xi32, #tpu.memory_space<vmem>>) semaphore(%arg17 : memref<!tpu.dma_semaphore, #tpu.memory_space<semaphore_mem>>)
      } else {
      }
      %mul3A_379 = arith.constant 5 : i32
      %mul3A_380 = arith.muli %scan3A_300, %mul3A_379 : i32
      %add3A_381 = arith.constant 3 : i32
      %add3A_382 = arith.addi %mul3A_380, %add3A_381 : i32
      %sub3A_383 = arith.constant 1 : i32
      %sub3A_384 = arith.subi %add3A_382, %sub3A_383 : i32
      %dma_wait3A_385 = arith.constant 0 : i32
      %dma_wait3A_386 = tpu.memref_slice %arg14[%add3A_382, %dma_wait3A_385] : memref<160x128xi32, #tpu.memory_space<vmem>> -> memref<1x128xi32, #tpu.memory_space<vmem>>
      %dma_wait3A_387 = tpu.memref_squeeze %dma_wait3A_386 : memref<1x128xi32, #tpu.memory_space<vmem>> -> memref<128xi32, #tpu.memory_space<vmem>>
      %dma_wait3A_388 = arith.constant 0 : i32
      %dma_wait3A_389 = arith.constant 0 : i32
      %dma_wait3A_390 = tpu.memref_slice %arg4[%dma_wait3A_388, %dma_wait3A_389] : memref<40000x64xf32, #tpu.memory_space<hbm>> -> memref<40000x64xf32, #tpu.memory_space<hbm>>
      tpu.wait_indirect_dma semaphore(%arg19 : memref<!tpu.dma_semaphore, #tpu.memory_space<semaphore_mem>>) src(%dma_wait3A_390 : memref<40000x64xf32, #tpu.memory_space<hbm>>) dst(%arg12 : memref<128x64xf32, #tpu.memory_space<vmem>>)
      %dma_start3A_391 = arith.constant 0 : i32
      %dma_start3A_392 = tpu.memref_slice %arg15[%add3A_382, %dma_start3A_391] : memref<160x128xi32, #tpu.memory_space<vmem>> -> memref<1x128xi32, #tpu.memory_space<vmem>>
      %dma_start3A_393 = tpu.memref_squeeze %dma_start3A_392 : memref<1x128xi32, #tpu.memory_space<vmem>> -> memref<128xi32, #tpu.memory_space<vmem>>
      %dma_start3A_394 = arith.constant 0 : i32
      %dma_start3A_395 = arith.constant 0 : i32
      %dma_start3A_396 = tpu.memref_slice %arg7[%dma_start3A_394, %dma_start3A_395] : memref<10240x64xf32, #tpu.memory_space<vmem_shared>> -> memref<10240x64xf32, #tpu.memory_space<vmem_shared>>
      tpu.enqueue_indirect_dma source(%arg12 : memref<128x64xf32, #tpu.memory_space<vmem>>) target(%dma_start3A_396 : memref<10240x64xf32, #tpu.memory_space<vmem_shared>>) offsets(%dma_start3A_393 : memref<128xi32, #tpu.memory_space<vmem>>) semaphore(%arg24 : memref<!tpu.dma_semaphore, #tpu.memory_space<semaphore_mem>>) {add = true}
      %ge3A_397 = arith.constant 0 : i32
      %ge3A_398 = arith.cmpi sge, %sub3A_384, %ge3A_397 : i32
      %add3A_399 = arith.constant 5 : i32
      %add3A_400 = arith.addi %sub3A_384, %add3A_399 : i32
      %lt3A_401 = arith.constant 160 : i32
      %lt3A_402 = arith.cmpi slt, %add3A_400, %lt3A_401 : i32
      %and3A_403 = arith.andi %ge3A_398, %lt3A_402 : i1
      %convert_element_type3A_404 = arith.extui %and3A_403 : i1 to i32
      %cond3A_405 = arith.constant 0 : i32
      %cond3A_406 = arith.cmpi ne, %convert_element_type3A_404, %cond3A_405 : i32
      scf.if %cond3A_406 {
        %dma_wait3A_435 = arith.constant 0 : i32
        %dma_wait3A_436 = tpu.memref_slice %arg15[%sub3A_384, %dma_wait3A_435] : memref<160x128xi32, #tpu.memory_space<vmem>> -> memref<1x128xi32, #tpu.memory_space<vmem>>
        %dma_wait3A_437 = tpu.memref_squeeze %dma_wait3A_436 : memref<1x128xi32, #tpu.memory_space<vmem>> -> memref<128xi32, #tpu.memory_space<vmem>>
        %dma_wait3A_438 = arith.constant 0 : i32
        %dma_wait3A_439 = arith.constant 0 : i32
        %dma_wait3A_440 = tpu.memref_slice %arg7[%dma_wait3A_438, %dma_wait3A_439] : memref<10240x64xf32, #tpu.memory_space<vmem_shared>> -> memref<10240x64xf32, #tpu.memory_space<vmem_shared>>
        tpu.wait_indirect_dma semaphore(%arg23 : memref<!tpu.dma_semaphore, #tpu.memory_space<semaphore_mem>>) src(%arg11 : memref<128x64xf32, #tpu.memory_space<vmem>>) dst(%dma_wait3A_440 : memref<10240x64xf32, #tpu.memory_space<vmem_shared>>)
        %add3A_441 = arith.constant 5 : i32
        %add3A_442 = arith.addi %sub3A_384, %add3A_441 : i32
        %dma_start3A_443 = arith.constant 0 : i32
        %dma_start3A_444 = tpu.memref_slice %arg14[%add3A_442, %dma_start3A_443] : memref<160x128xi32, #tpu.memory_space<vmem>> -> memref<1x128xi32, #tpu.memory_space<vmem>>
        %dma_start3A_445 = tpu.memref_squeeze %dma_start3A_444 : memref<1x128xi32, #tpu.memory_space<vmem>> -> memref<128xi32, #tpu.memory_space<vmem>>
        %dma_start3A_446 = arith.constant 0 : i32
        %dma_start3A_447 = arith.constant 0 : i32
        %dma_start3A_448 = tpu.memref_slice %arg4[%dma_start3A_446, %dma_start3A_447] : memref<40000x64xf32, #tpu.memory_space<hbm>> -> memref<40000x64xf32, #tpu.memory_space<hbm>>
        tpu.enqueue_indirect_dma source(%dma_start3A_448 : memref<40000x64xf32, #tpu.memory_space<hbm>>) target(%arg11 : memref<128x64xf32, #tpu.memory_space<vmem>>) offsets(%dma_start3A_445 : memref<128xi32, #tpu.memory_space<vmem>>) semaphore(%arg18 : memref<!tpu.dma_semaphore, #tpu.memory_space<semaphore_mem>>)
      } else {
      }
      %mul3A_407 = arith.constant 5 : i32
      %mul3A_408 = arith.muli %scan3A_300, %mul3A_407 : i32
      %add3A_409 = arith.constant 4 : i32
      %add3A_410 = arith.addi %mul3A_408, %add3A_409 : i32
      %sub3A_411 = arith.constant 1 : i32
      %sub3A_412 = arith.subi %add3A_410, %sub3A_411 : i32
      %dma_wait3A_413 = arith.constant 0 : i32
      %dma_wait3A_414 = tpu.memref_slice %arg14[%add3A_410, %dma_wait3A_413] : memref<160x128xi32, #tpu.memory_space<vmem>> -> memref<1x128xi32, #tpu.memory_space<vmem>>
      %dma_wait3A_415 = tpu.memref_squeeze %dma_wait3A_414 : memref<1x128xi32, #tpu.memory_space<vmem>> -> memref<128xi32, #tpu.memory_space<vmem>>
      %dma_wait3A_416 = arith.constant 0 : i32
      %dma_wait3A_417 = arith.constant 0 : i32
      %dma_wait3A_418 = tpu.memref_slice %arg4[%dma_wait3A_416, %dma_wait3A_417] : memref<40000x64xf32, #tpu.memory_space<hbm>> -> memref<40000x64xf32, #tpu.memory_space<hbm>>
      tpu.wait_indirect_dma semaphore(%arg20 : memref<!tpu.dma_semaphore, #tpu.memory_space<semaphore_mem>>) src(%dma_wait3A_418 : memref<40000x64xf32, #tpu.memory_space<hbm>>) dst(%arg13 : memref<128x64xf32, #tpu.memory_space<vmem>>)
      %dma_start3A_419 = arith.constant 0 : i32
      %dma_start3A_420 = tpu.memref_slice %arg15[%add3A_410, %dma_start3A_419] : memref<160x128xi32, #tpu.memory_space<vmem>> -> memref<1x128xi32, #tpu.memory_space<vmem>>
      %dma_start3A_421 = tpu.memref_squeeze %dma_start3A_420 : memref<1x128xi32, #tpu.memory_space<vmem>> -> memref<128xi32, #tpu.memory_space<vmem>>
      %dma_start3A_422 = arith.constant 0 : i32
      %dma_start3A_423 = arith.constant 0 : i32
      %dma_start3A_424 = tpu.memref_slice %arg7[%dma_start3A_422, %dma_start3A_423] : memref<10240x64xf32, #tpu.memory_space<vmem_shared>> -> memref<10240x64xf32, #tpu.memory_space<vmem_shared>>
      tpu.enqueue_indirect_dma source(%arg13 : memref<128x64xf32, #tpu.memory_space<vmem>>) target(%dma_start3A_424 : memref<10240x64xf32, #tpu.memory_space<vmem_shared>>) offsets(%dma_start3A_421 : memref<128xi32, #tpu.memory_space<vmem>>) semaphore(%arg25 : memref<!tpu.dma_semaphore, #tpu.memory_space<semaphore_mem>>) {add = true}
      %ge3A_425 = arith.constant 0 : i32
      %ge3A_426 = arith.cmpi sge, %sub3A_412, %ge3A_425 : i32
      %add3A_427 = arith.constant 5 : i32
      %add3A_428 = arith.addi %sub3A_412, %add3A_427 : i32
      %lt3A_429 = arith.constant 160 : i32
      %lt3A_430 = arith.cmpi slt, %add3A_428, %lt3A_429 : i32
      %and3A_431 = arith.andi %ge3A_426, %lt3A_430 : i1
      %convert_element_type3A_432 = arith.extui %and3A_431 : i1 to i32
      %cond3A_433 = arith.constant 0 : i32
      %cond3A_434 = arith.cmpi ne, %convert_element_type3A_432, %cond3A_433 : i32
      scf.if %cond3A_434 {
        %dma_wait3A_435 = arith.constant 0 : i32
        %dma_wait3A_436 = tpu.memref_slice %arg15[%sub3A_412, %dma_wait3A_435] : memref<160x128xi32, #tpu.memory_space<vmem>> -> memref<1x128xi32, #tpu.memory_space<vmem>>
        %dma_wait3A_437 = tpu.memref_squeeze %dma_wait3A_436 : memref<1x128xi32, #tpu.memory_space<vmem>> -> memref<128xi32, #tpu.memory_space<vmem>>
        %dma_wait3A_438 = arith.constant 0 : i32
        %dma_wait3A_439 = arith.constant 0 : i32
        %dma_wait3A_440 = tpu.memref_slice %arg7[%dma_wait3A_438, %dma_wait3A_439] : memref<10240x64xf32, #tpu.memory_space<vmem_shared>> -> memref<10240x64xf32, #tpu.memory_space<vmem_shared>>
        tpu.wait_indirect_dma semaphore(%arg24 : memref<!tpu.dma_semaphore, #tpu.memory_space<semaphore_mem>>) src(%arg12 : memref<128x64xf32, #tpu.memory_space<vmem>>) dst(%dma_wait3A_440 : memref<10240x64xf32, #tpu.memory_space<vmem_shared>>)
        %add3A_441 = arith.constant 5 : i32
        %add3A_442 = arith.addi %sub3A_412, %add3A_441 : i32
        %dma_start3A_443 = arith.constant 0 : i32
        %dma_start3A_444 = tpu.memref_slice %arg14[%add3A_442, %dma_start3A_443] : memref<160x128xi32, #tpu.memory_space<vmem>> -> memref<1x128xi32, #tpu.memory_space<vmem>>
        %dma_start3A_445 = tpu.memref_squeeze %dma_start3A_444 : memref<1x128xi32, #tpu.memory_space<vmem>> -> memref<128xi32, #tpu.memory_space<vmem>>
        %dma_start3A_446 = arith.constant 0 : i32
        %dma_start3A_447 = arith.constant 0 : i32
        %dma_start3A_448 = tpu.memref_slice %arg4[%dma_start3A_446, %dma_start3A_447] : memref<40000x64xf32, #tpu.memory_space<hbm>> -> memref<40000x64xf32, #tpu.memory_space<hbm>>
        tpu.enqueue_indirect_dma source(%dma_start3A_448 : memref<40000x64xf32, #tpu.memory_space<hbm>>) target(%arg12 : memref<128x64xf32, #tpu.memory_space<vmem>>) offsets(%dma_start3A_445 : memref<128xi32, #tpu.memory_space<vmem>>) semaphore(%arg19 : memref<!tpu.dma_semaphore, #tpu.memory_space<semaphore_mem>>)
      } else {
      }
    }
    %scan3A_223 = arith.constant 32 : i32
    %dma_wait3A_224 = arith.constant 155 : i32
    %dma_wait3A_225 = arith.constant 0 : i32
    %dma_wait3A_226 = tpu.memref_slice %arg15[%dma_wait3A_224, %dma_wait3A_225] : memref<160x128xi32, #tpu.memory_space<vmem>> -> memref<1x128xi32, #tpu.memory_space<vmem>>
    %dma_wait3A_227 = tpu.memref_squeeze %dma_wait3A_226 : memref<1x128xi32, #tpu.memory_space<vmem>> -> memref<128xi32, #tpu.memory_space<vmem>>
    %dma_wait3A_228 = arith.constant 0 : i32
    %dma_wait3A_229 = arith.constant 0 : i32
    %dma_wait3A_230 = tpu.memref_slice %arg7[%dma_wait3A_228, %dma_wait3A_229] : memref<10240x64xf32, #tpu.memory_space<vmem_shared>> -> memref<10240x64xf32, #tpu.memory_space<vmem_shared>>
    tpu.wait_indirect_dma semaphore(%arg21 : memref<!tpu.dma_semaphore, #tpu.memory_space<semaphore_mem>>) src(%arg9 : memref<128x64xf32, #tpu.memory_space<vmem>>) dst(%dma_wait3A_230 : memref<10240x64xf32, #tpu.memory_space<vmem_shared>>)
    %dma_wait3A_231 = arith.constant 156 : i32
    %dma_wait3A_232 = arith.constant 0 : i32
    %dma_wait3A_233 = tpu.memref_slice %arg15[%dma_wait3A_231, %dma_wait3A_232] : memref<160x128xi32, #tpu.memory_space<vmem>> -> memref<1x128xi32, #tpu.memory_space<vmem>>
    %dma_wait3A_234 = tpu.memref_squeeze %dma_wait3A_233 : memref<1x128xi32, #tpu.memory_space<vmem>> -> memref<128xi32, #tpu.memory_space<vmem>>
    %dma_wait3A_235 = arith.constant 0 : i32
    %dma_wait3A_236 = arith.constant 0 : i32
    %dma_wait3A_237 = tpu.memref_slice %arg7[%dma_wait3A_235, %dma_wait3A_236] : memref<10240x64xf32, #tpu.memory_space<vmem_shared>> -> memref<10240x64xf32, #tpu.memory_space<vmem_shared>>
    tpu.wait_indirect_dma semaphore(%arg22 : memref<!tpu.dma_semaphore, #tpu.memory_space<semaphore_mem>>) src(%arg10 : memref<128x64xf32, #tpu.memory_space<vmem>>) dst(%dma_wait3A_237 : memref<10240x64xf32, #tpu.memory_space<vmem_shared>>)
    %dma_wait3A_238 = arith.constant 157 : i32
    %dma_wait3A_239 = arith.constant 0 : i32
    %dma_wait3A_240 = tpu.memref_slice %arg15[%dma_wait3A_238, %dma_wait3A_239] : memref<160x128xi32, #tpu.memory_space<vmem>> -> memref<1x128xi32, #tpu.memory_space<vmem>>
    %dma_wait3A_241 = tpu.memref_squeeze %dma_wait3A_240 : memref<1x128xi32, #tpu.memory_space<vmem>> -> memref<128xi32, #tpu.memory_space<vmem>>
    %dma_wait3A_242 = arith.constant 0 : i32
    %dma_wait3A_243 = arith.constant 0 : i32
    %dma_wait3A_244 = tpu.memref_slice %arg7[%dma_wait3A_242, %dma_wait3A_243] : memref<10240x64xf32, #tpu.memory_space<vmem_shared>> -> memref<10240x64xf32, #tpu.memory_space<vmem_shared>>
    tpu.wait_indirect_dma semaphore(%arg23 : memref<!tpu.dma_semaphore, #tpu.memory_space<semaphore_mem>>) src(%arg11 : memref<128x64xf32, #tpu.memory_space<vmem>>) dst(%dma_wait3A_244 : memref<10240x64xf32, #tpu.memory_space<vmem_shared>>)
    %dma_wait3A_245 = arith.constant 158 : i32
    %dma_wait3A_246 = arith.constant 0 : i32
    %dma_wait3A_247 = tpu.memref_slice %arg15[%dma_wait3A_245, %dma_wait3A_246] : memref<160x128xi32, #tpu.memory_space<vmem>> -> memref<1x128xi32, #tpu.memory_space<vmem>>
    %dma_wait3A_248 = tpu.memref_squeeze %dma_wait3A_247 : memref<1x128xi32, #tpu.memory_space<vmem>> -> memref<128xi32, #tpu.memory_space<vmem>>
    %dma_wait3A_249 = arith.constant 0 : i32
    %dma_wait3A_250 = arith.constant 0 : i32
    %dma_wait3A_251 = tpu.memref_slice %arg7[%dma_wait3A_249, %dma_wait3A_250] : memref<10240x64xf32, #tpu.memory_space<vmem_shared>> -> memref<10240x64xf32, #tpu.memory_space<vmem_shared>>
    tpu.wait_indirect_dma semaphore(%arg24 : memref<!tpu.dma_semaphore, #tpu.memory_space<semaphore_mem>>) src(%arg12 : memref<128x64xf32, #tpu.memory_space<vmem>>) dst(%dma_wait3A_251 : memref<10240x64xf32, #tpu.memory_space<vmem_shared>>)
    %dma_wait3A_252 = arith.constant 159 : i32
    %dma_wait3A_253 = arith.constant 0 : i32
    %dma_wait3A_254 = tpu.memref_slice %arg15[%dma_wait3A_252, %dma_wait3A_253] : memref<160x128xi32, #tpu.memory_space<vmem>> -> memref<1x128xi32, #tpu.memory_space<vmem>>
    %dma_wait3A_255 = tpu.memref_squeeze %dma_wait3A_254 : memref<1x128xi32, #tpu.memory_space<vmem>> -> memref<128xi32, #tpu.memory_space<vmem>>
    %dma_wait3A_256 = arith.constant 0 : i32
    %dma_wait3A_257 = arith.constant 0 : i32
    %dma_wait3A_258 = tpu.memref_slice %arg7[%dma_wait3A_256, %dma_wait3A_257] : memref<10240x64xf32, #tpu.memory_space<vmem_shared>> -> memref<10240x64xf32, #tpu.memory_space<vmem_shared>>
    tpu.wait_indirect_dma semaphore(%arg25 : memref<!tpu.dma_semaphore, #tpu.memory_space<semaphore_mem>>) src(%arg13 : memref<128x64xf32, #tpu.memory_space<vmem>>) dst(%dma_wait3A_258 : memref<10240x64xf32, #tpu.memory_space<vmem_shared>>)
    %barrier3A_259 = arith.constant 0 : index
    tpu.barrier barrier_id(%barrier3A_259)
    %mul3A_260 = arith.constant 640 : i32
    %mul3A_261 = arith.muli %arg1, %mul3A_260 : i32
    %add3A_262 = arith.constant 0 : i32
    %add3A_263 = arith.addi %mul3A_261, %add3A_262 : i32
    "tpu.region"() ({
      %run_scoped3A = tpu.sem_alloc : memref<!tpu.dma_semaphore, #tpu.memory_space<semaphore_mem>>
      %dma_start3A_300 = arith.constant 0 : i32
      %dma_start3A_301 = tpu.memref_slice %arg7[%add3A_263, %dma_start3A_300] : memref<10240x64xf32, #tpu.memory_space<vmem_shared>> -> memref<128x64xf32, #tpu.memory_space<vmem_shared>>
      %dma_start3A_302 = arith.constant 0 : i32
      %dma_start3A_303 = tpu.memref_slice %arg7[%add3A_263, %dma_start3A_302] : memref<10240x64xf32, #tpu.memory_space<vmem_shared>> -> memref<128x64xf32, #tpu.memory_space<vmem_shared>>
      tpu.enqueue_dma source(%dma_start3A_303 : memref<128x64xf32, #tpu.memory_space<vmem_shared>>) target(%arg8 : memref<128x64xf32, #tpu.memory_space<vmem>>) target_semaphore(%run_scoped3A : memref<!tpu.dma_semaphore, #tpu.memory_space<semaphore_mem>>)
      %dma_wait3A_304 = arith.constant 0 : i32
      %dma_wait3A_305 = tpu.memref_slice %arg7[%add3A_263, %dma_wait3A_304] : memref<10240x64xf32, #tpu.memory_space<vmem_shared>> -> memref<128x64xf32, #tpu.memory_space<vmem_shared>>
      %dma_wait3A_306 = arith.constant 0 : i32
      %dma_wait3A_307 = tpu.memref_slice %arg7[%add3A_263, %dma_wait3A_306] : memref<10240x64xf32, #tpu.memory_space<vmem_shared>> -> memref<128x64xf32, #tpu.memory_space<vmem_shared>>
      tpu.wait_dma2 semaphore(%run_scoped3A : memref<!tpu.dma_semaphore, #tpu.memory_space<semaphore_mem>>) src(%dma_wait3A_307 : memref<128x64xf32, #tpu.memory_space<vmem_shared>>) dst(%arg8 : memref<128x64xf32, #tpu.memory_space<vmem>>)
      tpu.yield
    }) : () -> ()
    %mul3A_264 = arith.constant 640 : i32
    %mul3A_265 = arith.muli %arg1, %mul3A_264 : i32
    %add3A_266 = arith.constant 0 : i32
    %add3A_267 = arith.addi %mul3A_265, %add3A_266 : i32
    "tpu.region"() ({
      %run_scoped3A = tpu.sem_alloc : memref<!tpu.dma_semaphore, #tpu.memory_space<semaphore_mem>>
      %dma_start3A_300 = arith.constant 0 : i32
      %dma_start3A_301 = tpu.memref_slice %arg6[%add3A_151, %add3A_267, %dma_start3A_300] : memref<4x10240x64xf32, #tpu.memory_space<hbm>> -> memref<1x128x64xf32, #tpu.memory_space<hbm>>
      %dma_start3A_302 = tpu.memref_squeeze %dma_start3A_301 : memref<1x128x64xf32, #tpu.memory_space<hbm>> -> memref<128x64xf32, #tpu.memory_space<hbm>>
      %dma_start3A_303 = arith.constant 0 : i32
      %dma_start3A_304 = tpu.memref_slice %arg6[%add3A_151, %add3A_267, %dma_start3A_303] : memref<4x10240x64xf32, #tpu.memory_space<hbm>> -> memref<1x128x64xf32, #tpu.memory_space<hbm>>
      %dma_start3A_305 = tpu.memref_squeeze %dma_start3A_304 : memref<1x128x64xf32, #tpu.memory_space<hbm>> -> memref<128x64xf32, #tpu.memory_space<hbm>>
      tpu.enqueue_dma source(%arg8 : memref<128x64xf32, #tpu.memory_space<vmem>>) target(%dma_start3A_305 : memref<128x64xf32, #tpu.memory_space<hbm>>) target_semaphore(%run_scoped3A : memref<!tpu.dma_semaphore, #tpu.memory_space<semaphore_mem>>)
      %dma_wait3A_306 = arith.constant 0 : i32
      %dma_wait3A_307 = tpu.memref_slice %arg6[%add3A_151, %add3A_267, %dma_wait3A_306] : memref<4x10240x64xf32, #tpu.memory_space<hbm>> -> memref<1x128x64xf32, #tpu.memory_space<hbm>>
      %dma_wait3A_308 = tpu.memref_squeeze %dma_wait3A_307 : memref<1x128x64xf32, #tpu.memory_space<hbm>> -> memref<128x64xf32, #tpu.memory_space<hbm>>
      %dma_wait3A_309 = arith.constant 0 : i32
      %dma_wait3A_310 = tpu.memref_slice %arg6[%add3A_151, %add3A_267, %dma_wait3A_309] : memref<4x10240x64xf32, #tpu.memory_space<hbm>> -> memref<1x128x64xf32, #tpu.memory_space<hbm>>
      %dma_wait3A_311 = tpu.memref_squeeze %dma_wait3A_310 : memref<1x128x64xf32, #tpu.memory_space<hbm>> -> memref<128x64xf32, #tpu.memory_space<hbm>>
      tpu.wait_dma2 semaphore(%run_scoped3A : memref<!tpu.dma_semaphore, #tpu.memory_space<semaphore_mem>>) src(%arg8 : memref<128x64xf32, #tpu.memory_space<vmem>>) dst(%dma_wait3A_311 : memref<128x64xf32, #tpu.memory_space<hbm>>)
      tpu.yield
    }) : () -> ()
    %mul3A_268 = arith.constant 640 : i32
    %mul3A_269 = arith.muli %arg1, %mul3A_268 : i32
    %add3A_270 = arith.constant 128 : i32
    %add3A_271 = arith.addi %mul3A_269, %add3A_270 : i32
    "tpu.region"() ({
      %run_scoped3A = tpu.sem_alloc : memref<!tpu.dma_semaphore, #tpu.memory_space<semaphore_mem>>
      %dma_start3A_300 = arith.constant 0 : i32
      %dma_start3A_301 = tpu.memref_slice %arg7[%add3A_271, %dma_start3A_300] : memref<10240x64xf32, #tpu.memory_space<vmem_shared>> -> memref<128x64xf32, #tpu.memory_space<vmem_shared>>
      %dma_start3A_302 = arith.constant 0 : i32
      %dma_start3A_303 = tpu.memref_slice %arg7[%add3A_271, %dma_start3A_302] : memref<10240x64xf32, #tpu.memory_space<vmem_shared>> -> memref<128x64xf32, #tpu.memory_space<vmem_shared>>
      tpu.enqueue_dma source(%dma_start3A_303 : memref<128x64xf32, #tpu.memory_space<vmem_shared>>) target(%arg8 : memref<128x64xf32, #tpu.memory_space<vmem>>) target_semaphore(%run_scoped3A : memref<!tpu.dma_semaphore, #tpu.memory_space<semaphore_mem>>)
      %dma_wait3A_304 = arith.constant 0 : i32
      %dma_wait3A_305 = tpu.memref_slice %arg7[%add3A_271, %dma_wait3A_304] : memref<10240x64xf32, #tpu.memory_space<vmem_shared>> -> memref<128x64xf32, #tpu.memory_space<vmem_shared>>
      %dma_wait3A_306 = arith.constant 0 : i32
      %dma_wait3A_307 = tpu.memref_slice %arg7[%add3A_271, %dma_wait3A_306] : memref<10240x64xf32, #tpu.memory_space<vmem_shared>> -> memref<128x64xf32, #tpu.memory_space<vmem_shared>>
      tpu.wait_dma2 semaphore(%run_scoped3A : memref<!tpu.dma_semaphore, #tpu.memory_space<semaphore_mem>>) src(%dma_wait3A_307 : memref<128x64xf32, #tpu.memory_space<vmem_shared>>) dst(%arg8 : memref<128x64xf32, #tpu.memory_space<vmem>>)
      tpu.yield
    }) : () -> ()
    %mul3A_272 = arith.constant 640 : i32
    %mul3A_273 = arith.muli %arg1, %mul3A_272 : i32
    %add3A_274 = arith.constant 128 : i32
    %add3A_275 = arith.addi %mul3A_273, %add3A_274 : i32
    "tpu.region"() ({
      %run_scoped3A = tpu.sem_alloc : memref<!tpu.dma_semaphore, #tpu.memory_space<semaphore_mem>>
      %dma_start3A_300 = arith.constant 0 : i32
      %dma_start3A_301 = tpu.memref_slice %arg6[%add3A_151, %add3A_275, %dma_start3A_300] : memref<4x10240x64xf32, #tpu.memory_space<hbm>> -> memref<1x128x64xf32, #tpu.memory_space<hbm>>
      %dma_start3A_302 = tpu.memref_squeeze %dma_start3A_301 : memref<1x128x64xf32, #tpu.memory_space<hbm>> -> memref<128x64xf32, #tpu.memory_space<hbm>>
      %dma_start3A_303 = arith.constant 0 : i32
      %dma_start3A_304 = tpu.memref_slice %arg6[%add3A_151, %add3A_275, %dma_start3A_303] : memref<4x10240x64xf32, #tpu.memory_space<hbm>> -> memref<1x128x64xf32, #tpu.memory_space<hbm>>
      %dma_start3A_305 = tpu.memref_squeeze %dma_start3A_304 : memref<1x128x64xf32, #tpu.memory_space<hbm>> -> memref<128x64xf32, #tpu.memory_space<hbm>>
      tpu.enqueue_dma source(%arg8 : memref<128x64xf32, #tpu.memory_space<vmem>>) target(%dma_start3A_305 : memref<128x64xf32, #tpu.memory_space<hbm>>) target_semaphore(%run_scoped3A : memref<!tpu.dma_semaphore, #tpu.memory_space<semaphore_mem>>)
      %dma_wait3A_306 = arith.constant 0 : i32
      %dma_wait3A_307 = tpu.memref_slice %arg6[%add3A_151, %add3A_275, %dma_wait3A_306] : memref<4x10240x64xf32, #tpu.memory_space<hbm>> -> memref<1x128x64xf32, #tpu.memory_space<hbm>>
      %dma_wait3A_308 = tpu.memref_squeeze %dma_wait3A_307 : memref<1x128x64xf32, #tpu.memory_space<hbm>> -> memref<128x64xf32, #tpu.memory_space<hbm>>
      %dma_wait3A_309 = arith.constant 0 : i32
      %dma_wait3A_310 = tpu.memref_slice %arg6[%add3A_151, %add3A_275, %dma_wait3A_309] : memref<4x10240x64xf32, #tpu.memory_space<hbm>> -> memref<1x128x64xf32, #tpu.memory_space<hbm>>
      %dma_wait3A_311 = tpu.memref_squeeze %dma_wait3A_310 : memref<1x128x64xf32, #tpu.memory_space<hbm>> -> memref<128x64xf32, #tpu.memory_space<hbm>>
      tpu.wait_dma2 semaphore(%run_scoped3A : memref<!tpu.dma_semaphore, #tpu.memory_space<semaphore_mem>>) src(%arg8 : memref<128x64xf32, #tpu.memory_space<vmem>>) dst(%dma_wait3A_311 : memref<128x64xf32, #tpu.memory_space<hbm>>)
      tpu.yield
    }) : () -> ()
    %mul3A_276 = arith.constant 640 : i32
    %mul3A_277 = arith.muli %arg1, %mul3A_276 : i32
    %add3A_278 = arith.constant 256 : i32
    %add3A_279 = arith.addi %mul3A_277, %add3A_278 : i32
    "tpu.region"() ({
      %run_scoped3A = tpu.sem_alloc : memref<!tpu.dma_semaphore, #tpu.memory_space<semaphore_mem>>
      %dma_start3A_300 = arith.constant 0 : i32
      %dma_start3A_301 = tpu.memref_slice %arg7[%add3A_279, %dma_start3A_300] : memref<10240x64xf32, #tpu.memory_space<vmem_shared>> -> memref<128x64xf32, #tpu.memory_space<vmem_shared>>
      %dma_start3A_302 = arith.constant 0 : i32
      %dma_start3A_303 = tpu.memref_slice %arg7[%add3A_279, %dma_start3A_302] : memref<10240x64xf32, #tpu.memory_space<vmem_shared>> -> memref<128x64xf32, #tpu.memory_space<vmem_shared>>
      tpu.enqueue_dma source(%dma_start3A_303 : memref<128x64xf32, #tpu.memory_space<vmem_shared>>) target(%arg8 : memref<128x64xf32, #tpu.memory_space<vmem>>) target_semaphore(%run_scoped3A : memref<!tpu.dma_semaphore, #tpu.memory_space<semaphore_mem>>)
      %dma_wait3A_304 = arith.constant 0 : i32
      %dma_wait3A_305 = tpu.memref_slice %arg7[%add3A_279, %dma_wait3A_304] : memref<10240x64xf32, #tpu.memory_space<vmem_shared>> -> memref<128x64xf32, #tpu.memory_space<vmem_shared>>
      %dma_wait3A_306 = arith.constant 0 : i32
      %dma_wait3A_307 = tpu.memref_slice %arg7[%add3A_279, %dma_wait3A_306] : memref<10240x64xf32, #tpu.memory_space<vmem_shared>> -> memref<128x64xf32, #tpu.memory_space<vmem_shared>>
      tpu.wait_dma2 semaphore(%run_scoped3A : memref<!tpu.dma_semaphore, #tpu.memory_space<semaphore_mem>>) src(%dma_wait3A_307 : memref<128x64xf32, #tpu.memory_space<vmem_shared>>) dst(%arg8 : memref<128x64xf32, #tpu.memory_space<vmem>>)
      tpu.yield
    }) : () -> ()
    %mul3A_280 = arith.constant 640 : i32
    %mul3A_281 = arith.muli %arg1, %mul3A_280 : i32
    %add3A_282 = arith.constant 256 : i32
    %add3A_283 = arith.addi %mul3A_281, %add3A_282 : i32
    "tpu.region"() ({
      %run_scoped3A = tpu.sem_alloc : memref<!tpu.dma_semaphore, #tpu.memory_space<semaphore_mem>>
      %dma_start3A_300 = arith.constant 0 : i32
      %dma_start3A_301 = tpu.memref_slice %arg6[%add3A_151, %add3A_283, %dma_start3A_300] : memref<4x10240x64xf32, #tpu.memory_space<hbm>> -> memref<1x128x64xf32, #tpu.memory_space<hbm>>
      %dma_start3A_302 = tpu.memref_squeeze %dma_start3A_301 : memref<1x128x64xf32, #tpu.memory_space<hbm>> -> memref<128x64xf32, #tpu.memory_space<hbm>>
      %dma_start3A_303 = arith.constant 0 : i32
      %dma_start3A_304 = tpu.memref_slice %arg6[%add3A_151, %add3A_283, %dma_start3A_303] : memref<4x10240x64xf32, #tpu.memory_space<hbm>> -> memref<1x128x64xf32, #tpu.memory_space<hbm>>
      %dma_start3A_305 = tpu.memref_squeeze %dma_start3A_304 : memref<1x128x64xf32, #tpu.memory_space<hbm>> -> memref<128x64xf32, #tpu.memory_space<hbm>>
      tpu.enqueue_dma source(%arg8 : memref<128x64xf32, #tpu.memory_space<vmem>>) target(%dma_start3A_305 : memref<128x64xf32, #tpu.memory_space<hbm>>) target_semaphore(%run_scoped3A : memref<!tpu.dma_semaphore, #tpu.memory_space<semaphore_mem>>)
      %dma_wait3A_306 = arith.constant 0 : i32
      %dma_wait3A_307 = tpu.memref_slice %arg6[%add3A_151, %add3A_283, %dma_wait3A_306] : memref<4x10240x64xf32, #tpu.memory_space<hbm>> -> memref<1x128x64xf32, #tpu.memory_space<hbm>>
      %dma_wait3A_308 = tpu.memref_squeeze %dma_wait3A_307 : memref<1x128x64xf32, #tpu.memory_space<hbm>> -> memref<128x64xf32, #tpu.memory_space<hbm>>
      %dma_wait3A_309 = arith.constant 0 : i32
      %dma_wait3A_310 = tpu.memref_slice %arg6[%add3A_151, %add3A_283, %dma_wait3A_309] : memref<4x10240x64xf32, #tpu.memory_space<hbm>> -> memref<1x128x64xf32, #tpu.memory_space<hbm>>
      %dma_wait3A_311 = tpu.memref_squeeze %dma_wait3A_310 : memref<1x128x64xf32, #tpu.memory_space<hbm>> -> memref<128x64xf32, #tpu.memory_space<hbm>>
      tpu.wait_dma2 semaphore(%run_scoped3A : memref<!tpu.dma_semaphore, #tpu.memory_space<semaphore_mem>>) src(%arg8 : memref<128x64xf32, #tpu.memory_space<vmem>>) dst(%dma_wait3A_311 : memref<128x64xf32, #tpu.memory_space<hbm>>)
      tpu.yield
    }) : () -> ()
    %mul3A_284 = arith.constant 640 : i32
    %mul3A_285 = arith.muli %arg1, %mul3A_284 : i32
    %add3A_286 = arith.constant 384 : i32
    %add3A_287 = arith.addi %mul3A_285, %add3A_286 : i32
    "tpu.region"() ({
      %run_scoped3A = tpu.sem_alloc : memref<!tpu.dma_semaphore, #tpu.memory_space<semaphore_mem>>
      %dma_start3A_300 = arith.constant 0 : i32
      %dma_start3A_301 = tpu.memref_slice %arg7[%add3A_287, %dma_start3A_300] : memref<10240x64xf32, #tpu.memory_space<vmem_shared>> -> memref<128x64xf32, #tpu.memory_space<vmem_shared>>
      %dma_start3A_302 = arith.constant 0 : i32
      %dma_start3A_303 = tpu.memref_slice %arg7[%add3A_287, %dma_start3A_302] : memref<10240x64xf32, #tpu.memory_space<vmem_shared>> -> memref<128x64xf32, #tpu.memory_space<vmem_shared>>
      tpu.enqueue_dma source(%dma_start3A_303 : memref<128x64xf32, #tpu.memory_space<vmem_shared>>) target(%arg8 : memref<128x64xf32, #tpu.memory_space<vmem>>) target_semaphore(%run_scoped3A : memref<!tpu.dma_semaphore, #tpu.memory_space<semaphore_mem>>)
      %dma_wait3A_304 = arith.constant 0 : i32
      %dma_wait3A_305 = tpu.memref_slice %arg7[%add3A_287, %dma_wait3A_304] : memref<10240x64xf32, #tpu.memory_space<vmem_shared>> -> memref<128x64xf32, #tpu.memory_space<vmem_shared>>
      %dma_wait3A_306 = arith.constant 0 : i32
      %dma_wait3A_307 = tpu.memref_slice %arg7[%add3A_287, %dma_wait3A_306] : memref<10240x64xf32, #tpu.memory_space<vmem_shared>> -> memref<128x64xf32, #tpu.memory_space<vmem_shared>>
      tpu.wait_dma2 semaphore(%run_scoped3A : memref<!tpu.dma_semaphore, #tpu.memory_space<semaphore_mem>>) src(%dma_wait3A_307 : memref<128x64xf32, #tpu.memory_space<vmem_shared>>) dst(%arg8 : memref<128x64xf32, #tpu.memory_space<vmem>>)
      tpu.yield
    }) : () -> ()
    %mul3A_288 = arith.constant 640 : i32
    %mul3A_289 = arith.muli %arg1, %mul3A_288 : i32
    %add3A_290 = arith.constant 384 : i32
    %add3A_291 = arith.addi %mul3A_289, %add3A_290 : i32
    "tpu.region"() ({
      %run_scoped3A = tpu.sem_alloc : memref<!tpu.dma_semaphore, #tpu.memory_space<semaphore_mem>>
      %dma_start3A_300 = arith.constant 0 : i32
      %dma_start3A_301 = tpu.memref_slice %arg6[%add3A_151, %add3A_291, %dma_start3A_300] : memref<4x10240x64xf32, #tpu.memory_space<hbm>> -> memref<1x128x64xf32, #tpu.memory_space<hbm>>
      %dma_start3A_302 = tpu.memref_squeeze %dma_start3A_301 : memref<1x128x64xf32, #tpu.memory_space<hbm>> -> memref<128x64xf32, #tpu.memory_space<hbm>>
      %dma_start3A_303 = arith.constant 0 : i32
      %dma_start3A_304 = tpu.memref_slice %arg6[%add3A_151, %add3A_291, %dma_start3A_303] : memref<4x10240x64xf32, #tpu.memory_space<hbm>> -> memref<1x128x64xf32, #tpu.memory_space<hbm>>
      %dma_start3A_305 = tpu.memref_squeeze %dma_start3A_304 : memref<1x128x64xf32, #tpu.memory_space<hbm>> -> memref<128x64xf32, #tpu.memory_space<hbm>>
      tpu.enqueue_dma source(%arg8 : memref<128x64xf32, #tpu.memory_space<vmem>>) target(%dma_start3A_305 : memref<128x64xf32, #tpu.memory_space<hbm>>) target_semaphore(%run_scoped3A : memref<!tpu.dma_semaphore, #tpu.memory_space<semaphore_mem>>)
      %dma_wait3A_306 = arith.constant 0 : i32
      %dma_wait3A_307 = tpu.memref_slice %arg6[%add3A_151, %add3A_291, %dma_wait3A_306] : memref<4x10240x64xf32, #tpu.memory_space<hbm>> -> memref<1x128x64xf32, #tpu.memory_space<hbm>>
      %dma_wait3A_308 = tpu.memref_squeeze %dma_wait3A_307 : memref<1x128x64xf32, #tpu.memory_space<hbm>> -> memref<128x64xf32, #tpu.memory_space<hbm>>
      %dma_wait3A_309 = arith.constant 0 : i32
      %dma_wait3A_310 = tpu.memref_slice %arg6[%add3A_151, %add3A_291, %dma_wait3A_309] : memref<4x10240x64xf32, #tpu.memory_space<hbm>> -> memref<1x128x64xf32, #tpu.memory_space<hbm>>
      %dma_wait3A_311 = tpu.memref_squeeze %dma_wait3A_310 : memref<1x128x64xf32, #tpu.memory_space<hbm>> -> memref<128x64xf32, #tpu.memory_space<hbm>>
      tpu.wait_dma2 semaphore(%run_scoped3A : memref<!tpu.dma_semaphore, #tpu.memory_space<semaphore_mem>>) src(%arg8 : memref<128x64xf32, #tpu.memory_space<vmem>>) dst(%dma_wait3A_311 : memref<128x64xf32, #tpu.memory_space<hbm>>)
      tpu.yield
    }) : () -> ()
    %mul3A_292 = arith.constant 640 : i32
    %mul3A_293 = arith.muli %arg1, %mul3A_292 : i32
    %add3A_294 = arith.constant 512 : i32
    %add3A_295 = arith.addi %mul3A_293, %add3A_294 : i32
    "tpu.region"() ({
      %run_scoped3A = tpu.sem_alloc : memref<!tpu.dma_semaphore, #tpu.memory_space<semaphore_mem>>
      %dma_start3A_300 = arith.constant 0 : i32
      %dma_start3A_301 = tpu.memref_slice %arg7[%add3A_295, %dma_start3A_300] : memref<10240x64xf32, #tpu.memory_space<vmem_shared>> -> memref<128x64xf32, #tpu.memory_space<vmem_shared>>
      %dma_start3A_302 = arith.constant 0 : i32
      %dma_start3A_303 = tpu.memref_slice %arg7[%add3A_295, %dma_start3A_302] : memref<10240x64xf32, #tpu.memory_space<vmem_shared>> -> memref<128x64xf32, #tpu.memory_space<vmem_shared>>
      tpu.enqueue_dma source(%dma_start3A_303 : memref<128x64xf32, #tpu.memory_space<vmem_shared>>) target(%arg8 : memref<128x64xf32, #tpu.memory_space<vmem>>) target_semaphore(%run_scoped3A : memref<!tpu.dma_semaphore, #tpu.memory_space<semaphore_mem>>)
      %dma_wait3A_304 = arith.constant 0 : i32
      %dma_wait3A_305 = tpu.memref_slice %arg7[%add3A_295, %dma_wait3A_304] : memref<10240x64xf32, #tpu.memory_space<vmem_shared>> -> memref<128x64xf32, #tpu.memory_space<vmem_shared>>
      %dma_wait3A_306 = arith.constant 0 : i32
      %dma_wait3A_307 = tpu.memref_slice %arg7[%add3A_295, %dma_wait3A_306] : memref<10240x64xf32, #tpu.memory_space<vmem_shared>> -> memref<128x64xf32, #tpu.memory_space<vmem_shared>>
      tpu.wait_dma2 semaphore(%run_scoped3A : memref<!tpu.dma_semaphore, #tpu.memory_space<semaphore_mem>>) src(%dma_wait3A_307 : memref<128x64xf32, #tpu.memory_space<vmem_shared>>) dst(%arg8 : memref<128x64xf32, #tpu.memory_space<vmem>>)
      tpu.yield
    }) : () -> ()
    %mul3A_296 = arith.constant 640 : i32
    %mul3A_297 = arith.muli %arg1, %mul3A_296 : i32
    %add3A_298 = arith.constant 512 : i32
    %add3A_299 = arith.addi %mul3A_297, %add3A_298 : i32
    "tpu.region"() ({
      %run_scoped3A = tpu.sem_alloc : memref<!tpu.dma_semaphore, #tpu.memory_space<semaphore_mem>>
      %dma_start3A_300 = arith.constant 0 : i32
      %dma_start3A_301 = tpu.memref_slice %arg6[%add3A_151, %add3A_299, %dma_start3A_300] : memref<4x10240x64xf32, #tpu.memory_space<hbm>> -> memref<1x128x64xf32, #tpu.memory_space<hbm>>
      %dma_start3A_302 = tpu.memref_squeeze %dma_start3A_301 : memref<1x128x64xf32, #tpu.memory_space<hbm>> -> memref<128x64xf32, #tpu.memory_space<hbm>>
      %dma_start3A_303 = arith.constant 0 : i32
      %dma_start3A_304 = tpu.memref_slice %arg6[%add3A_151, %add3A_299, %dma_start3A_303] : memref<4x10240x64xf32, #tpu.memory_space<hbm>> -> memref<1x128x64xf32, #tpu.memory_space<hbm>>
      %dma_start3A_305 = tpu.memref_squeeze %dma_start3A_304 : memref<1x128x64xf32, #tpu.memory_space<hbm>> -> memref<128x64xf32, #tpu.memory_space<hbm>>
      tpu.enqueue_dma source(%arg8 : memref<128x64xf32, #tpu.memory_space<vmem>>) target(%dma_start3A_305 : memref<128x64xf32, #tpu.memory_space<hbm>>) target_semaphore(%run_scoped3A : memref<!tpu.dma_semaphore, #tpu.memory_space<semaphore_mem>>)
      %dma_wait3A_306 = arith.constant 0 : i32
      %dma_wait3A_307 = tpu.memref_slice %arg6[%add3A_151, %add3A_299, %dma_wait3A_306] : memref<4x10240x64xf32, #tpu.memory_space<hbm>> -> memref<1x128x64xf32, #tpu.memory_space<hbm>>
      %dma_wait3A_308 = tpu.memref_squeeze %dma_wait3A_307 : memref<1x128x64xf32, #tpu.memory_space<hbm>> -> memref<128x64xf32, #tpu.memory_space<hbm>>
      %dma_wait3A_309 = arith.constant 0 : i32
      %dma_wait3A_310 = tpu.memref_slice %arg6[%add3A_151, %add3A_299, %dma_wait3A_309] : memref<4x10240x64xf32, #tpu.memory_space<hbm>> -> memref<1x128x64xf32, #tpu.memory_space<hbm>>
      %dma_wait3A_311 = tpu.memref_squeeze %dma_wait3A_310 : memref<1x128x64xf32, #tpu.memory_space<hbm>> -> memref<128x64xf32, #tpu.memory_space<hbm>>
      tpu.wait_dma2 semaphore(%run_scoped3A : memref<!tpu.dma_semaphore, #tpu.memory_space<semaphore_mem>>) src(%arg8 : memref<128x64xf32, #tpu.memory_space<vmem>>) dst(%dma_wait3A_311 : memref<128x64xf32, #tpu.memory_space<hbm>>)
      tpu.yield
    }) : () -> ()
    return
  }
}

module attributes {stable_mosaic.version = 14 : i64} {
  func.func @body(%arg0: i32, %arg1: memref<1000x128xf32, #tpu.memory_space<vmem>>, %arg2: memref<128x256xf32, #tpu.memory_space<vmem>>, %arg3: memref<1x256xf32, #tpu.memory_space<vmem>>, %arg4: memref<256x256xf32, #tpu.memory_space<vmem>>, %arg5: memref<1x256xf32, #tpu.memory_space<vmem>>, %arg6: memref<256x256xf32, #tpu.memory_space<vmem>>, %arg7: memref<1000x256xf32, #tpu.memory_space<vmem>>) attributes {dimension_semantics = [#tpu.dimension_semantics<arbitrary>], iteration_bounds = array<i64: 10>, scalar_prefetch = 0 : i64, scratch_operands = 0 : i64, tpu.core_type = #tpu.core_type<tc>, window_params = [{transform_indices = @transform_0, window_bounds = array<i64: 1000, 128>}, {pipeline_mode = #tpu.pipeline_mode<synchronous>, transform_indices = @transform_1, window_bounds = array<i64: 128, 256>}, {pipeline_mode = #tpu.pipeline_mode<synchronous>, transform_indices = @transform_2, window_bounds = array<i64: 1, 256>}, {pipeline_mode = #tpu.pipeline_mode<synchronous>, transform_indices = @transform_3, window_bounds = array<i64: 256, 256>}, {pipeline_mode = #tpu.pipeline_mode<synchronous>, transform_indices = @transform_4, window_bounds = array<i64: 1, 256>}, {pipeline_mode = #tpu.pipeline_mode<synchronous>, transform_indices = @transform_5, window_bounds = array<i64: 256, 256>}, {transform_indices = @transform_6, window_bounds = array<i64: 1000, 256>}]} {
    %get3A = arith.constant 0 : index
    %get3A_0 = arith.constant 0 : index
    %get3A_1 = vector.load %arg1[%get3A, %get3A_0] : memref<1000x128xf32, #tpu.memory_space<vmem>>, vector<1000x128xf32>
    %get3A_2 = arith.constant 0 : index
    %get3A_3 = arith.constant 0 : index
    %get3A_4 = vector.load %arg2[%get3A_2, %get3A_3] : memref<128x256xf32, #tpu.memory_space<vmem>>, vector<128x256xf32>
    %dot_general3A = arith.constant dense<0.000000e+00> : vector<1000x256xf32>
    %dot_general3A_5 = tpu.matmul %get3A_1, %get3A_4, %dot_general3A {dimension_numbers = #tpu.dot_dimension_numbers<[1], [0], [0], [1], [0, 0, 1, 1], [], []>, transpose_lhs_hint = false} : vector<1000x128xf32>, vector<128x256xf32>, vector<1000x256xf32> -> vector<1000x256xf32>
    %get3A_6 = arith.constant 0 : index
    %get3A_7 = arith.constant 0 : index
    %get3A_8 = vector.load %arg3[%get3A_6, %get3A_7] : memref<1x256xf32, #tpu.memory_space<vmem>>, vector<1x256xf32>
    %add3A = vector.broadcast %get3A_8 : vector<1x256xf32> to vector<1000x256xf32>
    %add3A_9 = arith.addf %dot_general3A_5, %add3A : vector<1000x256xf32>
    %get3A_10 = arith.constant 0 : index
    %get3A_11 = arith.constant 0 : index
    %get3A_12 = vector.load %arg4[%get3A_10, %get3A_11] : memref<256x256xf32, #tpu.memory_space<vmem>>, vector<256x256xf32>
    %dot_general3A_13 = arith.constant dense<0.000000e+00> : vector<1000x256xf32>
    %dot_general3A_14 = tpu.matmul %add3A_9, %get3A_12, %dot_general3A_13 {dimension_numbers = #tpu.dot_dimension_numbers<[1], [0], [0], [1], [0, 0, 1, 1], [], []>, transpose_lhs_hint = false} : vector<1000x256xf32>, vector<256x256xf32>, vector<1000x256xf32> -> vector<1000x256xf32>
    %get3A_15 = arith.constant 0 : index
    %get3A_16 = arith.constant 0 : index
    %get3A_17 = vector.load %arg5[%get3A_15, %get3A_16] : memref<1x256xf32, #tpu.memory_space<vmem>>, vector<1x256xf32>
    %add3A_18 = vector.broadcast %get3A_17 : vector<1x256xf32> to vector<1000x256xf32>
    %add3A_19 = arith.addf %dot_general3A_14, %add3A_18 : vector<1000x256xf32>
    %max3A = arith.constant 0.000000e+00 : f32
    %max3A_20 = vector.broadcast %max3A : f32 to vector<1000x256xf32>
    %max3A_21 = arith.maximumf %add3A_19, %max3A_20 : vector<1000x256xf32>
    %get3A_22 = arith.constant 0 : index
    %get3A_23 = arith.constant 0 : index
    %get3A_24 = vector.load %arg6[%get3A_22, %get3A_23] : memref<256x256xf32, #tpu.memory_space<vmem>>, vector<256x256xf32>
    %dot_general3A_25 = arith.constant dense<0.000000e+00> : vector<1000x256xf32>
    %dot_general3A_26 = tpu.matmul %max3A_21, %get3A_24, %dot_general3A_25 {dimension_numbers = #tpu.dot_dimension_numbers<[1], [0], [0], [1], [0, 0, 1, 1], [], []>, transpose_lhs_hint = false} : vector<1000x256xf32>, vector<256x256xf32>, vector<1000x256xf32> -> vector<1000x256xf32>
    %swap3A = arith.constant 0 : index
    %swap3A_27 = arith.constant 0 : index
    %swap3A_28 = vector.load %arg7[%swap3A, %swap3A_27] : memref<1000x256xf32, #tpu.memory_space<vmem>>, vector<1000x256xf32>
    tpu.vector_store %arg7[%swap3A, %swap3A_27], %dot_general3A_26 {strides = array<i32>} : memref<1000x256xf32, #tpu.memory_space<vmem>>, vector<1000x256xf32>,
    return
  }
  func.func @transform_0(%arg0: i32) -> (i32, i32) {
    %c0_i32 = arith.constant 0 : i32
    %c0_i32_0 = arith.constant 0 : i32
    return %arg0, %c0_i32 : i32, i32
  }
  func.func @transform_1(%arg0: i32) -> (i32, i32) {
    %c0_i32 = arith.constant 0 : i32
    %c0_i32_0 = arith.constant 0 : i32
    %c0_i32_1 = arith.constant 0 : i32
    return %c0_i32, %c0_i32_0 : i32, i32
  }
  func.func @transform_2(%arg0: i32) -> (i32, i32) {
    %c0_i32 = arith.constant 0 : i32
    %c0_i32_0 = arith.constant 0 : i32
    %c0_i32_1 = arith.constant 0 : i32
    return %c0_i32, %c0_i32_0 : i32, i32
  }
  func.func @transform_3(%arg0: i32) -> (i32, i32) {
    %c0_i32 = arith.constant 0 : i32
    %c0_i32_0 = arith.constant 0 : i32
    %c0_i32_1 = arith.constant 0 : i32
    return %c0_i32, %c0_i32_0 : i32, i32
  }
  func.func @transform_4(%arg0: i32) -> (i32, i32) {
    %c0_i32 = arith.constant 0 : i32
    %c0_i32_0 = arith.constant 0 : i32
    %c0_i32_1 = arith.constant 0 : i32
    return %c0_i32, %c0_i32_0 : i32, i32
  }
  func.func @transform_5(%arg0: i32) -> (i32, i32) {
    %c0_i32 = arith.constant 0 : i32
    %c0_i32_0 = arith.constant 0 : i32
    %c0_i32_1 = arith.constant 0 : i32
    return %c0_i32, %c0_i32_0 : i32, i32
  }
  func.func @transform_6(%arg0: i32) -> (i32, i32) {
    %c0_i32 = arith.constant 0 : i32
    %c0_i32_0 = arith.constant 0 : i32
    return %arg0, %c0_i32 : i32, i32
  }
}

module attributes {stable_mosaic.version = 14 : i64} {
  func.func @body(%arg0: i32, %arg1: memref<1x1000x16xf32, #tpu.memory_space<vmem>>, %arg2: memref<1x1000x16xf32, #tpu.memory_space<vmem>>, %arg3: memref<1000x256xf32, #tpu.memory_space<vmem>>, %arg4: memref<4x1000x64xf32, #tpu.memory_space<vmem>>) attributes {dimension_semantics = [#tpu.dimension_semantics<arbitrary>], iteration_bounds = array<i64: 10>, scalar_prefetch = 0 : i64, scratch_operands = 0 : i64, tpu.core_type = #tpu.core_type<tc>, window_params = [{transform_indices = @transform_0, window_bounds = array<i64: 1, 1000, 16>}, {transform_indices = @transform_1, window_bounds = array<i64: 1, 1000, 16>}, {transform_indices = @transform_2, window_bounds = array<i64: 1000, 256>}, {transform_indices = @transform_3, window_bounds = array<i64: 4, 1000, 64>}]} {
    %get3A = arith.constant 0 : index
    %get3A_0 = arith.constant 0 : index
    %get3A_1 = arith.constant 0 : index
    %get3A_2 = vector.load %arg1[%get3A, %get3A_0, %get3A_1] : memref<1x1000x16xf32, #tpu.memory_space<vmem>>, vector<1x1000x1xf32>
    %get3A_3 = vector.shape_cast %get3A_2 : vector<1x1000x1xf32> to vector<1000x1xf32>
    %get3A_4 = arith.constant 0 : index
    %get3A_5 = arith.constant 0 : index
    %get3A_6 = arith.constant 0 : index
    %get3A_7 = vector.load %arg2[%get3A_4, %get3A_5, %get3A_6] : memref<1x1000x16xf32, #tpu.memory_space<vmem>>, vector<1x1000x1xf32>
    %get3A_8 = vector.shape_cast %get3A_7 : vector<1x1000x1xf32> to vector<1000x1xf32>
    %add3A = arith.addf %get3A_3, %get3A_8 : vector<1000x1xf32>
    %add3A_9 = arith.constant 1.000000e+00 : f32
    %add3A_10 = vector.broadcast %add3A_9 : f32 to vector<1000x1xf32>
    %add3A_11 = arith.addf %add3A, %add3A_10 : vector<1000x1xf32>
    %rsqrt3A = math.rsqrt %add3A_11 : vector<1000x1xf32>
    %get3A_12 = arith.constant 0 : index
    %get3A_13 = arith.constant 0 : index
    %get3A_14 = vector.load %arg3[%get3A_12, %get3A_13] : memref<1000x256xf32, #tpu.memory_space<vmem>>, vector<1000x256xf32>
    %mul3A = vector.broadcast %rsqrt3A : vector<1000x1xf32> to vector<1000x256xf32>
    %mul3A_15 = arith.mulf %mul3A, %get3A_14 : vector<1000x256xf32>
    %slice3A = vector.extract_strided_slice %mul3A_15 {offsets = [0, 0], sizes = [1000, 64], strides = [1, 1]} : vector<1000x256xf32> to vector<1000x64xf32>
    %swap3A = arith.constant 0 : index
    %swap3A_16 = arith.constant 0 : index
    %swap3A_17 = arith.constant 0 : index
    %swap3A_18 = vector.load %arg4[%swap3A, %swap3A_16, %swap3A_17] : memref<4x1000x64xf32, #tpu.memory_space<vmem>>, vector<1x1000x64xf32>
    %swap3A_19 = vector.shape_cast %swap3A_18 : vector<1x1000x64xf32> to vector<1000x64xf32>
    %swap3A_20 = vector.shape_cast %slice3A : vector<1000x64xf32> to vector<1x1000x64xf32>
    tpu.vector_store %arg4[%swap3A, %swap3A_16, %swap3A_17], %swap3A_20 {strides = array<i32>} : memref<4x1000x64xf32, #tpu.memory_space<vmem>>, vector<1x1000x64xf32>,
    %slice3A_21 = vector.extract_strided_slice %mul3A_15 {offsets = [0, 64], sizes = [1000, 64], strides = [1, 1]} : vector<1000x256xf32> to vector<1000x64xf32>
    %swap3A_22 = arith.constant 1 : index
    %swap3A_23 = arith.constant 0 : index
    %swap3A_24 = arith.constant 0 : index
    %swap3A_25 = vector.load %arg4[%swap3A_22, %swap3A_23, %swap3A_24] : memref<4x1000x64xf32, #tpu.memory_space<vmem>>, vector<1x1000x64xf32>
    %swap3A_26 = vector.shape_cast %swap3A_25 : vector<1x1000x64xf32> to vector<1000x64xf32>
    %swap3A_27 = vector.shape_cast %slice3A_21 : vector<1000x64xf32> to vector<1x1000x64xf32>
    tpu.vector_store %arg4[%swap3A_22, %swap3A_23, %swap3A_24], %swap3A_27 {strides = array<i32>} : memref<4x1000x64xf32, #tpu.memory_space<vmem>>, vector<1x1000x64xf32>,
    %slice3A_28 = vector.extract_strided_slice %mul3A_15 {offsets = [0, 128], sizes = [1000, 64], strides = [1, 1]} : vector<1000x256xf32> to vector<1000x64xf32>
    %swap3A_29 = arith.constant 2 : index
    %swap3A_30 = arith.constant 0 : index
    %swap3A_31 = arith.constant 0 : index
    %swap3A_32 = vector.load %arg4[%swap3A_29, %swap3A_30, %swap3A_31] : memref<4x1000x64xf32, #tpu.memory_space<vmem>>, vector<1x1000x64xf32>
    %swap3A_33 = vector.shape_cast %swap3A_32 : vector<1x1000x64xf32> to vector<1000x64xf32>
    %swap3A_34 = vector.shape_cast %slice3A_28 : vector<1000x64xf32> to vector<1x1000x64xf32>
    tpu.vector_store %arg4[%swap3A_29, %swap3A_30, %swap3A_31], %swap3A_34 {strides = array<i32>} : memref<4x1000x64xf32, #tpu.memory_space<vmem>>, vector<1x1000x64xf32>,
    %slice3A_35 = vector.extract_strided_slice %mul3A_15 {offsets = [0, 192], sizes = [1000, 64], strides = [1, 1]} : vector<1000x256xf32> to vector<1000x64xf32>
    %swap3A_36 = arith.constant 3 : index
    %swap3A_37 = arith.constant 0 : index
    %swap3A_38 = arith.constant 0 : index
    %swap3A_39 = vector.load %arg4[%swap3A_36, %swap3A_37, %swap3A_38] : memref<4x1000x64xf32, #tpu.memory_space<vmem>>, vector<1x1000x64xf32>
    %swap3A_40 = vector.shape_cast %swap3A_39 : vector<1x1000x64xf32> to vector<1000x64xf32>
    %swap3A_41 = vector.shape_cast %slice3A_35 : vector<1000x64xf32> to vector<1x1000x64xf32>
    tpu.vector_store %arg4[%swap3A_36, %swap3A_37, %swap3A_38], %swap3A_41 {strides = array<i32>} : memref<4x1000x64xf32, #tpu.memory_space<vmem>>, vector<1x1000x64xf32>,
    return
  }
  func.func @transform_0(%arg0: i32) -> (i32, i32, i32) {
    %c0_i32 = arith.constant 0 : i32
    %c0_i32_0 = arith.constant 0 : i32
    %c0_i32_1 = arith.constant 0 : i32
    return %c0_i32, %arg0, %c0_i32_0 : i32, i32, i32
  }
  func.func @transform_1(%arg0: i32) -> (i32, i32, i32) {
    %c1_i32 = arith.constant 1 : i32
    %c0_i32 = arith.constant 0 : i32
    %c0_i32_0 = arith.constant 0 : i32
    return %c1_i32, %arg0, %c0_i32 : i32, i32, i32
  }
  func.func @transform_2(%arg0: i32) -> (i32, i32) {
    %c0_i32 = arith.constant 0 : i32
    %c0_i32_0 = arith.constant 0 : i32
    return %arg0, %c0_i32 : i32, i32
  }
  func.func @transform_3(%arg0: i32) -> (i32, i32, i32) {
    %c0_i32 = arith.constant 0 : i32
    %c0_i32_0 = arith.constant 0 : i32
    %c0_i32_1 = arith.constant 0 : i32
    return %c0_i32, %arg0, %c0_i32_0 : i32, i32, i32
  }
}

module attributes {stable_mosaic.version = 14 : i64} {
  func.func @body(%arg0: i32, %arg1: memref<4x1000x64xf32, #tpu.memory_space<vmem>>, %arg2: memref<4x1000x64xf32, #tpu.memory_space<vmem>>, %arg3: memref<1x1000x16xf32, #tpu.memory_space<vmem>>, %arg4: memref<1x1000x16xf32, #tpu.memory_space<vmem>>, %arg5: memref<1x256xf32, #tpu.memory_space<vmem>>, %arg6: memref<256x17xf32, #tpu.memory_space<vmem>>, %arg7: memref<1x17xf32, #tpu.memory_space<vmem>>, %arg8: memref<1000x17xf32, #tpu.memory_space<vmem>>) attributes {dimension_semantics = [#tpu.dimension_semantics<arbitrary>], iteration_bounds = array<i64: 10>, scalar_prefetch = 0 : i64, scratch_operands = 0 : i64, tpu.core_type = #tpu.core_type<tc>, window_params = [{transform_indices = @transform_0, window_bounds = array<i64: 4, 1000, 64>}, {transform_indices = @transform_1, window_bounds = array<i64: 4, 1000, 64>}, {transform_indices = @transform_2, window_bounds = array<i64: 1, 1000, 16>}, {transform_indices = @transform_3, window_bounds = array<i64: 1, 1000, 16>}, {pipeline_mode = #tpu.pipeline_mode<synchronous>, transform_indices = @transform_4, window_bounds = array<i64: 1, 256>}, {pipeline_mode = #tpu.pipeline_mode<synchronous>, transform_indices = @transform_5, window_bounds = array<i64: 256, 17>}, {pipeline_mode = #tpu.pipeline_mode<synchronous>, transform_indices = @transform_6, window_bounds = array<i64: 1, 17>}, {transform_indices = @transform_7, window_bounds = array<i64: 1000, 17>}]} {
    %get3A = arith.constant 0 : index
    %get3A_0 = arith.constant 0 : index
    %get3A_1 = arith.constant 0 : index
    %get3A_2 = vector.load %arg3[%get3A, %get3A_0, %get3A_1] : memref<1x1000x16xf32, #tpu.memory_space<vmem>>, vector<1x1000x1xf32>
    %get3A_3 = vector.shape_cast %get3A_2 : vector<1x1000x1xf32> to vector<1000x1xf32>
    %get3A_4 = arith.constant 0 : index
    %get3A_5 = arith.constant 0 : index
    %get3A_6 = arith.constant 0 : index
    %get3A_7 = vector.load %arg4[%get3A_4, %get3A_5, %get3A_6] : memref<1x1000x16xf32, #tpu.memory_space<vmem>>, vector<1x1000x1xf32>
    %get3A_8 = vector.shape_cast %get3A_7 : vector<1x1000x1xf32> to vector<1000x1xf32>
    %add3A = arith.addf %get3A_3, %get3A_8 : vector<1000x1xf32>
    %add3A_9 = arith.constant 1.000000e+00 : f32
    %add3A_10 = vector.broadcast %add3A_9 : f32 to vector<1000x1xf32>
    %add3A_11 = arith.addf %add3A, %add3A_10 : vector<1000x1xf32>
    %rsqrt3A = math.rsqrt %add3A_11 : vector<1000x1xf32>
    %get3A_12 = arith.constant 0 : index
    %get3A_13 = arith.constant 0 : index
    %get3A_14 = arith.constant 0 : index
    %get3A_15 = vector.load %arg1[%get3A_12, %get3A_13, %get3A_14] : memref<4x1000x64xf32, #tpu.memory_space<vmem>>, vector<1x1000x64xf32>
    %get3A_16 = vector.shape_cast %get3A_15 : vector<1x1000x64xf32> to vector<1000x64xf32>
    %get3A_17 = arith.constant 0 : index
    %get3A_18 = arith.constant 0 : index
    %get3A_19 = arith.constant 0 : index
    %get3A_20 = vector.load %arg2[%get3A_17, %get3A_18, %get3A_19] : memref<4x1000x64xf32, #tpu.memory_space<vmem>>, vector<1x1000x64xf32>
    %get3A_21 = vector.shape_cast %get3A_20 : vector<1x1000x64xf32> to vector<1000x64xf32>
    %add3A_22 = arith.addf %get3A_16, %get3A_21 : vector<1000x64xf32>
    %get3A_23 = arith.constant 1 : index
    %get3A_24 = arith.constant 0 : index
    %get3A_25 = arith.constant 0 : index
    %get3A_26 = vector.load %arg1[%get3A_23, %get3A_24, %get3A_25] : memref<4x1000x64xf32, #tpu.memory_space<vmem>>, vector<1x1000x64xf32>
    %get3A_27 = vector.shape_cast %get3A_26 : vector<1x1000x64xf32> to vector<1000x64xf32>
    %get3A_28 = arith.constant 1 : index
    %get3A_29 = arith.constant 0 : index
    %get3A_30 = arith.constant 0 : index
    %get3A_31 = vector.load %arg2[%get3A_28, %get3A_29, %get3A_30] : memref<4x1000x64xf32, #tpu.memory_space<vmem>>, vector<1x1000x64xf32>
    %get3A_32 = vector.shape_cast %get3A_31 : vector<1x1000x64xf32> to vector<1000x64xf32>
    %add3A_33 = arith.addf %get3A_27, %get3A_32 : vector<1000x64xf32>
    %get3A_34 = arith.constant 2 : index
    %get3A_35 = arith.constant 0 : index
    %get3A_36 = arith.constant 0 : index
    %get3A_37 = vector.load %arg1[%get3A_34, %get3A_35, %get3A_36] : memref<4x1000x64xf32, #tpu.memory_space<vmem>>, vector<1x1000x64xf32>
    %get3A_38 = vector.shape_cast %get3A_37 : vector<1x1000x64xf32> to vector<1000x64xf32>
    %get3A_39 = arith.constant 2 : index
    %get3A_40 = arith.constant 0 : index
    %get3A_41 = arith.constant 0 : index
    %get3A_42 = vector.load %arg2[%get3A_39, %get3A_40, %get3A_41] : memref<4x1000x64xf32, #tpu.memory_space<vmem>>, vector<1x1000x64xf32>
    %get3A_43 = vector.shape_cast %get3A_42 : vector<1x1000x64xf32> to vector<1000x64xf32>
    %add3A_44 = arith.addf %get3A_38, %get3A_43 : vector<1000x64xf32>
    %get3A_45 = arith.constant 3 : index
    %get3A_46 = arith.constant 0 : index
    %get3A_47 = arith.constant 0 : index
    %get3A_48 = vector.load %arg1[%get3A_45, %get3A_46, %get3A_47] : memref<4x1000x64xf32, #tpu.memory_space<vmem>>, vector<1x1000x64xf32>
    %get3A_49 = vector.shape_cast %get3A_48 : vector<1x1000x64xf32> to vector<1000x64xf32>
    %get3A_50 = arith.constant 3 : index
    %get3A_51 = arith.constant 0 : index
    %get3A_52 = arith.constant 0 : index
    %get3A_53 = vector.load %arg2[%get3A_50, %get3A_51, %get3A_52] : memref<4x1000x64xf32, #tpu.memory_space<vmem>>, vector<1x1000x64xf32>
    %get3A_54 = vector.shape_cast %get3A_53 : vector<1x1000x64xf32> to vector<1000x64xf32>
    %add3A_55 = arith.addf %get3A_49, %get3A_54 : vector<1000x64xf32>
    %concatenate3A = tpu.concatenate %add3A_22, %add3A_33, %add3A_44, %add3A_55 in 1 : vector<1000x64xf32>, vector<1000x64xf32>, vector<1000x64xf32>, vector<1000x64xf32> -> vector<1000x256xf32>
    %mul3A = vector.broadcast %rsqrt3A : vector<1000x1xf32> to vector<1000x256xf32>
    %mul3A_56 = arith.mulf %mul3A, %concatenate3A : vector<1000x256xf32>
    %get3A_57 = arith.constant 0 : index
    %get3A_58 = arith.constant 0 : index
    %get3A_59 = vector.load %arg5[%get3A_57, %get3A_58] : memref<1x256xf32, #tpu.memory_space<vmem>>, vector<1x256xf32>
    %add3A_60 = vector.broadcast %get3A_59 : vector<1x256xf32> to vector<1000x256xf32>
    %add3A_61 = arith.addf %mul3A_56, %add3A_60 : vector<1000x256xf32>
    %max3A = arith.constant 0.000000e+00 : f32
    %max3A_62 = vector.broadcast %max3A : f32 to vector<1000x256xf32>
    %max3A_63 = arith.maximumf %add3A_61, %max3A_62 : vector<1000x256xf32>
    %get3A_64 = arith.constant 0 : index
    %get3A_65 = arith.constant 0 : index
    %get3A_66 = vector.load %arg6[%get3A_64, %get3A_65] : memref<256x17xf32, #tpu.memory_space<vmem>>, vector<256x17xf32>
    %dot_general3A = arith.constant dense<0.000000e+00> : vector<1000x17xf32>
    %dot_general3A_67 = tpu.matmul %max3A_63, %get3A_66, %dot_general3A {dimension_numbers = #tpu.dot_dimension_numbers<[1], [0], [0], [1], [0, 0, 1, 1], [], []>, transpose_lhs_hint = false} : vector<1000x256xf32>, vector<256x17xf32>, vector<1000x17xf32> -> vector<1000x17xf32>
    %get3A_68 = arith.constant 0 : index
    %get3A_69 = arith.constant 0 : index
    %get3A_70 = vector.load %arg7[%get3A_68, %get3A_69] : memref<1x17xf32, #tpu.memory_space<vmem>>, vector<1x17xf32>
    %add3A_71 = vector.broadcast %get3A_70 : vector<1x17xf32> to vector<1000x17xf32>
    %add3A_72 = arith.addf %dot_general3A_67, %add3A_71 : vector<1000x17xf32>
    %swap3A = arith.constant 0 : index
    %swap3A_73 = arith.constant 0 : index
    %swap3A_74 = vector.load %arg8[%swap3A, %swap3A_73] : memref<1000x17xf32, #tpu.memory_space<vmem>>, vector<1000x17xf32>
    tpu.vector_store %arg8[%swap3A, %swap3A_73], %add3A_72 {strides = array<i32>} : memref<1000x17xf32, #tpu.memory_space<vmem>>, vector<1000x17xf32>,
    return
  }
  func.func @transform_0(%arg0: i32) -> (i32, i32, i32) {
    %c0_i32 = arith.constant 0 : i32
    %c0_i32_0 = arith.constant 0 : i32
    %c0_i32_1 = arith.constant 0 : i32
    return %c0_i32, %arg0, %c0_i32_0 : i32, i32, i32
  }
  func.func @transform_1(%arg0: i32) -> (i32, i32, i32) {
    %c0_i32 = arith.constant 0 : i32
    %c0_i32_0 = arith.constant 0 : i32
    %c0_i32_1 = arith.constant 0 : i32
    return %c0_i32, %arg0, %c0_i32_0 : i32, i32, i32
  }
  func.func @transform_2(%arg0: i32) -> (i32, i32, i32) {
    %c0_i32 = arith.constant 0 : i32
    %c0_i32_0 = arith.constant 0 : i32
    %c0_i32_1 = arith.constant 0 : i32
    return %c0_i32, %arg0, %c0_i32_0 : i32, i32, i32
  }
  func.func @transform_3(%arg0: i32) -> (i32, i32, i32) {
    %c1_i32 = arith.constant 1 : i32
    %c0_i32 = arith.constant 0 : i32
    %c0_i32_0 = arith.constant 0 : i32
    return %c1_i32, %arg0, %c0_i32 : i32, i32, i32
  }
  func.func @transform_4(%arg0: i32) -> (i32, i32) {
    %c0_i32 = arith.constant 0 : i32
    %c0_i32_0 = arith.constant 0 : i32
    %c0_i32_1 = arith.constant 0 : i32
    return %c0_i32, %c0_i32_0 : i32, i32
  }
  func.func @transform_5(%arg0: i32) -> (i32, i32) {
    %c0_i32 = arith.constant 0 : i32
    %c0_i32_0 = arith.constant 0 : i32
    %c0_i32_1 = arith.constant 0 : i32
    return %c0_i32, %c0_i32_0 : i32, i32
  }
  func.func @transform_6(%arg0: i32) -> (i32, i32) {
    %c0_i32 = arith.constant 0 : i32
    %c0_i32_0 = arith.constant 0 : i32
    %c0_i32_1 = arith.constant 0 : i32
    return %c0_i32, %c0_i32_0 : i32, i32
  }
  func.func @transform_7(%arg0: i32) -> (i32, i32) {
    %c0_i32 = arith.constant 0 : i32
    %c0_i32_0 = arith.constant 0 : i32
    return %arg0, %c0_i32 : i32, i32
  }
}

</mosaic_0001>

<sc_bundles>
// kernel: kernel.10.cloned.1.call-start
scs
__scs_entry_jumppad:
0x0: {  	(pc) =	sbr.rel $0x88, $3  }
0x1: {  	(tag) =	ssettag $0x0;
	lr =	simm.s32 $0x1  }
0x2: {  	[smem:$0x3F95] =	sst lr;
	_ =	strace $0xD0000000  }
0x3: {  	_ = 	snop  }
0x4: {  	_ = 	snop  }
0x5: {  	_ = 	snop  }
0x6: {  	_ = 	snop  }
0x7: {  	_ = 	snop  }
__scs_overlays_trampoline_lowered:
0x8: {  	[smem:$0x3FA4] =	sst s0  }
0x9: {  	[smem:$0x3FA5] =	sst s1  }
0xa: {  	[smem:$0x3FA6] =	sst s2  }
0xb: {  	[smem:$0x3FA7] =	sst s3  }
0xc: {  	[smem:$0x3FA8] =	sst s4  }
0xd: {  	[smem:$0x3FA9] =	sst s5  }
0xe: {  	[smem:$0x3FAA] =	sst s6  }
0xf: {  	[smem:$0x3FAB] =	sst s7  }
0x10: {  	[smem:$0x3FAC] =	sst s8  }
0x11: {  	[smem:$0x3FAD] =	sst s9;
	s0 =	simm.s32 @!p0 $0x0  }
0x12: {  	s1 =	sld [smem:$0x3F93];
	s0 =	simm.s32 @p0 $0x1  }
0x13: {  	[smem:$0x3FAE] =	sst s0;
	s0 =	simm.s32 @!p1 $0x0  }
0x14: {  	s2 =	sld [smem:$0x3F92];
	s0 =	simm.s32 @p1 $0x1  }
0x15: {  	[smem:$0x3FAF] =	sst s0;
	s0 =	simm.s32 @!p2 $0x0  }
0x16: {  	s3 =	sld [smem:$0x3FDB];
	s0 =	simm.s32 @p2 $0x1  }
0x17: {  	s4 =	simm.s32 $0x1BF5;
	[smem:$0x3FB1] =	sst s0  }
0x18: {  	s0 =	sld [smem:$0x3F94];
	_ =	swait.ge [sflag:s4], $0x0  }
0x19: {  	s7 =	sld [smem:$0x3F95]  }
0x1a: {  	s8 =	sadd.s32 $0xFFFFE003, lr  }
0x1b: {  	s9 =	sadd.s32 $0xFFFFFEF7, lr;
	s5 =	simm.s32 $0xFFFFFFFF;
	p2 =	slt.u32 s8, $0xFFFFF086  }
0x1c: {  	p1 =	slt.u32 s9, $0xF7A;
	s5 =	simm.s32 @!p2 $0x0  }
0x1d: {  	s5 =	simm.s32 @p1 $0x1;
	p0 =	seq.s32 s7, s2  }
0x1e: {  	s7 =	smul.u32 @!p0 $0xF7A, s2;
	p2 =	seq.s32 @!p0 s5, $0x0  }
0x1f: {  	s9 =	smul.u32 $0xF7A, s1;
	s8 =	simm.s32 @!p0 $0x1BF5;
	p2 =	por !p2, p0  }
0x20: {  	[sflag:s8] =	ssyncset.s32 @!p0 $0xFFFFF086;
	s6 =	sadd.s32 @!p0 s3, s7;
	s7 =	simm.s32 @!p0 $0x108  }
0x21: {  	s3 =	sadd.s32 s3, s9;
	s6 =	sadd.s32 @!p0 $0x88, s6;
	s7 =	simm.s32 @p2 $0x1082  }
0x22: {  	[simem:s7], [sflag:s8] =	dma.local @!p0 [hbm:s6], $0xF7A  }
0x23: {  	s9 =	sor.u32 $0xD0000000, s2;
	s6 =	simm.s32 $0x108;
	_ =	swait.ge @!p0 [sflag:s8], $0x0  }
0x24: {  	s3 =	sadd.s32 $0x88, s3;
	s6 =	simm.s32 @!p1 $0x1082;
	[sflag:s4] =	ssyncset.s32 $0xFFFFF086  }
0x25: {  	[simem:s6], [sflag:s4] =	dma.local [hbm:s3], $0xF7A  }
0x26: {  	[smem:$0x3F95] =	sst s1;
	(tag) =	ssettag s2;
	_ =	strace s9  }
0x27: {  	s1 =	sld [smem:$0x3FA5]  }
0x28: {  	s2 =	sld [smem:$0x3FA6]  }
0x29: {  	s4 =	sld [smem:$0x3FA8]  }
0x2a: {  	p0 =	seq.s32 s5, $0x0;
	s5 =	sld [smem:$0x3FA9]  }
0x2b: {  	s6 =	sld [smem:$0x3FAA]  }
0x2c: {  	s7 =	sld [smem:$0x3FAB]  }
0x2d: {  	s3 =	simm.s32 $0x108;
	s8 =	sld [smem:$0x3FAC]  }
0x2e: {  	s3 =	simm.s32 @!p0 $0x1082;
	s9 =	sld [smem:$0x3FAD]  }
0x2f: {  	lr =	sadd.s32 s0, s3;
	s0 =	sld [smem:$0x3FA4]  }
0x30: {  	s3 =	sld [smem:$0x3FA7]  }
0x31: {  	[smem:$0x3FB0] =	sst s10  }
0x32: {  	s10 =	sld [smem:$0x3FAE];
	_ =	sdelay $0x3  }
0x33: {  	p0 =	seq.s32 s10, $0x1;
	s10 =	sld [smem:$0x3FB0];
	_ =	sdelay $0x3  }
0x34: {  	[smem:$0x3FB0] =	sst s10  }
0x35: {  	s10 =	sld [smem:$0x3FAF];
	_ =	sdelay $0x3  }
0x36: {  	p1 =	seq.s32 s10, $0x1;
	s10 =	sld [smem:$0x3FB0];
	_ =	sdelay $0x3  }
0x37: {  	[smem:$0x3FB0] =	sst s10  }
0x38: {  	s10 =	sld [smem:$0x3FB1]  }
0x39: {  	_ = 	snop;
	(pc) =	sbr.ind lr, $3  }
0x3a: {  	_ = 	snop  }
0x3b: {  	_ = 	snop  }
0x3c: {  	p2 =	seq.s32 s10, $0x1;
	s10 =	sld [smem:$0x3FB0]  }
0x3d: {  	_ =	shalt  }
0x3e: {  	_ =	shalt  }
0x3f: {  	_ =	shalt  }
0x40: {  	_ =	shalt  }
0x41: {  	_ =	shalt  }
0x42: {  	_ =	shalt  }
0x43: {  	_ =	shalt  }
0x44: {  	_ =	shalt  }
0x45: {  	_ =	shalt  }
0x46: {  	_ =	shalt  }
0x47: {  	_ =	shalt  }
0x48: {  	_ =	shalt  }
0x49: {  	_ =	shalt  }
0x4a: {  	_ =	shalt  }
0x4b: {  	_ =	shalt  }
0x4c: {  	_ =	shalt  }
0x4d: {  	_ =	shalt  }
0x4e: {  	_ =	shalt  }
0x4f: {  	_ =	shalt  }
0x50: {  	_ =	shalt  }
0x51: {  	_ =	shalt  }
0x52: {  	_ =	shalt  }
0x53: {  	_ =	shalt  }
0x54: {  	_ =	shalt  }
0x55: {  	_ =	shalt  }
0x56: {  	_ =	shalt  }
0x57: {  	_ =	shalt  }
0x58: {  	_ =	shalt  }
0x59: {  	_ =	shalt  }
0x5a: {  	_ =	shalt  }
0x5b: {  	_ =	shalt  }
0x5c: {  	_ =	shalt  }
0x5d: {  	_ =	shalt  }
0x5e: {  	_ =	shalt  }
0x5f: {  	_ =	shalt  }
0x60: {  	_ =	shalt  }
0x61: {  	_ =	shalt  }
0x62: {  	_ =	shalt  }
0x63: {  	_ =	shalt  }
0x64: {  	_ =	shalt  }
0x65: {  	_ =	shalt  }
0x66: {  	_ =	shalt  }
0x67: {  	_ =	shalt  }
0x68: {  	_ =	shalt  }
0x69: {  	_ =	shalt  }
0x6a: {  	_ =	shalt  }
0x6b: {  	_ =	shalt  }
0x6c: {  	_ =	shalt  }
0x6d: {  	_ =	shalt  }
0x6e: {  	_ =	shalt  }
0x6f: {  	_ =	shalt  }
0x70: {  	_ =	shalt  }
0x71: {  	_ =	shalt  }
0x72: {  	_ =	shalt  }
0x73: {  	_ =	shalt  }
0x74: {  	_ =	shalt  }
0x75: {  	_ =	shalt  }
0x76: {  	_ =	shalt  }
0x77: {  	_ =	shalt  }
0x78: {  	_ =	shalt  }
0x79: {  	_ =	shalt  }
0x7a: {  	_ =	shalt  }
0x7b: {  	_ =	shalt  }
0x7c: {  	_ =	shalt  }
0x7d: {  	_ =	shalt  }
0x7e: {  	_ =	shalt  }
0x7f: {  	_ =	shalt  }
0x80: {  	_ =	shalt  }
0x81: {  	_ =	shalt  }
0x82: {  	_ =	shalt  }
0x83: {  	_ =	shalt  }
0x84: {  	_ =	shalt  }
0x85: {  	_ =	shalt  }
0x86: {  	_ =	shalt  }
0x87: {  	_ =	shalt  }
.Lfunc_end0:
.L_simem_size_0:
called_computation.1_lowered:
.L_overlay_start_0:
0x88: {  	s2 =	sld [smem:$0x3FD9]  }
0x89: {  	s3 =	sld [smem:$0x3FFE];
	_ =	sdelay $0x1  }
0x8a: {  	s1 =	srdreg.scid  }
0x8b: {  	s0 =	sand.u32 $0x1, s1  }
0x8c: {  	s17 =	sshll.u32 s0, $0xA;
	s2 =	sadd.s32 s3, s2  }
0x8d: {  	s2 =	sadd.s32 s2, s17  }
0x8e: {  	[smem:$0x3FBC] =	sst s2  }
0x8f: {  	_ = 	snop  }
0x90: {  	s2 =	sld [smem:$0x3FD0];
	(tm) =	ssettm $0x1  }
0x91: {  	s18 =	sld [smem:$0x3FFB];
	_ =	sdelay $0x3  }
0x92: {  	_ =	strace s18  }
0x93: {  	s3 =	sld [smem:$0x3FFC];
	_ =	sdelay $0x3  }
0x94: {  	_ =	strace s3  }
0x95: {  	s3 =	sld [smem:$0x3FFD];
	_ =	sdelay $0x3  }
0x96: {  	_ =	strace s3  }
0x97: {  	_ =	strace $0x8FFFFFFF  }
0x98: {  	s19 =	sld [smem:$0x3FDB];
	_ =	sdelay $0x1  }
0x99: {  	s4 =	simm.s32 $_scs_section_size  }
0x9a: {  	s5 =	simm.s32 $_size__tile_overlayer_lowered;
	s6 =	simm.s32 $_tile_overlayer_lowered  }
0x9b: {  	s22 =	simm.s32 $0x1BFF;
	s21 =	sshll.u32 s6, $0x1;
	s3 =	sadd.s32 s4, s19  }
0x9c: {  	s7 =	simm.s32 $0x0;
	s20 =	sshll.u32 s5, $0x1;
	s5 =	sadd.s32 s21, s3  }
0x9d: {  	[timem:s7], [sflag:s22] =	dma.local [hbm:s5], s20  }
0x9e: {  	_ =	swait.ge [sflag:s22], s20  }
0x9f: {  	s4 =	ssub.s32 $0x0, s20;
	[sflag:s22] =	ssyncset.done $0x0  }
0xa0: {  	[sflag:s22] =	ssyncadd.s32 s4;
	_ =	sdelay $0x1  }
0xa1: {  	s23 =	simm.s32 $0x1B8B  }
0xa2: {  	_ =	swait.ge [sflag:s23], $0x1  }
0xa3: {  	[sflag:s23] =	ssyncset.done $0x0  }
0xa4: {  	s25 =	simm.s32 $0x1B8E;
	s24 =	sld [smem:$0x3FFE];
	[sflag:s23] =	ssyncadd.s32 $0xFFFFFFFF  }
0xa5: {  	s26 =	simm.s32 $execute0_lowered;
	[smem:$0x3FD2] =	sst s25  }
0xa6: {  	s5 =	sshll.u32 s26, $0x1;
	_ =	strace $0x80000049;
	[dreg:$0x1] =	wrdreg $0xFFFFFFFF  }
0xa7: {  	s28 =	simm.s32 $_size_execute0_lowered;
	s3 =	sadd.s32 s3, s5;
	[dreg:$0x0] =	wrdreg $0x0  }
0xa8: {  	s5 =	sshll.u32 s28, $0x1;
	[dreg:$0x2] =	wrdreg s3  }
0xa9: {  	[dreg:$0x3] =	wrdreg s5  }
0xaa: {  	[dreg:$0x4] =	wrdreg $0xC0  }
0xab: {  	_ =	task [dreg:s7], $0x5FFFF  }
0xac: {  	[dreg:$0x1] =	wrdreg $0xFFFFFFFF  }
0xad: {  	[dreg:$0x0] =	wrdreg $0x60  }
0xae: {  	[dreg:$0x2] =	wrdreg s24  }
0xaf: {  	[dreg:$0x3] =	wrdreg s2  }
0xb0: {  	[dreg:$0x4] =	wrdreg $0x0  }
0xb1: {  	[dreg:$0x5] =	wrdreg $0x9  }
0xb2: {  	_ =	task.clear_ibuf [dreg:s7], $0x6FFFF;
	_ =	strace $0x90000049  }
0xb3: {  	s29 =	simm.s32 $0x9;
	_ =	strace $0x8000004B  }
0xb4: {  	_ =	swait.ge [sflag:s29], $0x1  }
0xb5: {  	[sflag:s29] =	ssyncadd.s32 $0xFFFFFFFF  }
0xb6: {  	_ =	strace $0x9000004B  }
0xb7: {  	_ =	sfence  }
0xb8: {  	s30 =	sld [smem:$0x0];
	_ =	sdelay $0x2  }
0xb9: {  	s31 =	sshll.u32 s1, $0xD;
	s1 =	sshrl.u32 s1, $0x2  }
0xba: {  	s3 =	sand.u32 $0x4000, s31;
	s1 =	sadd.s32 s1, s30  }
0xbb: {  	s0 =	sor.u32 s3, s0;
	s1 =	sshll.u32 s1, $0x11  }
0xbc: {  	s0 =	sor.u32 s1, s0  }
0xbd: {  	s0 =	sadd.s32 $0x8F2B, s0  }
0xbe: {  	[sflag:s0] =	ssyncadd.remote.s32 $0x1  }
0xbf: {  	_ =	sfence.sel $0xFFFF  }
0xc0: {  	[dreg:$0x0] =	wrdreg $0xFFFFFFFF;
	(pc) =	sbr.abs _section_cstart, $3  }
0xc1: {  	[dreg:$0x1] =	wrdreg $0xFFFFFFFF  }
0xc2: {  	_ =	task.clear_ibuf [dreg:s7], $0x2FFFF;
	_ =	strace $0x9FFFFFFF  }
0xc3: {  	(tm) =	ssettm $0x7FFFFFFF  }
tec
execute0_lowered:
.L_overlay_start_1:
0x0: {  	(tag) =	ssettag $0x1  }
0x1: {  	s0 =	rddreg [dreg:$0x0]  }
0x2: {  	s3 =	rddreg [dreg:$0x2];
	s24 =	simm.s32 $0x0  }
0x3: {  	s4 =	stileid.u32;
	s2 =	srdreg.scid;
	s28 =	simm.s32 $0xA000  }
0x4: {  	s29 =	simm.s32 $0x80;
	s30 =	simm.s32 $0xC000;
	s31 =	simm.s32 $0x7  }
0x5: {  	[smem:$0x7FF] =	sst s24;
	s1 =	smul.u32 $0xA00, s4;
	s2 =	sand.u32 $0x1, s2  }
0x6: {  	s6 =	smul.u32 $0xA000, s4;
	s5 =	sadd.s32 $0xBC400, s0;
	_ =	strace $0x8000004A  }
0x7: {  	s7 =	ssub.s32 $0x2, s2;
	s8 =	smul.u32 $0x140000, s2;
	s15 =	sshllo.u32 s2, $0x1  }
0x8: {  	s4 =	smul.u32 $0x4E20, s2;
	s2 =	simm.s32 $0x9;
	s1 =	sadd.s32 s1, s0  }
0x9: {  	s0 =	sadd.s32 $0x10A600, s0;
	s9 =	sshrl.u32 s7, $0x1;
	s11 =	sadd.s32 $0x4000, s6  }
0xa: {  	s12 =	sadd.s32 $0x6000, s6;
	s13 =	sadd.s32 $0x8000, s6;
	s17 =	smul.u32 $0xA0000, s15  }
0xb: {  	s7 =	ssub.s32 s7, s9;
	s9 =	sadd.s32 $0x2000, s6;
	s10 =	sadd.s32 s6, s8  }
0xc: {  	s14 =	sadd.s32 s8, s11;
	s16 =	sadd.s32 s8, s12;
	s10 =	sshrl.u32 s10, $0x3  }
0xd: {  	s19 =	sadd.s32 s8, s9;
	s14 =	sshrl.u32 s14, $0x3;
	s22 =	sshrl.u32 s16, $0x3  }
0xe: {  	s8 =	sadd.s32 s8, s13;
	s25 =	sadd.s32 s6, s17;
	s26 =	sadd.s32 s9, s17  }
0xf: {  	s18 =	sadd.s32 s0, s10;
	s10 =	sshrl.u32 s19, $0x3;
	s21 =	sadd.s32 s0, s14  }
0x10: {  	s23 =	sadd.s32 s0, s22;
	s8 =	sshrl.u32 s8, $0x3;
	[dreg:$0x4] =	wrdreg s18  }
0x11: {  	s16 =	sshrl.u32 s26, $0x3;
	s19 =	sadd.s32 s11, s17;
	[dreg:$0x6] =	wrdreg s21  }
0x12: {  	s26 =	sadd.s32 $0x1E00, s1;
	s14 =	sadd.s32 $0x16000, s1;
	[dreg:$0x7] =	wrdreg s23  }
0x13: {  	s1 =	simm.s32 $0x10000;
	s20 =	sadd.s32 s0, s10;
	[dreg:$0xe] =	wrdreg s26  }
0x14: {  	s10 =	sshrl.u32 s25, $0x3;
	s8 =	sadd.s32 s0, s8;
	[dreg:$0xf] =	wrdreg s14  }
0x15: {  	s18 =	sadd.s32 s0, s16;
	s21 =	sadd.s32 s13, s17;
	[dreg:$0x5] =	wrdreg s20  }
0x16: {  	s26 =	smax.u32 s7, $0x1;
	s7 =	simm.s32 $0x12000;
	[dreg:$0x8] =	wrdreg s8  }
0x17: {  	s14 =	simm.s32 $0x5;
	s10 =	sadd.s32 s0, s10;
	[dreg:$0xa] =	wrdreg s18  }
0x18: {  	s20 =	sadd.s32 s12, s17;
	s8 =	sshrl.u32 s19, $0x3;
	s25 =	sshrl.u32 s21, $0x3  }
0x19: {  	s18 =	sadd.s32 s6, s3;
	s19 =	sadd.s32 s9, s3;
	s21 =	sadd.s32 s12, s3  }
0x1a: {  	s17 =	smul.u32 $0x2710, s15;
	[dreg:$0x10] =	wrdreg s26;
	s26 =	simm.s32 $0x16000  }
0x1b: {  	s9 =	simm.s32 $0x14000;
	s12 =	simm.s32 $0xA;
	s6 =	simm.s32 $0x0  }
0x1c: {  	[dreg:$0x9] =	wrdreg s10;
	s10 =	sshrl.u32 s20, $0x3;
	s22 =	sadd.s32 s0, s8  }
.Ltmp0:
0x1d: {  	s20 =	sadd.s32 s11, s3;
	s11 =	simm.s32 $0x2;
	(pc) =	sbr.rel .LBB2_1-.Ltmp0, $4  }
0x1e: {  	s8 =	simm.s32 $0x8;
	[dreg:$0xb] =	wrdreg s22;
	s23 =	sadd.s32 s0, s10  }
0x1f: {  	s0 =	sadd.s32 s0, s25;
	s22 =	sadd.s32 s13, s3;
	s25 =	simm.s32 $0xB  }
0x20: {  	s10 =	simm.s32 $0x1;
	s13 =	simm.s32 $0x6;
	[dreg:$0xc] =	wrdreg s23  }
0x21: {  	v0 =	vmov s4;
	v1 =	vmov s17;
	[dreg:$0xd] =	wrdreg s0;
	s0 =	simm.s32 $0xE000;
	s23 =	simm.s32 $0x4  }
.LBB2_11:
0x22: {  	_ =	swait.ge [sflag:s14], $0x2000  }
0x23: {  	[sflag:s14] =	ssyncset.done $0x0  }
0x24: {  	s4 =	simm.s32 $0x1FF80;
	[sflag:s14] =	ssyncadd.s32 $0xFFFFE000  }
0x25: {  	[spmem:s3] =	stream.indirect.scatter.add.f32 [tilespmem:s9], [sflag:$0xA], $0x40, s4, s29, $0xb8;
	v63 =	vld [tilespmem:$0x0]  }
0x26: {  	_ =	swait.ge [sflag:s13], $0x2000  }
0x27: {  	[sflag:s13] =	ssyncset.done $0x0  }
0x28: {  	[sflag:s13] =	ssyncadd.s32 $0xFFFFE000  }
0x29: {  	_ =	swait.ge [sflag:s31], $0x2000  }
0x2a: {  	[sflag:s31] =	ssyncset.done $0x0  }
0x2b: {  	[sflag:s31] =	ssyncadd.s32 $0xFFFFE000  }
0x2c: {  	_ =	swait.ge [sflag:s8], $0x2000  }
0x2d: {  	[sflag:s8] =	ssyncset.done $0x0  }
0x2e: {  	[sflag:s8] =	ssyncadd.s32 $0xFFFFE000  }
0x2f: {  	_ =	swait.ge [sflag:s2], $0x2000  }
0x30: {  	[sflag:s2] =	ssyncset.done $0x0  }
0x31: {  	[sflag:s2] =	ssyncadd.s32 $0xFFFFE000  }
0x32: {  	_ =	swait.ge [sflag:s12], $0x2000  }
0x33: {  	[sflag:s12] =	ssyncset.done $0x0  }
0x34: {  	[sflag:s12] =	ssyncadd.s32 $0xFFFFE000  }
0x35: {  	[bflag:$0x0] =	sbarrier.arrive $0xFFFF  }
0x36: {  	[tilespmem:s28], [sflag:$0xB] =	stream.linear.gather [spmem:s18], $0x2000, $0x38;
	v63 =	vld [tilespmem:$0x0]  }
0x37: {  	_ =	swait.ge [sflag:s25], $0x2000  }
0x38: {  	[sflag:s25] =	ssyncset.done $0x0  }
0x39: {  	s24 =	simm.s32 $0x0;
	s17 =	rddreg [dreg:$0x9];
	[sflag:s25] =	ssyncadd.s32 $0xFFFFE000  }
0x3a: {  	[hbm4b:s17+s24] =	stream.linear.scatter [tilespmem:s28], [sflag:$0xB], $0x2000, $0x38;
	v63 =	vld [tilespmem:$0x0]  }
0x3b: {  	_ =	swait.ge [sflag:s25], $0x2000  }
0x3c: {  	[sflag:s25] =	ssyncset.done $0x0  }
0x3d: {  	[sflag:s25] =	ssyncadd.s32 $0xFFFFE000  }
0x3e: {  	[tilespmem:s28], [sflag:$0xB] =	stream.linear.gather [spmem:s19], $0x2000, $0x38;
	v63 =	vld [tilespmem:$0x0]  }
0x3f: {  	_ =	swait.ge [sflag:s25], $0x2000  }
0x40: {  	[sflag:s25] =	ssyncset.done $0x0  }
0x41: {  	s26 =	rddreg [dreg:$0xa];
	[sflag:s25] =	ssyncadd.s32 $0xFFFFE000  }
0x42: {  	[hbm4b:s26+s24] =	stream.linear.scatter [tilespmem:s28], [sflag:$0xB], $0x2000, $0x38;
	v63 =	vld [tilespmem:$0x0]  }
0x43: {  	_ =	swait.ge [sflag:s25], $0x2000  }
0x44: {  	[sflag:s25] =	ssyncset.done $0x0  }
0x45: {  	[sflag:s25] =	ssyncadd.s32 $0xFFFFE000  }
0x46: {  	[tilespmem:s28], [sflag:$0xB] =	stream.linear.gather [spmem:s20], $0x2000, $0x38;
	v63 =	vld [tilespmem:$0x0]  }
0x47: {  	_ =	swait.ge [sflag:s25], $0x2000  }
0x48: {  	[sflag:s25] =	ssyncset.done $0x0  }
0x49: {  	s15 =	rddreg [dreg:$0xb];
	[sflag:s25] =	ssyncadd.s32 $0xFFFFE000  }
0x4a: {  	[hbm4b:s15+s24] =	stream.linear.scatter [tilespmem:s28], [sflag:$0xB], $0x2000, $0x38;
	v63 =	vld [tilespmem:$0x0]  }
0x4b: {  	_ =	swait.ge [sflag:s25], $0x2000  }
0x4c: {  	[sflag:s25] =	ssyncset.done $0x0  }
0x4d: {  	[sflag:s25] =	ssyncadd.s32 $0xFFFFE000  }
0x4e: {  	[tilespmem:s28], [sflag:$0xB] =	stream.linear.gather [spmem:s21], $0x2000, $0x38;
	v63 =	vld [tilespmem:$0x0]  }
0x4f: {  	_ =	swait.ge [sflag:s25], $0x2000  }
0x50: {  	[sflag:s25] =	ssyncset.done $0x0  }
0x51: {  	s16 =	rddreg [dreg:$0xc];
	[sflag:s25] =	ssyncadd.s32 $0xFFFFE000  }
0x52: {  	[hbm4b:s16+s24] =	stream.linear.scatter [tilespmem:s28], [sflag:$0xB], $0x2000, $0x38;
	v63 =	vld [tilespmem:$0x0]  }
0x53: {  	_ =	swait.ge [sflag:s25], $0x2000  }
0x54: {  	[sflag:s25] =	ssyncset.done $0x0  }
0x55: {  	[sflag:s25] =	ssyncadd.s32 $0xFFFFE000  }
0x56: {  	[tilespmem:s28], [sflag:$0xB] =	stream.linear.gather [spmem:s22], $0x2000, $0x38;
	v63 =	vld [tilespmem:$0x0]  }
0x57: {  	_ =	swait.ge [sflag:s25], $0x2000  }
0x58: {  	[sflag:s25] =	ssyncset.done $0x0  }
0x59: {  	s17 =	rddreg [dreg:$0xd];
	[sflag:s25] =	ssyncadd.s32 $0xFFFFE000  }
0x5a: {  	[hbm4b:s17+s24] =	stream.linear.scatter [tilespmem:s28], [sflag:$0xB], $0x2000, $0x38;
	v63 =	vld [tilespmem:$0x0]  }
0x5b: {  	_ =	swait.ge [sflag:s25], $0x2000  }
0x5c: {  	s6 =	sadd.s32 $0x1, s6;
	s26 =	rddreg [dreg:$0x10]  }
0x5d: {  	p0 =	sne.s32 s6, s26  }
.Ltmp1:
0x5e: {  	_ = 	snop;
	(pc) =	sbr.rel @!p0 .LBB2_12-.Ltmp1, $3  }
0x5f: {  	_ =	sdelay $0x1  }
0x60: {  	[sflag:s25] =	ssyncset.done $0x0  }
0x61: {  	[sflag:s25] =	ssyncadd.s32 $0xFFFFE000;
	s26 =	simm.s32 $0x16000  }
.LBB2_1:
0x62: {  	s4 =	rddreg [dreg:$0xe];
	s15 =	simm.s32 $0x1B000  }
0x63: {  	[tilespmem:s15], [sflag:$0xB] =	stream.linear.gather [hbm4b:s4+s24], $0x5000, $0x38;
	v63 =	vld [tilespmem:$0x0]  }
0x64: {  	_ =	swait.ge [sflag:s25], $0x5000  }
0x65: {  	[sflag:s25] =	ssyncset.done $0x0  }
0x66: {  	s17 =	rddreg [dreg:$0xf];
	[sflag:s25] =	ssyncadd.s32 $0xFFFFB000  }
0x67: {  	[tilespmem:s26], [sflag:$0xB] =	stream.linear.gather [hbm4b:s17+s24], $0x5000, $0x38;
	v63 =	vld [tilespmem:$0x0]  }
0x68: {  	_ =	swait.ge [sflag:s25], $0x5000  }
0x69: {  	[sflag:s25] =	ssyncset.done $0x0  }
0x6a: {  	s16 =	simm.s32 $0x0;
	[sflag:s25] =	ssyncadd.s32 $0xFFFFB000  }
0x6b: {  	v4 =	vld [tilespmem:s16+$0x16000]  }
0x6c: {  	v6 =	vld [tilespmem:s16+$0x16010]  }
0x6d: {  	v5 =	vld [tilespmem:s16+$0x16020]  }
0x6e: {  	v3 =	vld [tilespmem:s16+$0x16030]  }
0x6f: {  	v2 =	vld [tilespmem:s16+$0x16040]  }
0x70: {  	v7 =	vadd.s32 v0, v4;
	v4 =	vld [tilespmem:s16+$0x16050]  }
0x71: {  	s24 =	simm.s32 $0x200;
	[tilespmem:s16+$0x16000] =	vst v7;
	v7 =	vadd.s32 v0, v6;
	v6 =	vld [tilespmem:s16+$0x16060]  }
.LBB2_2:
0x72: {  	s17 =	sshra.s32 s24, $0x2;
	p0 =	sne.s32 s24, $0x13E00;
	[tilespmem:s16+$0x16010] =	vst v7;
	v5 =	vadd.s32 v0, v5;
	v7 =	vld [tilespmem:s16+$0x16070]  }
0x73: {  	v8 =	vld [tilespmem:s17+$0x16000];
	[tilespmem:s16+$0x16020] =	vst v5;
	v3 =	vadd.s32 v0, v3  }
0x74: {  	v9 =	vld [tilespmem:s17+$0x16010];
	[tilespmem:s16+$0x16030] =	vst v3;
	v2 =	vadd.s32 v0, v2  }
.Ltmp2:
0x75: {  	v5 =	vld [tilespmem:s17+$0x16020];
	[tilespmem:s16+$0x16040] =	vst v2;
	v2 =	vadd.s32 v0, v4;
	(pc) =	sbr.rel @p0 .LBB2_2-.Ltmp2, $4  }
0x76: {  	v3 =	vld [tilespmem:s17+$0x16030];
	[tilespmem:s16+$0x16050] =	vst v2;
	v4 =	vadd.s32 v0, v6  }
0x77: {  	v2 =	vld [tilespmem:s17+$0x16040];
	[tilespmem:s16+$0x16060] =	vst v4;
	v6 =	vadd.s32 v0, v7  }
0x78: {  	v7 =	vadd.s32 v0, v8;
	v4 =	vld [tilespmem:s17+$0x16050];
	[tilespmem:s16+$0x16070] =	vst v6;
	s16 =	smov.u32 s17  }
0x79: {  	s24 =	sadd.s32 $0x200, s24;
	[tilespmem:s16+$0x16000] =	vst v7;
	v7 =	vadd.s32 v0, v9;
	v6 =	vld [tilespmem:s16+$0x16060]  }
0x7a: {  	[tilespmem:s16+$0x16010] =	vst v7;
	v5 =	vadd.s32 v0, v5;
	v62 =	vld [tilespmem:s16+$0x16070]  }
0x7b: {  	[tilespmem:s16+$0x16020] =	vst v5;
	v3 =	vadd.s32 v0, v3  }
0x7c: {  	[tilespmem:s16+$0x16030] =	vst v3;
	v2 =	vadd.s32 v0, v2  }
0x7d: {  	[tilespmem:s16+$0x16040] =	vst v2;
	v2 =	vadd.s32 v0, v4  }
0x7e: {  	[tilespmem:s16+$0x16050] =	vst v2;
	v2 =	vadd.s32 v0, v6  }
0x7f: {  	[tilespmem:s16+$0x16060] =	vst v2;
	v2 =	vadd.s32 v0, v62  }
0x80: {  	s4 =	rddreg [dreg:$0x1];
	[tilespmem:s16+$0x16070] =	vst v2;
	s16 =	simm.s32 $0x0  }
0x81: {  	[tilespmem:s28], [sflag:$0xB] =	stream.linear.gather [hbm4b:s4+s16], $0x2000, $0x38;
	v63 =	vld [tilespmem:$0x0]  }
0x82: {  	_ =	swait.ge [sflag:s25], $0x2000  }
0x83: {  	[sflag:s25] =	ssyncset.done $0x0  }
0x84: {  	[sflag:s25] =	ssyncadd.s32 $0xFFFFE000  }
0x85: {  	[spmem:s18] =	stream.linear.scatter [tilespmem:s28], [sflag:$0xB], $0x2000, $0x38;
	v63 =	vld [tilespmem:$0x0]  }
0x86: {  	_ =	swait.ge [sflag:s25], $0x2000  }
0x87: {  	[sflag:s25] =	ssyncset.done $0x0  }
0x88: {  	[sflag:s25] =	ssyncadd.s32 $0xFFFFE000  }
0x89: {  	[spmem:s19] =	stream.linear.scatter [tilespmem:s28], [sflag:$0xB], $0x2000, $0x38;
	v63 =	vld [tilespmem:$0x0]  }
0x8a: {  	_ =	swait.ge [sflag:s25], $0x2000  }
0x8b: {  	[sflag:s25] =	ssyncset.done $0x0  }
0x8c: {  	[sflag:s25] =	ssyncadd.s32 $0xFFFFE000  }
0x8d: {  	[spmem:s20] =	stream.linear.scatter [tilespmem:s28], [sflag:$0xB], $0x2000, $0x38;
	v63 =	vld [tilespmem:$0x0]  }
0x8e: {  	_ =	swait.ge [sflag:s25], $0x2000  }
0x8f: {  	[sflag:s25] =	ssyncset.done $0x0  }
0x90: {  	[sflag:s25] =	ssyncadd.s32 $0xFFFFE000  }
0x91: {  	[spmem:s21] =	stream.linear.scatter [tilespmem:s28], [sflag:$0xB], $0x2000, $0x38;
	v63 =	vld [tilespmem:$0x0]  }
0x92: {  	_ =	swait.ge [sflag:s25], $0x2000  }
0x93: {  	[sflag:s25] =	ssyncset.done $0x0  }
0x94: {  	[sflag:s25] =	ssyncadd.s32 $0xFFFFE000  }
0x95: {  	[spmem:s22] =	stream.linear.scatter [tilespmem:s28], [sflag:$0xB], $0x2000, $0x38;
	v63 =	vld [tilespmem:$0x0]  }
0x96: {  	_ =	swait.ge [sflag:s25], $0x2000  }
0x97: {  	[sflag:s25] =	ssyncset.done $0x0  }
0x98: {  	[sflag:s25] =	ssyncadd.s32 $0xFFFFE000  }
0x99: {  	[bflag:$0x0] =	sbarrier.arrive $0xFFFF  }
0x9a: {  	[tilespmem:s30], [sflag:$0x1] =	stream.indirect.gather [hbm4b:s5+s29], $0x40, s26, s29, $0xb8;
	v63 =	vld [tilespmem:$0x0]  }
0x9b: {  	s24 =	simm.s32 $0x16080  }
0x9c: {  	[tilespmem:s0], [sflag:$0x2] =	stream.indirect.gather [hbm4b:s5+s29], $0x40, s24, s29, $0xb8;
	v63 =	vld [tilespmem:$0x0]  }
0x9d: {  	s26 =	simm.s32 $0x16100  }
0x9e: {  	[tilespmem:s1], [sflag:$0x3] =	stream.indirect.gather [hbm4b:s5+s29], $0x40, s26, s29, $0xb8;
	v63 =	vld [tilespmem:$0x0]  }
0x9f: {  	s15 =	simm.s32 $0x16180  }
0xa0: {  	[tilespmem:s7], [sflag:$0x4] =	stream.indirect.gather [hbm4b:s5+s29], $0x40, s15, s29, $0xb8;
	v63 =	vld [tilespmem:$0x0]  }
0xa1: {  	s17 =	simm.s32 $0x16200  }
0xa2: {  	[tilespmem:s9], [sflag:$0x5] =	stream.indirect.gather [hbm4b:s5+s29], $0x40, s17, s29, $0xb8;
	v63 =	vld [tilespmem:$0x0]  }
0xa3: {  	_ =	swait.ge [sflag:s10], $0x2000  }
0xa4: {  	[sflag:s10] =	ssyncset.done $0x0  }
0xa5: {  	s24 =	simm.s32 $0x1B000;
	[sflag:s10] =	ssyncadd.s32 $0xFFFFE000  }
0xa6: {  	[spmem:s3] =	stream.indirect.scatter.add.f32 [tilespmem:s30], [sflag:$0x6], $0x40, s24, s29, $0xb8;
	v63 =	vld [tilespmem:$0x0]  }
0xa7: {  	_ =	swait.ge [sflag:s11], $0x2000  }
0xa8: {  	[sflag:s11] =	ssyncset.done $0x0  }
0xa9: {  	s26 =	simm.s32 $0x1B080;
	[sflag:s11] =	ssyncadd.s32 $0xFFFFE000  }
0xaa: {  	[spmem:s3] =	stream.indirect.scatter.add.f32 [tilespmem:s0], [sflag:$0x7], $0x40, s26, s29, $0xb8;
	v63 =	vld [tilespmem:$0x0]  }
0xab: {  	_ =	swait.ge [sflag:s13], $0x2000  }
0xac: {  	[sflag:s13] =	ssyncset.done $0x0  }
0xad: {  	s15 =	simm.s32 $0x16280;
	s17 =	simm.s32 $0x3;
	[sflag:s13] =	ssyncadd.s32 $0xFFFFE000  }
0xae: {  	[tilespmem:s30], [sflag:$0x1] =	stream.indirect.gather [hbm4b:s5+s29], $0x40, s15, s29, $0xb8;
	v63 =	vld [tilespmem:$0x0]  }
0xaf: {  	_ =	swait.ge [sflag:s17], $0x2000  }
0xb0: {  	[sflag:s17] =	ssyncset.done $0x0  }
0xb1: {  	s24 =	simm.s32 $0x1B100;
	[sflag:s17] =	ssyncadd.s32 $0xFFFFE000  }
0xb2: {  	[spmem:s3] =	stream.indirect.scatter.add.f32 [tilespmem:s1], [sflag:$0x8], $0x40, s24, s29, $0xb8;
	v63 =	vld [tilespmem:$0x0]  }
0xb3: {  	_ =	swait.ge [sflag:s31], $0x2000  }
0xb4: {  	[sflag:s31] =	ssyncset.done $0x0  }
0xb5: {  	s26 =	simm.s32 $0x16300;
	[sflag:s31] =	ssyncadd.s32 $0xFFFFE000  }
0xb6: {  	[tilespmem:s0], [sflag:$0x2] =	stream.indirect.gather [hbm4b:s5+s29], $0x40, s26, s29, $0xb8;
	v63 =	vld [tilespmem:$0x0]  }
0xb7: {  	_ =	swait.ge [sflag:s23], $0x2000  }
0xb8: {  	[sflag:s23] =	ssyncset.done $0x0  }
0xb9: {  	s15 =	simm.s32 $0x1B180;
	[sflag:s23] =	ssyncadd.s32 $0xFFFFE000  }
0xba: {  	[spmem:s3] =	stream.indirect.scatter.add.f32 [tilespmem:s7], [sflag:$0x9], $0x40, s15, s29, $0xb8;
	v63 =	vld [tilespmem:$0x0]  }
0xbb: {  	_ =	swait.ge [sflag:s8], $0x2000  }
0xbc: {  	[sflag:s8] =	ssyncset.done $0x0  }
0xbd: {  	s17 =	simm.s32 $0x16380;
	[sflag:s8] =	ssyncadd.s32 $0xFFFFE000  }
0xbe: {  	[tilespmem:s1], [sflag:$0x3] =	stream.indirect.gather [hbm4b:s5+s29], $0x40, s17, s29, $0xb8;
	v63 =	vld [tilespmem:$0x0]  }
0xbf: {  	_ =	swait.ge [sflag:s14], $0x2000  }
0xc0: {  	[sflag:s14] =	ssyncset.done $0x0  }
0xc1: {  	s24 =	simm.s32 $0x1B200;
	[sflag:s14] =	ssyncadd.s32 $0xFFFFE000  }
0xc2: {  	[spmem:s3] =	stream.indirect.scatter.add.f32 [tilespmem:s9], [sflag:$0xA], $0x40, s24, s29, $0xb8;
	v63 =	vld [tilespmem:$0x0]  }
0xc3: {  	_ =	swait.ge [sflag:s2], $0x2000  }
0xc4: {  	[sflag:s2] =	ssyncset.done $0x0  }
0xc5: {  	s26 =	simm.s32 $0x16400;
	[sflag:s2] =	ssyncadd.s32 $0xFFFFE000  }
0xc6: {  	[tilespmem:s7], [sflag:$0x4] =	stream.indirect.gather [hbm4b:s5+s29], $0x40, s26, s29, $0xb8;
	v63 =	vld [tilespmem:$0x0]  }
.LBB2_4:
0xc7: {  	_ =	swait.ge [sflag:s10], $0x2000  }
0xc8: {  	s24 =	sshra.s32 s16, $0x2;
	[sflag:s10] =	ssyncset.done $0x0  }
0xc9: {  	s17 =	sadd.s32 $0x1B280, s24;
	[sflag:s10] =	ssyncadd.s32 $0xFFFFE000  }
0xca: {  	[spmem:s3] =	stream.indirect.scatter.add.f32 [tilespmem:s30], [sflag:$0x6], $0x40, s17, s29, $0xb8;
	v63 =	vld [tilespmem:$0x0]  }
0xcb: {  	_ =	swait.ge [sflag:s12], $0x2000  }
0xcc: {  	[sflag:s12] =	ssyncset.done $0x0  }
0xcd: {  	s4 =	sadd.s32 $0x16480, s24;
	[sflag:s12] =	ssyncadd.s32 $0xFFFFE000  }
0xce: {  	[tilespmem:s9], [sflag:$0x5] =	stream.indirect.gather [hbm4b:s5+s29], $0x40, s4, s29, $0xb8;
	v63 =	vld [tilespmem:$0x0]  }
0xcf: {  	_ =	swait.ge [sflag:s11], $0x2000  }
0xd0: {  	p0 =	seq.s32 s16, $0x12C00;
	[sflag:s11] =	ssyncset.done $0x0  }
0xd1: {  	s15 =	sadd.s32 $0x1B300, s24;
	s17 =	simm.s32 @p0 $0x3;
	[sflag:s11] =	ssyncadd.s32 $0xFFFFE000  }
0xd2: {  	[spmem:s3] =	stream.indirect.scatter.add.f32 [tilespmem:s0], [sflag:$0x7], $0x40, s15, s29, $0xb8;
	v63 =	vld [tilespmem:$0x0]  }
0xd3: {  	_ =	swait.ge @p0 [sflag:s17], $0x2000  }
0xd4: {  	[sflag:s17] =	ssyncset.done @p0 $0x0  }
0xd5: {  	[sflag:s17] =	ssyncadd.s32 @p0 $0xFFFFE000;
	s17 =	sshra.s32 @p0 s16, $0x2  }
0xd6: {  	s26 =	simm.s32 @p0 $0x80;
	s15 =	simm.s32 @p0 $0x10000;
	s17 =	sadd.s32 @p0 $0x1B380, s17  }
0xd7: {  	[spmem:s3] =	stream.indirect.scatter.add.f32 @p0 [tilespmem:s15], [sflag:$0x8], $0x40, s17, s26, $0xb8;
	v63 =	vld [tilespmem:$0x0]  }
0xd8: {  	s15 =	simm.s32 @!p0 $0x6  }
0xd9: {  	_ =	swait.ge @!p0 [sflag:s15], $0x2000  }
0xda: {  	[sflag:s15] =	ssyncset.done @!p0 $0x0  }
0xdb: {  	[sflag:s15] =	ssyncadd.s32 @!p0 $0xFFFFE000;
	s15 =	sshra.s32 @!p0 s16, $0x2  }
0xdc: {  	s4 =	simm.s32 @!p0 $0xC000;
	s26 =	simm.s32 @!p0 $0x80;
	s17 =	sadd.s32 @!p0 $0x16500, s15  }
0xdd: {  	[tilespmem:s4], [sflag:$0x1] =	stream.indirect.gather @!p0 [hbm4b:s5+s26], $0x40, s17, s26, $0xb8;
	v63 =	vld [tilespmem:$0x0]  }
0xde: {  	s4 =	simm.s32 @!p0 $0x3  }
0xdf: {  	_ =	swait.ge @!p0 [sflag:s4], $0x2000  }
0xe0: {  	[sflag:s4] =	ssyncset.done @!p0 $0x0  }
0xe1: {  	s17 =	simm.s32 @!p0 $0x10000;
	[sflag:s4] =	ssyncadd.s32 @!p0 $0xFFFFE000;
	s4 =	sadd.s32 @!p0 $0x1B380, s15  }
0xe2: {  	[spmem:s3] =	stream.indirect.scatter.add.f32 @!p0 [tilespmem:s17], [sflag:$0x8], $0x40, s4, s26, $0xb8;
	v63 =	vld [tilespmem:$0x0]  }
0xe3: {  	s4 =	simm.s32 @!p0 $0x7  }
0xe4: {  	_ =	swait.ge @!p0 [sflag:s4], $0x2000  }
0xe5: {  	[sflag:s4] =	ssyncset.done @!p0 $0x0  }
0xe6: {  	[sflag:s4] =	ssyncadd.s32 @!p0 $0xFFFFE000;
	s4 =	sadd.s32 @!p0 $0x16580, s15;
	s15 =	simm.s32 @!p0 $0xE000  }
0xe7: {  	[tilespmem:s15], [sflag:$0x2] =	stream.indirect.gather @!p0 [hbm4b:s5+s26], $0x40, s4, s26, $0xb8;
	v63 =	vld [tilespmem:$0x0]  }
.Ltmp3:
0xe8: {  	_ = 	snop;
	(pc) =	sbr.rel @p0 .LBB2_6-.Ltmp3, $4  }
0xe9: {  	_ =	swait.ge [sflag:s23], $0x2000  }
0xea: {  	[sflag:s23] =	ssyncset.done $0x0  }
0xeb: {  	s26 =	sadd.s32 $0x1B400, s24;
	[sflag:s23] =	ssyncadd.s32 $0xFFFFE000  }
0xec: {  	[spmem:s3] =	stream.indirect.scatter.add.f32 [tilespmem:s7], [sflag:$0x9], $0x40, s26, s29, $0xb8;
	v63 =	vld [tilespmem:$0x0]  }
0xed: {  	_ =	swait.ge [sflag:s8], $0x2000  }
0xee: {  	[sflag:s8] =	ssyncset.done $0x0  }
0xef: {  	s4 =	sadd.s32 $0x16600, s24;
	[sflag:s8] =	ssyncadd.s32 $0xFFFFE000  }
0xf0: {  	[tilespmem:s1], [sflag:$0x3] =	stream.indirect.gather [hbm4b:s5+s29], $0x40, s4, s29, $0xb8;
	v63 =	vld [tilespmem:$0x0]  }
0xf1: {  	_ =	swait.ge [sflag:s14], $0x2000  }
0xf2: {  	[sflag:s14] =	ssyncset.done $0x0  }
0xf3: {  	s17 =	sadd.s32 $0x1B480, s24;
	[sflag:s14] =	ssyncadd.s32 $0xFFFFE000  }
0xf4: {  	[spmem:s3] =	stream.indirect.scatter.add.f32 [tilespmem:s9], [sflag:$0xA], $0x40, s17, s29, $0xb8;
	v63 =	vld [tilespmem:$0x0]  }
.Ltmp4:
0xf5: {  	_ = 	snop;
	(pc) =	sbr.rel .LBB2_4-.Ltmp4, $4  }
0xf6: {  	_ =	swait.ge [sflag:s2], $0x2000  }
0xf7: {  	[sflag:s2] =	ssyncset.done $0x0  }
0xf8: {  	s26 =	sadd.s32 $0x16680, s24;
	s16 =	sadd.s32 $0xA00, s16;
	[sflag:s2] =	ssyncadd.s32 $0xFFFFE000  }
0xf9: {  	[tilespmem:s7], [sflag:$0x4] =	stream.indirect.gather [hbm4b:s5+s29], $0x40, s26, s29, $0xb8;
	v63 =	vld [tilespmem:$0x0]  }
.LBB2_6:
0xfa: {  	_ =	swait.ge [sflag:s14], $0x2000  }
0xfb: {  	[sflag:s14] =	ssyncset.done $0x0  }
0xfc: {  	s4 =	simm.s32 $0x1FF80;
	[sflag:s14] =	ssyncadd.s32 $0xFFFFE000  }
0xfd: {  	[spmem:s3] =	stream.indirect.scatter.add.f32 [tilespmem:s9], [sflag:$0xA], $0x40, s4, s29, $0xb8;
	v63 =	vld [tilespmem:$0x0]  }
0xfe: {  	_ =	swait.ge [sflag:s13], $0x2000  }
0xff: {  	[sflag:s13] =	ssyncset.done $0x0  }
0x100: {  	[sflag:s13] =	ssyncadd.s32 $0xFFFFE000  }
0x101: {  	_ =	swait.ge [sflag:s31], $0x2000  }
0x102: {  	[sflag:s31] =	ssyncset.done $0x0  }
0x103: {  	[sflag:s31] =	ssyncadd.s32 $0xFFFFE000  }
0x104: {  	_ =	swait.ge [sflag:s8], $0x2000  }
0x105: {  	[sflag:s8] =	ssyncset.done $0x0  }
0x106: {  	[sflag:s8] =	ssyncadd.s32 $0xFFFFE000  }
0x107: {  	_ =	swait.ge [sflag:s2], $0x2000  }
0x108: {  	[sflag:s2] =	ssyncset.done $0x0  }
0x109: {  	[sflag:s2] =	ssyncadd.s32 $0xFFFFE000  }
0x10a: {  	_ =	swait.ge [sflag:s12], $0x2000  }
0x10b: {  	[sflag:s12] =	ssyncset.done $0x0  }
0x10c: {  	[sflag:s12] =	ssyncadd.s32 $0xFFFFE000  }
0x10d: {  	[bflag:$0x0] =	sbarrier.arrive $0xFFFF  }
0x10e: {  	[tilespmem:s28], [sflag:$0xB] =	stream.linear.gather [spmem:s18], $0x2000, $0x38;
	v63 =	vld [tilespmem:$0x0]  }
0x10f: {  	_ =	swait.ge [sflag:s25], $0x2000  }
0x110: {  	[sflag:s25] =	ssyncset.done $0x0  }
0x111: {  	s4 =	simm.s32 $0x0;
	s15 =	rddreg [dreg:$0x4];
	[sflag:s25] =	ssyncadd.s32 $0xFFFFE000  }
0x112: {  	[hbm4b:s15+s4] =	stream.linear.scatter [tilespmem:s28], [sflag:$0xB], $0x2000, $0x38;
	v63 =	vld [tilespmem:$0x0]  }
0x113: {  	_ =	swait.ge [sflag:s25], $0x2000  }
0x114: {  	[sflag:s25] =	ssyncset.done $0x0  }
0x115: {  	[sflag:s25] =	ssyncadd.s32 $0xFFFFE000  }
0x116: {  	[tilespmem:s28], [sflag:$0xB] =	stream.linear.gather [spmem:s19], $0x2000, $0x38;
	v63 =	vld [tilespmem:$0x0]  }
0x117: {  	_ =	swait.ge [sflag:s25], $0x2000  }
0x118: {  	[sflag:s25] =	ssyncset.done $0x0  }
0x119: {  	s26 =	rddreg [dreg:$0x5];
	[sflag:s25] =	ssyncadd.s32 $0xFFFFE000  }
0x11a: {  	[hbm4b:s26+s4] =	stream.linear.scatter [tilespmem:s28], [sflag:$0xB], $0x2000, $0x38;
	v63 =	vld [tilespmem:$0x0]  }
0x11b: {  	_ =	swait.ge [sflag:s25], $0x2000  }
0x11c: {  	[sflag:s25] =	ssyncset.done $0x0  }
0x11d: {  	[sflag:s25] =	ssyncadd.s32 $0xFFFFE000  }
0x11e: {  	[tilespmem:s28], [sflag:$0xB] =	stream.linear.gather [spmem:s20], $0x2000, $0x38;
	v63 =	vld [tilespmem:$0x0]  }
0x11f: {  	_ =	swait.ge [sflag:s25], $0x2000  }
0x120: {  	[sflag:s25] =	ssyncset.done $0x0  }
0x121: {  	s16 =	rddreg [dreg:$0x6];
	[sflag:s25] =	ssyncadd.s32 $0xFFFFE000  }
0x122: {  	[hbm4b:s16+s4] =	stream.linear.scatter [tilespmem:s28], [sflag:$0xB], $0x2000, $0x38;
	v63 =	vld [tilespmem:$0x0]  }
0x123: {  	_ =	swait.ge [sflag:s25], $0x2000  }
0x124: {  	[sflag:s25] =	ssyncset.done $0x0  }
0x125: {  	[sflag:s25] =	ssyncadd.s32 $0xFFFFE000  }
0x126: {  	[tilespmem:s28], [sflag:$0xB] =	stream.linear.gather [spmem:s21], $0x2000, $0x38;
	v63 =	vld [tilespmem:$0x0]  }
0x127: {  	_ =	swait.ge [sflag:s25], $0x2000  }
0x128: {  	[sflag:s25] =	ssyncset.done $0x0  }
0x129: {  	s17 =	rddreg [dreg:$0x7];
	[sflag:s25] =	ssyncadd.s32 $0xFFFFE000  }
0x12a: {  	[hbm4b:s17+s4] =	stream.linear.scatter [tilespmem:s28], [sflag:$0xB], $0x2000, $0x38;
	v63 =	vld [tilespmem:$0x0]  }
0x12b: {  	_ =	swait.ge [sflag:s25], $0x2000  }
0x12c: {  	[sflag:s25] =	ssyncset.done $0x0  }
0x12d: {  	[sflag:s25] =	ssyncadd.s32 $0xFFFFE000  }
0x12e: {  	[tilespmem:s28], [sflag:$0xB] =	stream.linear.gather [spmem:s22], $0x2000, $0x38;
	v63 =	vld [tilespmem:$0x0]  }
0x12f: {  	_ =	swait.ge [sflag:s25], $0x2000  }
0x130: {  	[sflag:s25] =	ssyncset.done $0x0  }
0x131: {  	s24 =	rddreg [dreg:$0x8];
	[sflag:s25] =	ssyncadd.s32 $0xFFFFE000  }
0x132: {  	[hbm4b:s24+s4] =	stream.linear.scatter [tilespmem:s28], [sflag:$0xB], $0x2000, $0x38;
	v63 =	vld [tilespmem:$0x0]  }
0x133: {  	_ =	swait.ge [sflag:s25], $0x2000  }
0x134: {  	[sflag:s25] =	ssyncset.done $0x0  }
0x135: {  	s17 =	simm.s32 $0x16000;
	s26 =	rddreg [dreg:$0xf];
	[sflag:s25] =	ssyncadd.s32 $0xFFFFE000  }
0x136: {  	[tilespmem:s17], [sflag:$0xB] =	stream.linear.gather [hbm4b:s26+s4], $0x5000, $0x38;
	v63 =	vld [tilespmem:$0x0]  }
0x137: {  	_ =	swait.ge [sflag:s25], $0x5000  }
0x138: {  	[sflag:s25] =	ssyncset.done $0x0  }
0x139: {  	s16 =	simm.s32 $0x0;
	[sflag:s25] =	ssyncadd.s32 $0xFFFFB000  }
0x13a: {  	v4 =	vld [tilespmem:s16+$0x16000]  }
0x13b: {  	v6 =	vld [tilespmem:s16+$0x16010]  }
0x13c: {  	v5 =	vld [tilespmem:s16+$0x16020]  }
0x13d: {  	v3 =	vld [tilespmem:s16+$0x16030]  }
0x13e: {  	v2 =	vld [tilespmem:s16+$0x16040]  }
0x13f: {  	v7 =	vadd.s32 v1, v4;
	v4 =	vld [tilespmem:s16+$0x16050]  }
0x140: {  	s24 =	simm.s32 $0x200;
	[tilespmem:s16+$0x16000] =	vst v7;
	v7 =	vadd.s32 v1, v6;
	v6 =	vld [tilespmem:s16+$0x16060]  }
.LBB2_7:
0x141: {  	s4 =	sshra.s32 s24, $0x2;
	p0 =	sne.s32 s24, $0x13E00;
	[tilespmem:s16+$0x16010] =	vst v7;
	v5 =	vadd.s32 v1, v5;
	v7 =	vld [tilespmem:s16+$0x16070]  }
0x142: {  	v8 =	vld [tilespmem:s4+$0x16000];
	[tilespmem:s16+$0x16020] =	vst v5;
	v3 =	vadd.s32 v1, v3  }
0x143: {  	v9 =	vld [tilespmem:s4+$0x16010];
	[tilespmem:s16+$0x16030] =	vst v3;
	v2 =	vadd.s32 v1, v2  }
.Ltmp5:
0x144: {  	v5 =	vld [tilespmem:s4+$0x16020];
	[tilespmem:s16+$0x16040] =	vst v2;
	v2 =	vadd.s32 v1, v4;
	(pc) =	sbr.rel @p0 .LBB2_7-.Ltmp5, $4  }
0x145: {  	v3 =	vld [tilespmem:s4+$0x16030];
	[tilespmem:s16+$0x16050] =	vst v2;
	v4 =	vadd.s32 v1, v6  }
0x146: {  	v2 =	vld [tilespmem:s4+$0x16040];
	[tilespmem:s16+$0x16060] =	vst v4;
	v6 =	vadd.s32 v1, v7  }
0x147: {  	v7 =	vadd.s32 v1, v8;
	v4 =	vld [tilespmem:s4+$0x16050];
	[tilespmem:s16+$0x16070] =	vst v6;
	s16 =	smov.u32 s4  }
0x148: {  	s24 =	sadd.s32 $0x200, s24;
	[tilespmem:s16+$0x16000] =	vst v7;
	v7 =	vadd.s32 v1, v9;
	v6 =	vld [tilespmem:s16+$0x16060]  }
0x149: {  	[tilespmem:s16+$0x16010] =	vst v7;
	v5 =	vadd.s32 v1, v5;
	v62 =	vld [tilespmem:s16+$0x16070]  }
0x14a: {  	[tilespmem:s16+$0x16020] =	vst v5;
	v3 =	vadd.s32 v1, v3  }
0x14b: {  	[tilespmem:s16+$0x16030] =	vst v3;
	v2 =	vadd.s32 v1, v2  }
0x14c: {  	[tilespmem:s16+$0x16040] =	vst v2;
	v2 =	vadd.s32 v1, v4  }
0x14d: {  	[tilespmem:s16+$0x16050] =	vst v2;
	v2 =	vadd.s32 v1, v6  }
0x14e: {  	[tilespmem:s16+$0x16060] =	vst v2;
	v2 =	vadd.s32 v1, v62  }
0x14f: {  	s4 =	rddreg [dreg:$0x1];
	[tilespmem:s16+$0x16070] =	vst v2;
	s16 =	simm.s32 $0x0  }
0x150: {  	[tilespmem:s28], [sflag:$0xB] =	stream.linear.gather [hbm4b:s4+s16], $0x2000, $0x38;
	v63 =	vld [tilespmem:$0x0]  }
0x151: {  	_ =	swait.ge [sflag:s25], $0x2000  }
0x152: {  	[sflag:s25] =	ssyncset.done $0x0  }
0x153: {  	[sflag:s25] =	ssyncadd.s32 $0xFFFFE000  }
0x154: {  	[spmem:s18] =	stream.linear.scatter [tilespmem:s28], [sflag:$0xB], $0x2000, $0x38;
	v63 =	vld [tilespmem:$0x0]  }
0x155: {  	_ =	swait.ge [sflag:s25], $0x2000  }
0x156: {  	[sflag:s25] =	ssyncset.done $0x0  }
0x157: {  	[sflag:s25] =	ssyncadd.s32 $0xFFFFE000  }
0x158: {  	[spmem:s19] =	stream.linear.scatter [tilespmem:s28], [sflag:$0xB], $0x2000, $0x38;
	v63 =	vld [tilespmem:$0x0]  }
0x159: {  	_ =	swait.ge [sflag:s25], $0x2000  }
0x15a: {  	[sflag:s25] =	ssyncset.done $0x0  }
0x15b: {  	[sflag:s25] =	ssyncadd.s32 $0xFFFFE000  }
0x15c: {  	[spmem:s20] =	stream.linear.scatter [tilespmem:s28], [sflag:$0xB], $0x2000, $0x38;
	v63 =	vld [tilespmem:$0x0]  }
0x15d: {  	_ =	swait.ge [sflag:s25], $0x2000  }
0x15e: {  	[sflag:s25] =	ssyncset.done $0x0  }
0x15f: {  	[sflag:s25] =	ssyncadd.s32 $0xFFFFE000  }
0x160: {  	[spmem:s21] =	stream.linear.scatter [tilespmem:s28], [sflag:$0xB], $0x2000, $0x38;
	v63 =	vld [tilespmem:$0x0]  }
0x161: {  	_ =	swait.ge [sflag:s25], $0x2000  }
0x162: {  	[sflag:s25] =	ssyncset.done $0x0  }
0x163: {  	[sflag:s25] =	ssyncadd.s32 $0xFFFFE000  }
0x164: {  	[spmem:s22] =	stream.linear.scatter [tilespmem:s28], [sflag:$0xB], $0x2000, $0x38;
	v63 =	vld [tilespmem:$0x0]  }
0x165: {  	_ =	swait.ge [sflag:s25], $0x2000  }
0x166: {  	[sflag:s25] =	ssyncset.done $0x0  }
0x167: {  	[sflag:s25] =	ssyncadd.s32 $0xFFFFE000  }
0x168: {  	[bflag:$0x0] =	sbarrier.arrive $0xFFFF  }
0x169: {  	[tilespmem:s30], [sflag:$0x1] =	stream.indirect.gather [hbm4b:s5+s29], $0x40, s17, s29, $0xb8;
	v63 =	vld [tilespmem:$0x0]  }
0x16a: {  	s24 =	simm.s32 $0x16080  }
0x16b: {  	[tilespmem:s0], [sflag:$0x2] =	stream.indirect.gather [hbm4b:s5+s29], $0x40, s24, s29, $0xb8;
	v63 =	vld [tilespmem:$0x0]  }
0x16c: {  	s26 =	simm.s32 $0x16100  }
0x16d: {  	[tilespmem:s1], [sflag:$0x3] =	stream.indirect.gather [hbm4b:s5+s29], $0x40, s26, s29, $0xb8;
	v63 =	vld [tilespmem:$0x0]  }
0x16e: {  	s15 =	simm.s32 $0x16180  }
0x16f: {  	[tilespmem:s7], [sflag:$0x4] =	stream.indirect.gather [hbm4b:s5+s29], $0x40, s15, s29, $0xb8;
	v63 =	vld [tilespmem:$0x0]  }
0x170: {  	s17 =	simm.s32 $0x16200  }
0x171: {  	[tilespmem:s9], [sflag:$0x5] =	stream.indirect.gather [hbm4b:s5+s29], $0x40, s17, s29, $0xb8;
	v63 =	vld [tilespmem:$0x0]  }
0x172: {  	_ =	swait.ge [sflag:s10], $0x2000  }
0x173: {  	[sflag:s10] =	ssyncset.done $0x0  }
0x174: {  	s24 =	simm.s32 $0x1B000;
	[sflag:s10] =	ssyncadd.s32 $0xFFFFE000  }
0x175: {  	[spmem:s3] =	stream.indirect.scatter.add.f32 [tilespmem:s30], [sflag:$0x6], $0x40, s24, s29, $0xb8;
	v63 =	vld [tilespmem:$0x0]  }
0x176: {  	_ =	swait.ge [sflag:s11], $0x2000  }
0x177: {  	[sflag:s11] =	ssyncset.done $0x0  }
0x178: {  	s26 =	simm.s32 $0x1B080;
	[sflag:s11] =	ssyncadd.s32 $0xFFFFE000  }
0x179: {  	[spmem:s3] =	stream.indirect.scatter.add.f32 [tilespmem:s0], [sflag:$0x7], $0x40, s26, s29, $0xb8;
	v63 =	vld [tilespmem:$0x0]  }
0x17a: {  	_ =	swait.ge [sflag:s13], $0x2000  }
0x17b: {  	[sflag:s13] =	ssyncset.done $0x0  }
0x17c: {  	s15 =	simm.s32 $0x16280;
	s17 =	simm.s32 $0x3;
	[sflag:s13] =	ssyncadd.s32 $0xFFFFE000  }
0x17d: {  	[tilespmem:s30], [sflag:$0x1] =	stream.indirect.gather [hbm4b:s5+s29], $0x40, s15, s29, $0xb8;
	v63 =	vld [tilespmem:$0x0]  }
0x17e: {  	_ =	swait.ge [sflag:s17], $0x2000  }
0x17f: {  	[sflag:s17] =	ssyncset.done $0x0  }
0x180: {  	s24 =	simm.s32 $0x1B100;
	[sflag:s17] =	ssyncadd.s32 $0xFFFFE000  }
0x181: {  	[spmem:s3] =	stream.indirect.scatter.add.f32 [tilespmem:s1], [sflag:$0x8], $0x40, s24, s29, $0xb8;
	v63 =	vld [tilespmem:$0x0]  }
0x182: {  	_ =	swait.ge [sflag:s31], $0x2000  }
0x183: {  	[sflag:s31] =	ssyncset.done $0x0  }
0x184: {  	s26 =	simm.s32 $0x16300;
	[sflag:s31] =	ssyncadd.s32 $0xFFFFE000  }
0x185: {  	[tilespmem:s0], [sflag:$0x2] =	stream.indirect.gather [hbm4b:s5+s29], $0x40, s26, s29, $0xb8;
	v63 =	vld [tilespmem:$0x0]  }
0x186: {  	_ =	swait.ge [sflag:s23], $0x2000  }
0x187: {  	[sflag:s23] =	ssyncset.done $0x0  }
0x188: {  	s15 =	simm.s32 $0x1B180;
	[sflag:s23] =	ssyncadd.s32 $0xFFFFE000  }
0x189: {  	[spmem:s3] =	stream.indirect.scatter.add.f32 [tilespmem:s7], [sflag:$0x9], $0x40, s15, s29, $0xb8;
	v63 =	vld [tilespmem:$0x0]  }
0x18a: {  	_ =	swait.ge [sflag:s8], $0x2000  }
0x18b: {  	[sflag:s8] =	ssyncset.done $0x0  }
0x18c: {  	s17 =	simm.s32 $0x16380;
	[sflag:s8] =	ssyncadd.s32 $0xFFFFE000  }
0x18d: {  	[tilespmem:s1], [sflag:$0x3] =	stream.indirect.gather [hbm4b:s5+s29], $0x40, s17, s29, $0xb8;
	v63 =	vld [tilespmem:$0x0]  }
0x18e: {  	_ =	swait.ge [sflag:s14], $0x2000  }
0x18f: {  	[sflag:s14] =	ssyncset.done $0x0  }
0x190: {  	s24 =	simm.s32 $0x1B200;
	[sflag:s14] =	ssyncadd.s32 $0xFFFFE000  }
0x191: {  	[spmem:s3] =	stream.indirect.scatter.add.f32 [tilespmem:s9], [sflag:$0xA], $0x40, s24, s29, $0xb8;
	v63 =	vld [tilespmem:$0x0]  }
0x192: {  	_ =	swait.ge [sflag:s2], $0x2000  }
0x193: {  	[sflag:s2] =	ssyncset.done $0x0  }
0x194: {  	s26 =	simm.s32 $0x16400;
	[sflag:s2] =	ssyncadd.s32 $0xFFFFE000  }
0x195: {  	[tilespmem:s7], [sflag:$0x4] =	stream.indirect.gather [hbm4b:s5+s29], $0x40, s26, s29, $0xb8;
	v63 =	vld [tilespmem:$0x0]  }
.LBB2_9:
0x196: {  	_ =	swait.ge [sflag:s10], $0x2000  }
0x197: {  	s24 =	sshra.s32 s16, $0x2;
	[sflag:s10] =	ssyncset.done $0x0  }
0x198: {  	s4 =	sadd.s32 $0x1B280, s24;
	[sflag:s10] =	ssyncadd.s32 $0xFFFFE000  }
0x199: {  	[spmem:s3] =	stream.indirect.scatter.add.f32 [tilespmem:s30], [sflag:$0x6], $0x40, s4, s29, $0xb8;
	v63 =	vld [tilespmem:$0x0]  }
0x19a: {  	_ =	swait.ge [sflag:s12], $0x2000  }
0x19b: {  	[sflag:s12] =	ssyncset.done $0x0  }
0x19c: {  	s15 =	sadd.s32 $0x16480, s24;
	[sflag:s12] =	ssyncadd.s32 $0xFFFFE000  }
0x19d: {  	[tilespmem:s9], [sflag:$0x5] =	stream.indirect.gather [hbm4b:s5+s29], $0x40, s15, s29, $0xb8;
	v63 =	vld [tilespmem:$0x0]  }
0x19e: {  	_ =	swait.ge [sflag:s11], $0x2000  }
0x19f: {  	p0 =	seq.s32 s16, $0x12C00;
	[sflag:s11] =	ssyncset.done $0x0  }
0x1a0: {  	s17 =	sadd.s32 $0x1B300, s24;
	s4 =	simm.s32 @p0 $0x3;
	[sflag:s11] =	ssyncadd.s32 $0xFFFFE000  }
0x1a1: {  	[spmem:s3] =	stream.indirect.scatter.add.f32 [tilespmem:s0], [sflag:$0x7], $0x40, s17, s29, $0xb8;
	v63 =	vld [tilespmem:$0x0]  }
0x1a2: {  	_ =	swait.ge @p0 [sflag:s4], $0x2000  }
0x1a3: {  	[sflag:s4] =	ssyncset.done @p0 $0x0  }
0x1a4: {  	[sflag:s4] =	ssyncadd.s32 @p0 $0xFFFFE000;
	s4 =	sshra.s32 @p0 s16, $0x2  }
0x1a5: {  	s15 =	simm.s32 @p0 $0x80;
	s17 =	simm.s32 @p0 $0x10000;
	s4 =	sadd.s32 @p0 $0x1B380, s4  }
0x1a6: {  	[spmem:s3] =	stream.indirect.scatter.add.f32 @p0 [tilespmem:s17], [sflag:$0x8], $0x40, s4, s15, $0xb8;
	v63 =	vld [tilespmem:$0x0]  }
0x1a7: {  	s4 =	simm.s32 @!p0 $0x6  }
0x1a8: {  	_ =	swait.ge @!p0 [sflag:s4], $0x2000  }
0x1a9: {  	[sflag:s4] =	ssyncset.done @!p0 $0x0  }
0x1aa: {  	[sflag:s4] =	ssyncadd.s32 @!p0 $0xFFFFE000;
	s4 =	sshra.s32 @!p0 s16, $0x2  }
0x1ab: {  	s26 =	simm.s32 @!p0 $0xC000;
	s17 =	simm.s32 @!p0 $0x80;
	s15 =	sadd.s32 @!p0 $0x16500, s4  }
0x1ac: {  	[tilespmem:s26], [sflag:$0x1] =	stream.indirect.gather @!p0 [hbm4b:s5+s17], $0x40, s15, s17, $0xb8;
	v63 =	vld [tilespmem:$0x0]  }
0x1ad: {  	s15 =	simm.s32 @!p0 $0x3  }
0x1ae: {  	_ =	swait.ge @!p0 [sflag:s15], $0x2000  }
0x1af: {  	[sflag:s15] =	ssyncset.done @!p0 $0x0  }
0x1b0: {  	s26 =	simm.s32 @!p0 $0x10000;
	[sflag:s15] =	ssyncadd.s32 @!p0 $0xFFFFE000;
	s15 =	sadd.s32 @!p0 $0x1B380, s4  }
0x1b1: {  	[spmem:s3] =	stream.indirect.scatter.add.f32 @!p0 [tilespmem:s26], [sflag:$0x8], $0x40, s15, s17, $0xb8;
	v63 =	vld [tilespmem:$0x0]  }
0x1b2: {  	s15 =	simm.s32 @!p0 $0x7  }
0x1b3: {  	_ =	swait.ge @!p0 [sflag:s15], $0x2000  }
0x1b4: {  	[sflag:s15] =	ssyncset.done @!p0 $0x0  }
0x1b5: {  	s4 =	sadd.s32 @!p0 $0x16580, s4;
	[sflag:s15] =	ssyncadd.s32 @!p0 $0xFFFFE000;
	s15 =	simm.s32 @!p0 $0xE000  }
0x1b6: {  	[tilespmem:s15], [sflag:$0x2] =	stream.indirect.gather @!p0 [hbm4b:s5+s17], $0x40, s4, s17, $0xb8;
	v63 =	vld [tilespmem:$0x0]  }
.Ltmp6:
0x1b7: {  	_ = 	snop;
	(pc) =	sbr.rel @p0 .LBB2_11-.Ltmp6, $4  }
0x1b8: {  	_ =	swait.ge [sflag:s23], $0x2000  }
0x1b9: {  	[sflag:s23] =	ssyncset.done $0x0  }
0x1ba: {  	s26 =	sadd.s32 $0x1B400, s24;
	[sflag:s23] =	ssyncadd.s32 $0xFFFFE000  }
0x1bb: {  	[spmem:s3] =	stream.indirect.scatter.add.f32 [tilespmem:s7], [sflag:$0x9], $0x40, s26, s29, $0xb8;
	v63 =	vld [tilespmem:$0x0]  }
0x1bc: {  	_ =	swait.ge [sflag:s8], $0x2000  }
0x1bd: {  	[sflag:s8] =	ssyncset.done $0x0  }
0x1be: {  	s4 =	sadd.s32 $0x16600, s24;
	[sflag:s8] =	ssyncadd.s32 $0xFFFFE000  }
0x1bf: {  	[tilespmem:s1], [sflag:$0x3] =	stream.indirect.gather [hbm4b:s5+s29], $0x40, s4, s29, $0xb8;
	v63 =	vld [tilespmem:$0x0]  }
0x1c0: {  	_ =	swait.ge [sflag:s14], $0x2000  }
0x1c1: {  	[sflag:s14] =	ssyncset.done $0x0  }
0x1c2: {  	s17 =	sadd.s32 $0x1B480, s24;
	[sflag:s14] =	ssyncadd.s32 $0xFFFFE000  }
0x1c3: {  	[spmem:s3] =	stream.indirect.scatter.add.f32 [tilespmem:s9], [sflag:$0xA], $0x40, s17, s29, $0xb8;
	v63 =	vld [tilespmem:$0x0]  }
.Ltmp7:
0x1c4: {  	_ = 	snop;
	(pc) =	sbr.rel .LBB2_9-.Ltmp7, $4  }
0x1c5: {  	_ =	swait.ge [sflag:s2], $0x2000  }
0x1c6: {  	[sflag:s2] =	ssyncset.done $0x0  }
0x1c7: {  	s26 =	sadd.s32 $0x16680, s24;
	s16 =	sadd.s32 $0xA00, s16;
	[sflag:s2] =	ssyncadd.s32 $0xFFFFE000  }
0x1c8: {  	[tilespmem:s7], [sflag:$0x4] =	stream.indirect.gather [hbm4b:s5+s29], $0x40, s26, s29, $0xb8;
	v63 =	vld [tilespmem:$0x0]  }
.LBB2_12:
0x1c9: {  	_ =	sfence.sel $0x180000  }
0x1ca: {  	[bflag:$0x0] =	sbarrier.arrive $0xFFFF  }
0x1cb: {  	_ =	strace $0x9000004A  }
0x1cc: {  	s0 =	stileid.u32;
	[bflag:$0x2] =	sbarrier.arrive $0xFFFF  }
0x1cd: {  	p0 =	sne.s32 s0, $0x0;
	s0 =	rddreg [dreg:$0x3]  }
0x1ce: {  	s0 =	sadd.s32 @!p0 $0x100000, s0  }
0x1cf: {  	[sflag:s0] =	ssyncadd.tile.s32 @!p0 $0x1;
	_ =	shalt  }
.Lfunc_end2:
_tile_overlayer_lowered:
.L_overlay_start_2:
0x1d0: {  	(tag) =	ssettag $0x2  }
0x1d1: {  	s0 =	rddreg [dreg:$0x0];
	s2 =	stileid.u32  }
0x1d2: {  	s1 =	rddreg [dreg:$0x1];
	p0 =	sne.s32 s2, $0x0  }
0x1d3: {  	s3 =	rddreg [dreg:$0x2];
	[bflag:$0x3] =	sbarrier.arrive $0xFFFF;
	s2 =	simm.s32 @!p0 $0x1C0B  }
0x1d4: {  	[timem:s3], [sflag:s2] =	dma.local @!p0 [hbm:s0], s1  }
0x1d5: {  	s0 =	simm.s32 @!p0 $0xB  }
0x1d6: {  	_ =	swait.ge @!p0 [sflag:s0], s1  }
0x1d7: {  	s1 =	ssub.s32 @!p0 $0x0, s1;
	[sflag:s0] =	ssyncset.done @!p0 $0x0  }
0x1d8: {  	[sflag:s0] =	ssyncadd.s32 @!p0 s1  }
0x1d9: {  	[bflag:$0x3] =	sbarrier.arrive $0xFFFF  }
0x1da: {  	_ =	shalt  }

// kernel: kernel.7.cloned.1.call-start
scs
__scs_entry_jumppad:
0x0: {  	(pc) =	sbr.rel $0x88, $3  }
0x1: {  	(tag) =	ssettag $0x0;
	lr =	simm.s32 $0x1  }
0x2: {  	[smem:$0x3F95] =	sst lr;
	_ =	strace $0xD0000000  }
0x3: {  	_ = 	snop  }
0x4: {  	_ = 	snop  }
0x5: {  	_ = 	snop  }
0x6: {  	_ = 	snop  }
0x7: {  	_ = 	snop  }
__scs_overlays_trampoline_lowered:
0x8: {  	[smem:$0x3FA4] =	sst s0  }
0x9: {  	[smem:$0x3FA5] =	sst s1  }
0xa: {  	[smem:$0x3FA6] =	sst s2  }
0xb: {  	[smem:$0x3FA7] =	sst s3  }
0xc: {  	[smem:$0x3FA8] =	sst s4  }
0xd: {  	[smem:$0x3FA9] =	sst s5  }
0xe: {  	[smem:$0x3FAA] =	sst s6  }
0xf: {  	[smem:$0x3FAB] =	sst s7  }
0x10: {  	[smem:$0x3FAC] =	sst s8  }
0x11: {  	[smem:$0x3FAD] =	sst s9;
	s0 =	simm.s32 @!p0 $0x0  }
0x12: {  	s1 =	sld [smem:$0x3F93];
	s0 =	simm.s32 @p0 $0x1  }
0x13: {  	[smem:$0x3FAE] =	sst s0;
	s0 =	simm.s32 @!p1 $0x0  }
0x14: {  	s2 =	sld [smem:$0x3F92];
	s0 =	simm.s32 @p1 $0x1  }
0x15: {  	[smem:$0x3FAF] =	sst s0;
	s0 =	simm.s32 @!p2 $0x0  }
0x16: {  	s3 =	sld [smem:$0x3FDB];
	s0 =	simm.s32 @p2 $0x1  }
0x17: {  	s4 =	simm.s32 $0x1BF5;
	[smem:$0x3FB1] =	sst s0  }
0x18: {  	s0 =	sld [smem:$0x3F94];
	_ =	swait.ge [sflag:s4], $0x0  }
0x19: {  	s7 =	sld [smem:$0x3F95]  }
0x1a: {  	s8 =	sadd.s32 $0xFFFFE003, lr  }
0x1b: {  	s9 =	sadd.s32 $0xFFFFFEF7, lr;
	s5 =	simm.s32 $0xFFFFFFFF;
	p2 =	slt.u32 s8, $0xFFFFF086  }
0x1c: {  	p1 =	slt.u32 s9, $0xF7A;
	s5 =	simm.s32 @!p2 $0x0  }
0x1d: {  	s5 =	simm.s32 @p1 $0x1;
	p0 =	seq.s32 s7, s2  }
0x1e: {  	s7 =	smul.u32 @!p0 $0xF7A, s2;
	p2 =	seq.s32 @!p0 s5, $0x0  }
0x1f: {  	s9 =	smul.u32 $0xF7A, s1;
	s8 =	simm.s32 @!p0 $0x1BF5;
	p2 =	por !p2, p0  }
0x20: {  	[sflag:s8] =	ssyncset.s32 @!p0 $0xFFFFF086;
	s6 =	sadd.s32 @!p0 s3, s7;
	s7 =	simm.s32 @!p0 $0x108  }
0x21: {  	s3 =	sadd.s32 s3, s9;
	s6 =	sadd.s32 @!p0 $0x88, s6;
	s7 =	simm.s32 @p2 $0x1082  }
0x22: {  	[simem:s7], [sflag:s8] =	dma.local @!p0 [hbm:s6], $0xF7A  }
0x23: {  	s9 =	sor.u32 $0xD0000000, s2;
	s6 =	simm.s32 $0x108;
	_ =	swait.ge @!p0 [sflag:s8], $0x0  }
0x24: {  	s3 =	sadd.s32 $0x88, s3;
	s6 =	simm.s32 @!p1 $0x1082;
	[sflag:s4] =	ssyncset.s32 $0xFFFFF086  }
0x25: {  	[simem:s6], [sflag:s4] =	dma.local [hbm:s3], $0xF7A  }
0x26: {  	[smem:$0x3F95] =	sst s1;
	(tag) =	ssettag s2;
	_ =	strace s9  }
0x27: {  	s1 =	sld [smem:$0x3FA5]  }
0x28: {  	s2 =	sld [smem:$0x3FA6]  }
0x29: {  	s4 =	sld [smem:$0x3FA8]  }
0x2a: {  	p0 =	seq.s32 s5, $0x0;
	s5 =	sld [smem:$0x3FA9]  }
0x2b: {  	s6 =	sld [smem:$0x3FAA]  }
0x2c: {  	s7 =	sld [smem:$0x3FAB]  }
0x2d: {  	s3 =	simm.s32 $0x108;
	s8 =	sld [smem:$0x3FAC]  }
0x2e: {  	s3 =	simm.s32 @!p0 $0x1082;
	s9 =	sld [smem:$0x3FAD]  }
0x2f: {  	lr =	sadd.s32 s0, s3;
	s0 =	sld [smem:$0x3FA4]  }
0x30: {  	s3 =	sld [smem:$0x3FA7]  }
0x31: {  	[smem:$0x3FB0] =	sst s10  }
0x32: {  	s10 =	sld [smem:$0x3FAE];
	_ =	sdelay $0x3  }
0x33: {  	p0 =	seq.s32 s10, $0x1;
	s10 =	sld [smem:$0x3FB0];
	_ =	sdelay $0x3  }
0x34: {  	[smem:$0x3FB0] =	sst s10  }
0x35: {  	s10 =	sld [smem:$0x3FAF];
	_ =	sdelay $0x3  }
0x36: {  	p1 =	seq.s32 s10, $0x1;
	s10 =	sld [smem:$0x3FB0];
	_ =	sdelay $0x3  }
0x37: {  	[smem:$0x3FB0] =	sst s10  }
0x38: {  	s10 =	sld [smem:$0x3FB1]  }
0x39: {  	_ = 	snop;
	(pc) =	sbr.ind lr, $3  }
0x3a: {  	_ = 	snop  }
0x3b: {  	_ = 	snop  }
0x3c: {  	p2 =	seq.s32 s10, $0x1;
	s10 =	sld [smem:$0x3FB0]  }
0x3d: {  	_ =	shalt  }
0x3e: {  	_ =	shalt  }
0x3f: {  	_ =	shalt  }
0x40: {  	_ =	shalt  }
0x41: {  	_ =	shalt  }
0x42: {  	_ =	shalt  }
0x43: {  	_ =	shalt  }
0x44: {  	_ =	shalt  }
0x45: {  	_ =	shalt  }
0x46: {  	_ =	shalt  }
0x47: {  	_ =	shalt  }
0x48: {  	_ =	shalt  }
0x49: {  	_ =	shalt  }
0x4a: {  	_ =	shalt  }
0x4b: {  	_ =	shalt  }
0x4c: {  	_ =	shalt  }
0x4d: {  	_ =	shalt  }
0x4e: {  	_ =	shalt  }
0x4f: {  	_ =	shalt  }
0x50: {  	_ =	shalt  }
0x51: {  	_ =	shalt  }
0x52: {  	_ =	shalt  }
0x53: {  	_ =	shalt  }
0x54: {  	_ =	shalt  }
0x55: {  	_ =	shalt  }
0x56: {  	_ =	shalt  }
0x57: {  	_ =	shalt  }
0x58: {  	_ =	shalt  }
0x59: {  	_ =	shalt  }
0x5a: {  	_ =	shalt  }
0x5b: {  	_ =	shalt  }
0x5c: {  	_ =	shalt  }
0x5d: {  	_ =	shalt  }
0x5e: {  	_ =	shalt  }
0x5f: {  	_ =	shalt  }
0x60: {  	_ =	shalt  }
0x61: {  	_ =	shalt  }
0x62: {  	_ =	shalt  }
0x63: {  	_ =	shalt  }
0x64: {  	_ =	shalt  }
0x65: {  	_ =	shalt  }
0x66: {  	_ =	shalt  }
0x67: {  	_ =	shalt  }
0x68: {  	_ =	shalt  }
0x69: {  	_ =	shalt  }
0x6a: {  	_ =	shalt  }
0x6b: {  	_ =	shalt  }
0x6c: {  	_ =	shalt  }
0x6d: {  	_ =	shalt  }
0x6e: {  	_ =	shalt  }
0x6f: {  	_ =	shalt  }
0x70: {  	_ =	shalt  }
0x71: {  	_ =	shalt  }
0x72: {  	_ =	shalt  }
0x73: {  	_ =	shalt  }
0x74: {  	_ =	shalt  }
0x75: {  	_ =	shalt  }
0x76: {  	_ =	shalt  }
0x77: {  	_ =	shalt  }
0x78: {  	_ =	shalt  }
0x79: {  	_ =	shalt  }
0x7a: {  	_ =	shalt  }
0x7b: {  	_ =	shalt  }
0x7c: {  	_ =	shalt  }
0x7d: {  	_ =	shalt  }
0x7e: {  	_ =	shalt  }
0x7f: {  	_ =	shalt  }
0x80: {  	_ =	shalt  }
0x81: {  	_ =	shalt  }
0x82: {  	_ =	shalt  }
0x83: {  	_ =	shalt  }
0x84: {  	_ =	shalt  }
0x85: {  	_ =	shalt  }
0x86: {  	_ =	shalt  }
0x87: {  	_ =	shalt  }
.Lfunc_end0:
.L_simem_size_0:
called_computation_lowered:
.L_overlay_start_0:
0x88: {  	s2 =	sld [smem:$0x3FD9]  }
0x89: {  	s3 =	sld [smem:$0x3FFE];
	_ =	sdelay $0x1  }
0x8a: {  	s1 =	srdreg.scid  }
0x8b: {  	s0 =	sand.u32 $0x1, s1  }
0x8c: {  	s17 =	sshll.u32 s0, $0xA;
	s2 =	sadd.s32 s3, s2  }
0x8d: {  	s2 =	sadd.s32 s2, s17  }
0x8e: {  	[smem:$0x3FBC] =	sst s2  }
0x8f: {  	_ = 	snop  }
0x90: {  	s2 =	sld [smem:$0x3FD0];
	(tm) =	ssettm $0x1  }
0x91: {  	s18 =	sld [smem:$0x3FFB];
	_ =	sdelay $0x3  }
0x92: {  	_ =	strace s18  }
0x93: {  	s3 =	sld [smem:$0x3FFC];
	_ =	sdelay $0x3  }
0x94: {  	_ =	strace s3  }
0x95: {  	s3 =	sld [smem:$0x3FFD];
	_ =	sdelay $0x3  }
0x96: {  	_ =	strace s3  }
0x97: {  	_ =	strace $0x8FFFFFFF  }
0x98: {  	s19 =	sld [smem:$0x3FDB];
	_ =	sdelay $0x1  }
0x99: {  	s4 =	simm.s32 $_scs_section_size  }
0x9a: {  	s5 =	simm.s32 $_size__tile_overlayer_lowered;
	s6 =	simm.s32 $_tile_overlayer_lowered  }
0x9b: {  	s22 =	simm.s32 $0x1BFF;
	s21 =	sshll.u32 s6, $0x1;
	s3 =	sadd.s32 s4, s19  }
0x9c: {  	s7 =	simm.s32 $0x0;
	s20 =	sshll.u32 s5, $0x1;
	s5 =	sadd.s32 s21, s3  }
0x9d: {  	[timem:s7], [sflag:s22] =	dma.local [hbm:s5], s20  }
0x9e: {  	_ =	swait.ge [sflag:s22], s20  }
0x9f: {  	s4 =	ssub.s32 $0x0, s20;
	[sflag:s22] =	ssyncset.done $0x0  }
0xa0: {  	[sflag:s22] =	ssyncadd.s32 s4;
	_ =	sdelay $0x1  }
0xa1: {  	s23 =	simm.s32 $0x1B8B  }
0xa2: {  	_ =	swait.ge [sflag:s23], $0x1  }
0xa3: {  	[sflag:s23] =	ssyncset.done $0x0  }
0xa4: {  	s25 =	simm.s32 $0x1B8E;
	s24 =	sld [smem:$0x3FFE];
	[sflag:s23] =	ssyncadd.s32 $0xFFFFFFFF  }
0xa5: {  	s26 =	simm.s32 $execute0_lowered;
	[smem:$0x3FD2] =	sst s25  }
0xa6: {  	s5 =	sshll.u32 s26, $0x1;
	_ =	strace $0x80000046;
	[dreg:$0x1] =	wrdreg $0xFFFFFFFF  }
0xa7: {  	s28 =	simm.s32 $_size_execute0_lowered;
	s3 =	sadd.s32 s3, s5;
	[dreg:$0x0] =	wrdreg $0x0  }
0xa8: {  	s5 =	sshll.u32 s28, $0x1;
	[dreg:$0x2] =	wrdreg s3  }
0xa9: {  	[dreg:$0x3] =	wrdreg s5  }
0xaa: {  	[dreg:$0x4] =	wrdreg $0xC0  }
0xab: {  	_ =	task [dreg:s7], $0x5FFFF  }
0xac: {  	[dreg:$0x1] =	wrdreg $0xFFFFFFFF  }
0xad: {  	[dreg:$0x0] =	wrdreg $0x60  }
0xae: {  	[dreg:$0x2] =	wrdreg s24  }
0xaf: {  	[dreg:$0x3] =	wrdreg s2  }
0xb0: {  	[dreg:$0x4] =	wrdreg $0x0  }
0xb1: {  	[dreg:$0x5] =	wrdreg $0x9  }
0xb2: {  	_ =	task.clear_ibuf [dreg:s7], $0x6FFFF;
	_ =	strace $0x90000046  }
0xb3: {  	s29 =	simm.s32 $0x9;
	_ =	strace $0x80000048  }
0xb4: {  	_ =	swait.ge [sflag:s29], $0x1  }
0xb5: {  	[sflag:s29] =	ssyncadd.s32 $0xFFFFFFFF  }
0xb6: {  	_ =	strace $0x90000048  }
0xb7: {  	_ =	sfence  }
0xb8: {  	s30 =	sld [smem:$0x0];
	_ =	sdelay $0x2  }
0xb9: {  	s31 =	sshll.u32 s1, $0xD;
	s1 =	sshrl.u32 s1, $0x2  }
0xba: {  	s3 =	sand.u32 $0x4000, s31;
	s1 =	sadd.s32 s1, s30  }
0xbb: {  	s0 =	sor.u32 s3, s0;
	s1 =	sshll.u32 s1, $0x11  }
0xbc: {  	s0 =	sor.u32 s1, s0  }
0xbd: {  	s0 =	sadd.s32 $0x8F2B, s0  }
0xbe: {  	[sflag:s0] =	ssyncadd.remote.s32 $0x1  }
0xbf: {  	_ =	sfence.sel $0xFFFF  }
0xc0: {  	[dreg:$0x0] =	wrdreg $0xFFFFFFFF;
	(pc) =	sbr.abs _section_cstart, $3  }
0xc1: {  	[dreg:$0x1] =	wrdreg $0xFFFFFFFF  }
0xc2: {  	_ =	task.clear_ibuf [dreg:s7], $0x2FFFF;
	_ =	strace $0x9FFFFFFF  }
0xc3: {  	(tm) =	ssettm $0x7FFFFFFF  }
tec
execute0_lowered:
.L_overlay_start_1:
0x0: {  	(tag) =	ssettag $0x1  }
0x1: {  	s6 =	rddreg [dreg:$0x0]  }
0x2: {  	s2 =	rddreg [dreg:$0x1]  }
0x3: {  	s0 =	srdreg.scid;
	s3 =	rddreg [dreg:$0x2]  }
0x4: {  	s1 =	stileid.u32;
	s4 =	simm.s32 $0x0;
	s11 =	simm.s32 $0x2  }
0x5: {  	s12 =	simm.s32 $0x5000;
	s13 =	simm.s32 $0x2800;
	s14 =	simm.s32 $0x80  }
0x6: {  	s15 =	simm.s32 $0x1;
	s16 =	simm.s32 $0x0;
	s5 =	sand.u32 $0x1, s0  }
0x7: {  	s0 =	rddreg [dreg:$0x3];
	s8 =	smul.u32 $0x2800, s1;
	s7 =	sshll.u32 s5, $0x4  }
0x8: {  	[smem:$0x7FF] =	sst s4;
	s9 =	smul.u32 $0x28000, s5;
	s7 =	sor.u32 s1, s7  }
0x9: {  	_ =	strace $0x80000047;
	s10 =	ssub.s32 $0x2, s5;
	s7 =	smul.u32 $0x500, s7  }
0xa: {  	s5 =	sadd.s32 $0xBE00, s6;
	s31 =	sshrl.u32 s10, $0x1;
	s9 =	sadd.s32 s8, s9  }
0xb: {  	s10 =	ssub.s32 s10, s31;
	s9 =	sshrl.u32 s9, $0x3;
	s7 =	sadd.s32 s7, s6  }
0xc: {  	s9 =	sadd.s32 s9, s6;
	s6 =	sadd.s32 $0x1E00, s7;
	s7 =	sadd.s32 s8, s3  }
0xd: {  	s8 =	sadd.s32 $0xC000, s9;
	s9 =	smax.u32 s10, $0x1;
	s10 =	simm.s32 $0x5800  }
.LBB2_1:
0xe: {  	[tilespmem:s10], [sflag:$0x2] =	stream.linear.gather [hbm4b:s6+s4], $0x2800, $0x38;
	[tilespmem:$0x8000] =	vst v63  }
0xf: {  	_ =	swait.ge [sflag:s11], $0x2800  }
0x10: {  	[sflag:s11] =	ssyncset.done $0x0  }
0x11: {  	[sflag:s11] =	ssyncadd.s32 $0xFFFFD800  }
0x12: {  	[tilespmem:s12], [sflag:$0x2] =	stream.linear.gather [hbm4b:s5+s4], $0x800, $0x38;
	[tilespmem:$0x8000] =	vst v63  }
0x13: {  	_ =	swait.ge [sflag:s11], $0x800  }
0x14: {  	[sflag:s11] =	ssyncset.done $0x0  }
0x15: {  	[sflag:s11] =	ssyncadd.s32 $0xFFFFF800  }
0x16: {  	[tilespmem:s13], [sflag:$0x2] =	stream.linear.gather [hbm4b:s2+s4], $0x2800, $0x38;
	[tilespmem:$0x8000] =	vst v63  }
0x17: {  	_ =	swait.ge [sflag:s11], $0x2800  }
0x18: {  	[sflag:s11] =	ssyncset.done $0x0  }
0x19: {  	[sflag:s11] =	ssyncadd.s32 $0xFFFFD800  }
0x1a: {  	[spmem:s7] =	stream.linear.scatter [tilespmem:s13], [sflag:$0x2], $0x2800, $0x38;
	[tilespmem:$0x8000] =	vst v63  }
0x1b: {  	_ =	swait.ge [sflag:s11], $0x2800  }
0x1c: {  	[sflag:s11] =	ssyncset.done $0x0  }
0x1d: {  	[sflag:s11] =	ssyncadd.s32 $0xFFFFD800  }
0x1e: {  	s17 =	simm.s32 $0x5800;
	[bflag:$0x0] =	sbarrier.arrive $0xFFFF  }
0x1f: {  	[spmem:s3] =	stream.indirect.scatter.add.f32 [tilespmem:s12], [sflag:$0x1], $0x10, s17, s14, $0xb8;
	[tilespmem:$0x8000] =	vst v63  }
0x20: {  	s28 =	simm.s32 $0x5880  }
0x21: {  	[spmem:s3] =	stream.indirect.scatter.add.f32 [tilespmem:s12], [sflag:$0x1], $0x10, s28, s14, $0xb8;
	[tilespmem:$0x8000] =	vst v63  }
0x22: {  	s29 =	simm.s32 $0x5900  }
0x23: {  	[spmem:s3] =	stream.indirect.scatter.add.f32 [tilespmem:s12], [sflag:$0x1], $0x10, s29, s14, $0xb8;
	[tilespmem:$0x8000] =	vst v63  }
0x24: {  	s30 =	simm.s32 $0x5980  }
0x25: {  	[spmem:s3] =	stream.indirect.scatter.add.f32 [tilespmem:s12], [sflag:$0x1], $0x10, s30, s14, $0xb8;
	[tilespmem:$0x8000] =	vst v63  }
0x26: {  	s31 =	simm.s32 $0x5A00  }
0x27: {  	[spmem:s3] =	stream.indirect.scatter.add.f32 [tilespmem:s12], [sflag:$0x1], $0x10, s31, s14, $0xb8;
	[tilespmem:$0x8000] =	vst v63  }
0x28: {  	_ =	swait.ge [sflag:s15], $0x800  }
0x29: {  	[sflag:s15] =	ssyncset.done $0x0  }
0x2a: {  	[sflag:s15] =	ssyncadd.s32 $0xFFFFF800  }
0x2b: {  	_ =	swait.ge [sflag:s15], $0x800  }
0x2c: {  	[sflag:s15] =	ssyncset.done $0x0  }
0x2d: {  	[sflag:s15] =	ssyncadd.s32 $0xFFFFF800  }
0x2e: {  	_ =	swait.ge [sflag:s15], $0x800  }
0x2f: {  	[sflag:s15] =	ssyncset.done $0x0  }
0x30: {  	[sflag:s15] =	ssyncadd.s32 $0xFFFFF800  }
0x31: {  	_ =	swait.ge [sflag:s15], $0x800  }
0x32: {  	[sflag:s15] =	ssyncset.done $0x0  }
0x33: {  	[sflag:s15] =	ssyncadd.s32 $0xFFFFF800  }
0x34: {  	_ =	swait.ge [sflag:s15], $0x800  }
0x35: {  	s18 =	simm.s32 $0x1400;
	s17 =	simm.s32 $0x280;
	[sflag:s15] =	ssyncset.done $0x0  }
.LBB2_2:
0x36: {  	s19 =	sadd.s32 $0x5800, s17  }
0x37: {  	[sflag:s15] =	ssyncadd.s32 $0xFFFFF800;
	s20 =	smov.u32 s18;
	s21 =	sadd.s32 $0xA00, s18  }
0x38: {  	[spmem:s3] =	stream.indirect.scatter.add.f32 [tilespmem:s12], [sflag:$0x1], $0x10, s19, s14, $0xb8;
	[tilespmem:$0x8000] =	vst v63  }
0x39: {  	p0 =	sne.s32 s18, $0x9600;
	s18 =	sadd.s32 $0x5880, s17  }
0x3a: {  	[spmem:s3] =	stream.indirect.scatter.add.f32 [tilespmem:s12], [sflag:$0x1], $0x10, s18, s14, $0xb8;
	[tilespmem:$0x8000] =	vst v63  }
0x3b: {  	s18 =	sadd.s32 $0x5900, s17  }
0x3c: {  	[spmem:s3] =	stream.indirect.scatter.add.f32 [tilespmem:s12], [sflag:$0x1], $0x10, s18, s14, $0xb8;
	[tilespmem:$0x8000] =	vst v63  }
0x3d: {  	s18 =	sadd.s32 $0x5980, s17  }
0x3e: {  	[spmem:s3] =	stream.indirect.scatter.add.f32 [tilespmem:s12], [sflag:$0x1], $0x10, s18, s14, $0xb8;
	[tilespmem:$0x8000] =	vst v63  }
0x3f: {  	s17 =	sadd.s32 $0x5A00, s17  }
0x40: {  	[spmem:s3] =	stream.indirect.scatter.add.f32 [tilespmem:s12], [sflag:$0x1], $0x10, s17, s14, $0xb8;
	[tilespmem:$0x8000] =	vst v63  }
0x41: {  	_ =	swait.ge [sflag:s15], $0x800  }
0x42: {  	[sflag:s15] =	ssyncset.done $0x0  }
0x43: {  	[sflag:s15] =	ssyncadd.s32 $0xFFFFF800  }
0x44: {  	_ =	swait.ge [sflag:s15], $0x800  }
0x45: {  	[sflag:s15] =	ssyncset.done $0x0  }
0x46: {  	[sflag:s15] =	ssyncadd.s32 $0xFFFFF800  }
0x47: {  	_ =	swait.ge [sflag:s15], $0x800  }
0x48: {  	[sflag:s15] =	ssyncset.done $0x0  }
0x49: {  	[sflag:s15] =	ssyncadd.s32 $0xFFFFF800  }
.Ltmp0:
0x4a: {  	_ =	swait.ge [sflag:s15], $0x800;
	(pc) =	sbr.rel @p0 .LBB2_2-.Ltmp0, $4  }
0x4b: {  	[sflag:s15] =	ssyncset.done $0x0  }
0x4c: {  	[sflag:s15] =	ssyncadd.s32 $0xFFFFF800  }
0x4d: {  	_ =	swait.ge [sflag:s15], $0x800  }
0x4e: {  	s18 =	smov.u32 s21;
	s17 =	sshra.s32 s20, $0x2;
	[sflag:s15] =	ssyncset.done $0x0  }
0x4f: {  	s18 =	sadd.s32 $0x5800, s17;
	[sflag:s15] =	ssyncadd.s32 $0xFFFFF800  }
0x50: {  	[spmem:s3] =	stream.indirect.scatter.add.f32 [tilespmem:s12], [sflag:$0x1], $0x10, s18, s14, $0xb8;
	[tilespmem:$0x8000] =	vst v63  }
0x51: {  	s28 =	sadd.s32 $0x5880, s17  }
0x52: {  	[spmem:s3] =	stream.indirect.scatter.add.f32 [tilespmem:s12], [sflag:$0x1], $0x10, s28, s14, $0xb8;
	[tilespmem:$0x8000] =	vst v63  }
0x53: {  	s29 =	sadd.s32 $0x5900, s17  }
0x54: {  	[spmem:s3] =	stream.indirect.scatter.add.f32 [tilespmem:s12], [sflag:$0x1], $0x10, s29, s14, $0xb8;
	[tilespmem:$0x8000] =	vst v63  }
0x55: {  	s30 =	sadd.s32 $0x5980, s17  }
0x56: {  	[spmem:s3] =	stream.indirect.scatter.add.f32 [tilespmem:s12], [sflag:$0x1], $0x10, s30, s14, $0xb8;
	[tilespmem:$0x8000] =	vst v63  }
0x57: {  	s31 =	sadd.s32 $0x5A00, s17  }
0x58: {  	[spmem:s3] =	stream.indirect.scatter.add.f32 [tilespmem:s12], [sflag:$0x1], $0x10, s31, s14, $0xb8;
	[tilespmem:$0x8000] =	vst v63  }
0x59: {  	_ =	swait.ge [sflag:s15], $0x800  }
0x5a: {  	[sflag:s15] =	ssyncset.done $0x0  }
0x5b: {  	[sflag:s15] =	ssyncadd.s32 $0xFFFFF800  }
0x5c: {  	_ =	swait.ge [sflag:s15], $0x800  }
0x5d: {  	[sflag:s15] =	ssyncset.done $0x0  }
0x5e: {  	[sflag:s15] =	ssyncadd.s32 $0xFFFFF800  }
0x5f: {  	_ =	swait.ge [sflag:s15], $0x800  }
0x60: {  	[sflag:s15] =	ssyncset.done $0x0  }
0x61: {  	[sflag:s15] =	ssyncadd.s32 $0xFFFFF800  }
0x62: {  	_ =	swait.ge [sflag:s15], $0x800  }
0x63: {  	[sflag:s15] =	ssyncset.done $0x0  }
0x64: {  	[sflag:s15] =	ssyncadd.s32 $0xFFFFF800  }
0x65: {  	_ =	swait.ge [sflag:s15], $0x800  }
0x66: {  	[sflag:s15] =	ssyncset.done $0x0  }
0x67: {  	[sflag:s15] =	ssyncadd.s32 $0xFFFFF800  }
0x68: {  	[bflag:$0x0] =	sbarrier.arrive $0xFFFF  }
0x69: {  	[tilespmem:s13], [sflag:$0x2] =	stream.linear.gather [spmem:s7], $0x2800, $0x38;
	[tilespmem:$0x8000] =	vst v63  }
0x6a: {  	s16 =	sadd.s32 $0x1, s16;
	_ =	swait.ge [sflag:s11], $0x2800  }
0x6b: {  	p0 =	sne.s32 s16, s9;
	[sflag:s11] =	ssyncset.done $0x0  }
.Ltmp1:
0x6c: {  	[sflag:s11] =	ssyncadd.s32 $0xFFFFD800;
	(pc) =	sbr.rel @p0 .LBB2_1-.Ltmp1, $4  }
0x6d: {  	[hbm4b:s8+s4] =	stream.linear.scatter [tilespmem:s13], [sflag:$0x2], $0x2800, $0x38;
	[tilespmem:$0x8000] =	vst v63  }
0x6e: {  	_ =	swait.ge [sflag:s11], $0x2800  }
0x6f: {  	[sflag:s11] =	ssyncset.done $0x0  }
0x70: {  	[sflag:s11] =	ssyncadd.s32 $0xFFFFD800  }
0x71: {  	_ =	sfence.sel $0x180000  }
0x72: {  	[bflag:$0x0] =	sbarrier.arrive $0xFFFF  }
0x73: {  	p0 =	sne.s32 s1, $0x0;
	_ =	strace $0x90000047  }
0x74: {  	s0 =	sadd.s32 @!p0 $0x100000, s0;
	[bflag:$0x2] =	sbarrier.arrive $0xFFFF  }
0x75: {  	[sflag:s0] =	ssyncadd.tile.s32 @!p0 $0x1;
	_ =	shalt  }
.Lfunc_end2:
_tile_overlayer_lowered:
.L_overlay_start_2:
0x76: {  	(tag) =	ssettag $0x2  }
0x77: {  	s0 =	rddreg [dreg:$0x0];
	s2 =	stileid.u32  }
0x78: {  	s1 =	rddreg [dreg:$0x1];
	p0 =	sne.s32 s2, $0x0  }
0x79: {  	s3 =	rddreg [dreg:$0x2];
	[bflag:$0x3] =	sbarrier.arrive $0xFFFF;
	s2 =	simm.s32 @!p0 $0x1C02  }
0x7a: {  	[timem:s3], [sflag:s2] =	dma.local @!p0 [hbm:s0], s1  }
0x7b: {  	s0 =	simm.s32 @!p0 $0x2  }
0x7c: {  	_ =	swait.ge @!p0 [sflag:s0], s1  }
0x7d: {  	s1 =	ssub.s32 @!p0 $0x0, s1;
	[sflag:s0] =	ssyncset.done @!p0 $0x0  }
0x7e: {  	[sflag:s0] =	ssyncadd.s32 @!p0 s1  }
0x7f: {  	[bflag:$0x3] =	sbarrier.arrive $0xFFFF  }
0x80: {  	_ =	shalt  }

</sc_bundles>
